<compile_context>
chip_gen: v7x
topology: tpu7x:2x2x1
jax: 0.10.2.dev20260603
libtpu: 0.0.44.dev20260713+nightly
codegen_flags: <defaults>
</compile_context>

<pallas_src>
import functools

import jax
import jax.numpy as jnp
import numpy as np
from jax import lax
from jax.experimental import pallas as pl
from jax.experimental.pallas import tpu as pltpu
from jax.experimental.pallas import tpu_sc as plsc

NN = 524288
FEAT = 32
H, W = 128, 64
NROWS = H * W

NC, NS, L = 2, 16, 16
NWORK = NC * NS
CH = 512
GB = 128
NB = CH // GB
PER_W = NN // NWORK
CHUNKS = PER_W // CH

SCALE = float(np.float32(2.0) / (np.float32(-1.3) - np.float32(1.3)))
TS = float(np.float32(1.0 / 128.0))


def _indices(pv, tv):
    x = (tv + 1.0) * 0.5 * float(W - 1)
    ix = jnp.minimum(jnp.maximum((x + 0.5).astype(jnp.int32), 0), W - 1)
    p = (pv - 1.3) * SCALE - 1.0
    y = (p + 1.0) * 0.5 * float(H - 1)
    iy = jnp.minimum(jnp.maximum((y + 0.5).astype(jnp.int32), 0), H - 1)
    return iy * W + ix


def _sc_sample(ptsT, tab0, tab1, tab2):
    mesh = plsc.VectorSubcoreMesh(core_axis_name="c", subcore_axis_name="s")
    out_t = jax.ShapeDtypeStruct((NN, FEAT), jnp.float32)
    cbuf_t = pltpu.VMEM((4, CH), jnp.float32)
    ibuf_t = pltpu.VMEM((NB, GB), jnp.int32)
    rbuf_t = pltpu.VMEM((CH, FEAT), jnp.float32)

    @functools.partial(
        pl.kernel,
        out_type=[out_t, out_t],
        mesh=mesh,
        compiler_params=pltpu.CompilerParams(
            use_tc_tiling_on_sc=False, needs_layout_passes=False),
        scratch_types=[
            [cbuf_t, cbuf_t],
            [[ibuf_t] * 3, [ibuf_t] * 3],
            [[rbuf_t] * 3, [rbuf_t] * 3],
            pltpu.VMEM((4, L), jnp.float32),
            pltpu.VMEM((3, L), jnp.int32),
            pltpu.VMEM((3, L, FEAT), jnp.float32),
            pltpu.VMEM((FEAT,), jnp.float32),
            pltpu.VMEM((FEAT,), jnp.float32),
            [pltpu.SemaphoreType.DMA] * 2,
            [pltpu.SemaphoreType.DMA] * 2,
        ],
    )
    def body(ptsT_h, t0_h, t1_h, t2_h, outA, outB,
             cbufs, ibufs, rbufs, pbuf, fibuf, frbuf, fabuf, fbbuf,
             sem_g, sem_o):
        wid = lax.axis_index("s") * NC + lax.axis_index("c")
        wbase = wid * PER_W
        tabs = (t0_h, t1_h, t2_h)

        def load_coords(c, p):
            pltpu.sync_copy(ptsT_h.at[:, pl.ds(wbase + c * CH, CH)], cbufs[p])

        def gen_idx(p):
            cb = cbufs[p]
            ibs = ibufs[p]

            def idx_block(b, _):
                def idx_group(u, _):
                    o = b * GB + u * L
                    col = u * L
                    tv = cb[3, pl.ds(o, L)] * 2.0 - 1.0
                    ibs[0][b, pl.ds(col, L)] = _indices(cb[0, pl.ds(o, L)], tv)
                    ibs[1][b, pl.ds(col, L)] = _indices(cb[1, pl.ds(o, L)], tv)
                    ibs[2][b, pl.ds(col, L)] = _indices(cb[2, pl.ds(o, L)], tv)
                    return 0
                return lax.fori_loop(0, GB // L, idx_group, 0)
            lax.fori_loop(0, NB, idx_block, 0)

        def fire_gathers(p):
            for b in range(NB):
                dst = pl.ds(b * GB, GB)
                for t in range(3):
                    pltpu.async_copy(
                        tabs[t].at[ibufs[p][t].at[b]], rbufs[p][t].at[dst],
                        sem_g[p])

        def drain_gathers(p):
            for b in range(NB):
                dst = pl.ds(b * GB, GB)
                for t in range(3):
                    pltpu.make_async_copy(
                        tabs[t].at[ibufs[p][t].at[b]], rbufs[p][t].at[dst],
                        sem_g[p]).wait()

        def multiply(p):
            r0, r1, r2 = rbufs[p]

            def mul_row(j, _):
                for h in (0, L):
                    s = pl.ds(h, L)
                    r0[j, s] = (r0[j, s] * r1[j, s]) * r2[j, s]
                return 0
            lax.fori_loop(0, CH, mul_row, 0)

        def fire_outs(c, p):
            base = wbase + c * CH
            pltpu.async_copy(rbufs[p][0], outA.at[pl.ds(base, CH)], sem_o[p])
            pltpu.async_copy(rbufs[p][0], outB.at[pl.ds(base, CH)], sem_o[p])

        def drain_outs(p):
            for _ in range(2):
                pltpu.make_async_copy(
                    rbufs[p][0], outA.at[pl.ds(wbase, CH)], sem_o[p]).wait()

        load_coords(0, 0)
        gen_idx(0)
        fire_gathers(0)

        def chunk_body(c, _):
            p = lax.rem(c, 2)

            @pl.when(p == 0)
            def _even():
                _steady(c, 0, 1)

            @pl.when(p == 1)
            def _odd():
                _steady(c, 1, 0)
            return 0

        def _steady(c, p, q):
            @pl.when(c < CHUNKS - 1)
            def _prep():
                load_coords(c + 1, q)
                gen_idx(q)

            @pl.when(c >= 2)
            def _do():
                drain_outs(q)
            drain_gathers(p)

            @pl.when(c < CHUNKS - 1)
            def _fire():
                fire_gathers(q)
            multiply(p)
            fire_outs(c, p)

        lax.fori_loop(0, CHUNKS, chunk_body, 0)
        drain_outs(0)
        drain_outs(1)

        @pl.when(wid == NWORK - 1)
        def _fixup():
            pltpu.sync_copy(ptsT_h.at[:, pl.ds(NN - L, L)], pbuf)
            tv = (pbuf[3, :] * 2.0 - 1.0) - TS
            x = (tv + 1.0) * 0.5 * float(W - 1)
            ix = jnp.minimum(jnp.maximum((x + 0.5).astype(jnp.int32), 0), W - 1)
            for c in range(3):
                p = ((pbuf[c, :] - 1.3) * SCALE - 1.0) - TS
                y = (p + 1.0) * 0.5 * float(H - 1)
                iy = jnp.minimum(jnp.maximum((y + 0.5).astype(jnp.int32), 0), H - 1)
                fibuf[c, :] = iy * W + ix
            for t in range(3):
                pltpu.async_copy(
                    tabs[t].at[fibuf.at[t]], frbuf.at[t], sem_g[0]).wait()
            zc = jnp.zeros((L,), jnp.int32)
            pxl = plsc.load_gather(pbuf, [zc, jnp.full((L,), L - 1, jnp.int32)])
            cv = ((pxl - 1.3) * SCALE - 1.0) + TS > 1.0
            ulast = rbufs[(CHUNKS - 1) % 2][0]
            for h in (0, L):
                s = pl.ds(h, L)
                sh = (frbuf[0, L - 1, s] * frbuf[1, L - 1, s]) * frbuf[2, L - 1, s]
                u = ulast[CH - 1, s]
                fabuf[s] = jnp.where(cv, sh, u)
                fbbuf[s] = jnp.where(cv, u, sh)
            pltpu.sync_copy(fabuf, outA.at[NN - 1])
            pltpu.sync_copy(fbbuf, outB.at[NN - 1])

    return body(ptsT, tab0, tab1, tab2)


def kernel(pts, time, plane0, plane1, plane2):
    ptsT = jnp.concatenate([pts, time], axis=1).T
    tab0 = jnp.transpose(plane0, (1, 2, 0)).reshape(NROWS, FEAT)
    tab1 = jnp.transpose(plane1, (1, 2, 0)).reshape(NROWS, FEAT)
    tab2 = jnp.transpose(plane2, (1, 2, 0)).reshape(NROWS, FEAT)
    feature_a, feature_b = _sc_sample(ptsT, tab0, tab1, tab2)
    return (feature_a, feature_b)

# --- scband reference (transcript-rebuilt; emitter-appended) ---
"""Pipeline reference for scband-displacement-field-26414048870775 (READ-ONLY COPY).

The authoritative reference and input builder live on the scoring server;
editing this copy changes nothing except your own understanding.
"""

import jax, jax.numpy as jnp
import numpy as np

BOUNDS = 1.3
FEAT_DIM = 32
RES = (128, 64)
N = 524288


def _aabb():
    b = BOUNDS
    return jnp.array([[b, b, b], [-b, -b, -b]], dtype=jnp.float32)


def normalize_aabb(pts, aabb):
    return (pts - aabb[0]) * (2.0 / (aabb[1] - aabb[0])) - 1.0


def _nearest_sample(plane, coords):
    # plane: [C, H, W]; coords: [N, 2] in roughly [-1, 1]; coords[:,0]->W axis, coords[:,1]->H axis
    C, H, W = plane.shape
    x = (coords[:, 0] + 1.0) * 0.5 * (W - 1)
    y = (coords[:, 1] + 1.0) * 0.5 * (H - 1)
    ix = jnp.clip(jnp.round(x), 0, W - 1).astype(jnp.int32)
    iy = jnp.clip(jnp.round(y), 0, H - 1).astype(jnp.int32)
    return plane[:, iy, ix].T  # [N, C] gather (SparseCore-friendly)


def _interpolate_features_mul(p4, planes):
    coords = [(3, 0), (3, 1), (3, 2)]
    spacetime = 1.0
    for i, (q, r) in enumerate(coords):
        c2 = jnp.stack([p4[:, q], p4[:, r]], axis=-1)
        feat = _nearest_sample(planes[i], c2)
        feat = feat.reshape(-1, feat.shape[-1])
        spacetime = spacetime * feat
    return spacetime


def setup_inputs(seed: int = 0) -> dict:
    key = jax.random.key(seed)
    k1, k2, k3, k4, k5 = jax.random.split(key, 5)
    pts = jax.random.uniform(k1, (N, 3), dtype=jnp.float32)
    time = jax.random.uniform(k2, (N, 1), dtype=jnp.float32)
    plane0 = jax.random.normal(k3, (FEAT_DIM, RES[0], RES[1]), dtype=jnp.float32) * 0.1
    plane1 = jax.random.normal(k4, (FEAT_DIM, RES[0], RES[1]), dtype=jnp.float32) * 0.1
    plane2 = jax.random.normal(k5, (FEAT_DIM, RES[0], RES[1]), dtype=jnp.float32) * 0.1
    return {"pts": pts, "time": time, "plane0": plane0, "plane1": plane1, "plane2": plane2}


def reference(pts, time, plane0, plane1, plane2):
    planes = (plane0, plane1, plane2)
    aabb = _aabb()
    time_step = 1.0 / (2.0 * RES[1])
    t = time * 2.0 - 1.0
    p = normalize_aabb(pts.reshape(-1, 3), aabb)
    p4 = jnp.concatenate([p, t], axis=-1)
    cond = p4[-1, 0] + time_step > 1.0
    feat_p4 = _interpolate_features_mul(p4, planes)
    p4m = p4.at[-1, :].add(-time_step)
    feat_p4m = _interpolate_features_mul(p4m, planes)
    feature_A = jnp.where(cond, feat_p4m, feat_p4)
    feature_B = jnp.where(cond, feat_p4, feat_p4m)
    return (feature_A, feature_B)

if __name__ == "__main__":
    import jax
    _d = setup_inputs()
    print(jax.jit(kernel)(*tuple(_d.values())))

</pallas_src>

<mosaic_0001>
#map = affine_map<(d0, d1) -> (0, 0)>
module attributes {stable_mosaic.version = 14 : i64} {
  func.func @body(%arg0: i32, %arg1: i32, %arg2: memref<4x524288xf32, #tpu.memory_space<hbm>>, %arg3: memref<8192x32xf32, #tpu.memory_space<hbm>>, %arg4: memref<8192x32xf32, #tpu.memory_space<hbm>>, %arg5: memref<8192x32xf32, #tpu.memory_space<hbm>>, %arg6: memref<524288x32xf32, #tpu.memory_space<hbm>>, %arg7: memref<524288x32xf32, #tpu.memory_space<hbm>>, %arg8: memref<4x512xf32, #tpu.memory_space<vmem>>, %arg9: memref<4x512xf32, #tpu.memory_space<vmem>>, %arg10: memref<4x128xi32, #tpu.memory_space<vmem>>, %arg11: memref<4x128xi32, #tpu.memory_space<vmem>>, %arg12: memref<4x128xi32, #tpu.memory_space<vmem>>, %arg13: memref<4x128xi32, #tpu.memory_space<vmem>>, %arg14: memref<4x128xi32, #tpu.memory_space<vmem>>, %arg15: memref<4x128xi32, #tpu.memory_space<vmem>>, %arg16: memref<512x32xf32, #tpu.memory_space<vmem>>, %arg17: memref<512x32xf32, #tpu.memory_space<vmem>>, %arg18: memref<512x32xf32, #tpu.memory_space<vmem>>, %arg19: memref<512x32xf32, #tpu.memory_space<vmem>>, %arg20: memref<512x32xf32, #tpu.memory_space<vmem>>, %arg21: memref<512x32xf32, #tpu.memory_space<vmem>>, %arg22: memref<4x16xf32, #tpu.memory_space<vmem>>, %arg23: memref<3x16xi32, #tpu.memory_space<vmem>>, %arg24: memref<3x16x32xf32, #tpu.memory_space<vmem>>, %arg25: memref<32xf32, #tpu.memory_space<vmem>>, %arg26: memref<32xf32, #tpu.memory_space<vmem>>, %arg27: memref<!tpu.dma_semaphore, #tpu.memory_space<semaphore_mem>>, %arg28: memref<!tpu.dma_semaphore, #tpu.memory_space<semaphore_mem>>, %arg29: memref<!tpu.dma_semaphore, #tpu.memory_space<semaphore_mem>>, %arg30: memref<!tpu.dma_semaphore, #tpu.memory_space<semaphore_mem>>) attributes {dimension_semantics = [#tpu.dimension_semantics<core_parallel>, #tpu.dimension_semantics<subcore_parallel>], iteration_bounds = array<i64: 2, 16>, scalar_prefetch = 0 : i64, scratch_operands = 23 : i64, tpu.core_type = #tpu.core_type<sc_vector_subcore>, window_params = [{transform_indices = #map}, {transform_indices = #map}, {transform_indices = #map}, {transform_indices = #map}, {transform_indices = #map}, {transform_indices = #map}]} {
    %mul3A = arith.constant 2 : i32
    %mul3A_0 = arith.muli %arg1, %mul3A : i32
    %add3A = arith.addi %mul3A_0, %arg0 : i32
    %mul3A_1 = arith.constant 16384 : i32
    %mul3A_2 = arith.muli %add3A, %mul3A_1 : i32
    %add3A_3 = arith.constant 0 : i32
    %add3A_4 = arith.addi %mul3A_2, %add3A_3 : i32
    "tpu.region"() ({
      %run_scoped3A = tpu.sem_alloc : memref<!tpu.dma_semaphore, #tpu.memory_space<semaphore_mem>>
      %dma_start3A_154 = arith.constant 0 : i32
      %dma_start3A_155 = tpu.memref_slice %arg2[%dma_start3A_154, %add3A_4] : memref<4x524288xf32, #tpu.memory_space<hbm>> -> memref<4x512xf32, #tpu.memory_space<hbm>>
      %dma_start3A_156 = arith.constant 0 : i32
      %dma_start3A_157 = tpu.memref_slice %arg2[%dma_start3A_156, %add3A_4] : memref<4x524288xf32, #tpu.memory_space<hbm>> -> memref<4x512xf32, #tpu.memory_space<hbm>>
      tpu.enqueue_dma source(%dma_start3A_157 : memref<4x512xf32, #tpu.memory_space<hbm>>) target(%arg8 : memref<4x512xf32, #tpu.memory_space<vmem>>) target_semaphore(%run_scoped3A : memref<!tpu.dma_semaphore, #tpu.memory_space<semaphore_mem>>)
      %dma_wait3A_158 = arith.constant 0 : i32
      %dma_wait3A_159 = tpu.memref_slice %arg2[%dma_wait3A_158, %add3A_4] : memref<4x524288xf32, #tpu.memory_space<hbm>> -> memref<4x512xf32, #tpu.memory_space<hbm>>
      %dma_wait3A_160 = arith.constant 0 : i32
      %dma_wait3A_161 = tpu.memref_slice %arg2[%dma_wait3A_160, %add3A_4] : memref<4x524288xf32, #tpu.memory_space<hbm>> -> memref<4x512xf32, #tpu.memory_space<hbm>>
      tpu.wait_dma2 semaphore(%run_scoped3A : memref<!tpu.dma_semaphore, #tpu.memory_space<semaphore_mem>>) src(%dma_wait3A_161 : memref<4x512xf32, #tpu.memory_space<hbm>>) dst(%arg8 : memref<4x512xf32, #tpu.memory_space<vmem>>)
      tpu.yield
    }) : () -> ()
    %scan3A = arith.constant 0 : i32
    %scan3A_5 = arith.constant 0 : i32
    %scan3A_6 = arith.constant 4 : i32
    %scan3A_7 = arith.addi %scan3A_5, %scan3A_6 : i32
    %scan3A_8 = arith.constant 1 : i32
    %scan3A_9 = scf.for %scan3A_154 = %scan3A_5 to %scan3A_7 step %scan3A_8 iter_args(%scan3A_155 = %scan3A) -> (i32)  : i32 {
      %scan3A_156 = arith.constant 0 : i32
      %scan3A_157 = arith.constant 0 : i32
      %scan3A_158 = arith.constant 8 : i32
      %scan3A_159 = arith.addi %scan3A_157, %scan3A_158 : i32
      %scan3A_160 = arith.constant 1 : i32
      %scan3A_161 = scf.for %scan3A_163 = %scan3A_157 to %scan3A_159 step %scan3A_160 iter_args(%scan3A_164 = %scan3A_156) -> (i32)  : i32 {
        %mul3A_165 = arith.constant 128 : i32
        %mul3A_166 = arith.muli %scan3A_154, %mul3A_165 : i32
        %mul3A_167 = arith.constant 16 : i32
        %mul3A_168 = arith.muli %scan3A_163, %mul3A_167 : i32
        %add3A_169 = arith.addi %mul3A_166, %mul3A_168 : i32
        %mul3A_170 = arith.constant 16 : i32
        %mul3A_171 = arith.muli %scan3A_163, %mul3A_170 : i32
        %get3A = arith.constant 3 : i32
        %get3A_172 = arith.index_cast %get3A : i32 to index
        %get3A_173 = arith.index_cast %add3A_169 : i32 to index
        %get3A_174 = tpu.vector_load %arg8[%get3A_172, %get3A_173] {strides = array<i32>} : memref<4x512xf32, #tpu.memory_space<vmem>>, vector<16xf32>,
        %mul3A_175 = arith.constant 2.000000e+00 : f32
        %mul3A_176 = vector.broadcast %mul3A_175 : f32 to vector<16xf32>
        %mul3A_177 = arith.mulf %get3A_174, %mul3A_176 : vector<16xf32>
        %sub3A = arith.constant 1.000000e+00 : f32
        %sub3A_178 = vector.broadcast %sub3A : f32 to vector<16xf32>
        %sub3A_179 = arith.subf %mul3A_177, %sub3A_178 : vector<16xf32>
        %get3A_180 = arith.constant 0 : i32
        %get3A_181 = arith.index_cast %get3A_180 : i32 to index
        %get3A_182 = arith.index_cast %add3A_169 : i32 to index
        %get3A_183 = tpu.vector_load %arg8[%get3A_181, %get3A_182] {strides = array<i32>} : memref<4x512xf32, #tpu.memory_space<vmem>>, vector<16xf32>,
        %add3A_184 = arith.constant 1.000000e+00 : f32
        %add3A_185 = vector.broadcast %add3A_184 : f32 to vector<16xf32>
        %add3A_186 = arith.addf %sub3A_179, %add3A_185 : vector<16xf32>
        %mul3A_187 = arith.constant 5.000000e-01 : f32
        %mul3A_188 = vector.broadcast %mul3A_187 : f32 to vector<16xf32>
        %mul3A_189 = arith.mulf %add3A_186, %mul3A_188 : vector<16xf32>
        %mul3A_190 = arith.constant 6.300000e+01 : f32
        %mul3A_191 = vector.broadcast %mul3A_190 : f32 to vector<16xf32>
        %mul3A_192 = arith.mulf %mul3A_189, %mul3A_191 : vector<16xf32>
        %add3A_193 = arith.constant 5.000000e-01 : f32
        %add3A_194 = vector.broadcast %add3A_193 : f32 to vector<16xf32>
        %add3A_195 = arith.addf %mul3A_192, %add3A_194 : vector<16xf32>
        %convert_element_type3A_196 = arith.fptosi %add3A_195 : vector<16xf32> to vector<16xi32>
        %max3A = arith.constant 0 : i32
        %max3A_197 = vector.broadcast %max3A : i32 to vector<16xi32>
        %max3A_198 = arith.maxsi %convert_element_type3A_196, %max3A_197 : vector<16xi32>
        %min3A = arith.constant 63 : i32
        %min3A_199 = vector.broadcast %min3A : i32 to vector<16xi32>
        %min3A_200 = arith.minsi %max3A_198, %min3A_199 : vector<16xi32>
        %sub3A_201 = arith.constant 1.300000e+00 : f32
        %sub3A_202 = vector.broadcast %sub3A_201 : f32 to vector<16xf32>
        %sub3A_203 = arith.subf %get3A_183, %sub3A_202 : vector<16xf32>
        %mul3A_204 = arith.constant -0.769230782 : f32
        %mul3A_205 = vector.broadcast %mul3A_204 : f32 to vector<16xf32>
        %mul3A_206 = arith.mulf %sub3A_203, %mul3A_205 : vector<16xf32>
        %sub3A_207 = arith.constant 1.000000e+00 : f32
        %sub3A_208 = vector.broadcast %sub3A_207 : f32 to vector<16xf32>
        %sub3A_209 = arith.subf %mul3A_206, %sub3A_208 : vector<16xf32>
        %add3A_210 = arith.constant 1.000000e+00 : f32
        %add3A_211 = vector.broadcast %add3A_210 : f32 to vector<16xf32>
        %add3A_212 = arith.addf %sub3A_209, %add3A_211 : vector<16xf32>
        %mul3A_213 = arith.constant 5.000000e-01 : f32
        %mul3A_214 = vector.broadcast %mul3A_213 : f32 to vector<16xf32>
        %mul3A_215 = arith.mulf %add3A_212, %mul3A_214 : vector<16xf32>
        %mul3A_216 = arith.constant 1.270000e+02 : f32
        %mul3A_217 = vector.broadcast %mul3A_216 : f32 to vector<16xf32>
        %mul3A_218 = arith.mulf %mul3A_215, %mul3A_217 : vector<16xf32>
        %add3A_219 = arith.constant 5.000000e-01 : f32
        %add3A_220 = vector.broadcast %add3A_219 : f32 to vector<16xf32>
        %add3A_221 = arith.addf %mul3A_218, %add3A_220 : vector<16xf32>
        %convert_element_type3A_222 = arith.fptosi %add3A_221 : vector<16xf32> to vector<16xi32>
        %max3A_223 = arith.constant 0 : i32
        %max3A_224 = vector.broadcast %max3A_223 : i32 to vector<16xi32>
        %max3A_225 = arith.maxsi %convert_element_type3A_222, %max3A_224 : vector<16xi32>
        %min3A_226 = arith.constant 127 : i32
        %min3A_227 = vector.broadcast %min3A_226 : i32 to vector<16xi32>
        %min3A_228 = arith.minsi %max3A_225, %min3A_227 : vector<16xi32>
        %mul3A_229 = arith.constant 64 : i32
        %mul3A_230 = vector.broadcast %mul3A_229 : i32 to vector<16xi32>
        %mul3A_231 = arith.muli %min3A_228, %mul3A_230 : vector<16xi32>
        %add3A_232 = arith.addi %mul3A_231, %min3A_200 : vector<16xi32>
        %swap3A = arith.index_cast %scan3A_154 : i32 to index
        %swap3A_233 = arith.index_cast %mul3A_171 : i32 to index
        %swap3A_234 = tpu.vector_load %arg10[%swap3A, %swap3A_233] {strides = array<i32>} : memref<4x128xi32, #tpu.memory_space<vmem>>, vector<16xi32>,
        tpu.vector_store %arg10[%swap3A, %swap3A_233], %add3A_232 {strides = array<i32>} : memref<4x128xi32, #tpu.memory_space<vmem>>, vector<16xi32>,
        %get3A_235 = arith.constant 1 : i32
        %get3A_236 = arith.index_cast %get3A_235 : i32 to index
        %get3A_237 = arith.index_cast %add3A_169 : i32 to index
        %get3A_238 = tpu.vector_load %arg8[%get3A_236, %get3A_237] {strides = array<i32>} : memref<4x512xf32, #tpu.memory_space<vmem>>, vector<16xf32>,
        %add3A_239 = arith.constant 1.000000e+00 : f32
        %add3A_240 = vector.broadcast %add3A_239 : f32 to vector<16xf32>
        %add3A_241 = arith.addf %sub3A_179, %add3A_240 : vector<16xf32>
        %mul3A_242 = arith.constant 5.000000e-01 : f32
        %mul3A_243 = vector.broadcast %mul3A_242 : f32 to vector<16xf32>
        %mul3A_244 = arith.mulf %add3A_241, %mul3A_243 : vector<16xf32>
        %mul3A_245 = arith.constant 6.300000e+01 : f32
        %mul3A_246 = vector.broadcast %mul3A_245 : f32 to vector<16xf32>
        %mul3A_247 = arith.mulf %mul3A_244, %mul3A_246 : vector<16xf32>
        %add3A_248 = arith.constant 5.000000e-01 : f32
        %add3A_249 = vector.broadcast %add3A_248 : f32 to vector<16xf32>
        %add3A_250 = arith.addf %mul3A_247, %add3A_249 : vector<16xf32>
        %convert_element_type3A_251 = arith.fptosi %add3A_250 : vector<16xf32> to vector<16xi32>
        %max3A_252 = arith.constant 0 : i32
        %max3A_253 = vector.broadcast %max3A_252 : i32 to vector<16xi32>
        %max3A_254 = arith.maxsi %convert_element_type3A_251, %max3A_253 : vector<16xi32>
        %min3A_255 = arith.constant 63 : i32
        %min3A_256 = vector.broadcast %min3A_255 : i32 to vector<16xi32>
        %min3A_257 = arith.minsi %max3A_254, %min3A_256 : vector<16xi32>
        %sub3A_258 = arith.constant 1.300000e+00 : f32
        %sub3A_259 = vector.broadcast %sub3A_258 : f32 to vector<16xf32>
        %sub3A_260 = arith.subf %get3A_238, %sub3A_259 : vector<16xf32>
        %mul3A_261 = arith.constant -0.769230782 : f32
        %mul3A_262 = vector.broadcast %mul3A_261 : f32 to vector<16xf32>
        %mul3A_263 = arith.mulf %sub3A_260, %mul3A_262 : vector<16xf32>
        %sub3A_264 = arith.constant 1.000000e+00 : f32
        %sub3A_265 = vector.broadcast %sub3A_264 : f32 to vector<16xf32>
        %sub3A_266 = arith.subf %mul3A_263, %sub3A_265 : vector<16xf32>
        %add3A_267 = arith.constant 1.000000e+00 : f32
        %add3A_268 = vector.broadcast %add3A_267 : f32 to vector<16xf32>
        %add3A_269 = arith.addf %sub3A_266, %add3A_268 : vector<16xf32>
        %mul3A_270 = arith.constant 5.000000e-01 : f32
        %mul3A_271 = vector.broadcast %mul3A_270 : f32 to vector<16xf32>
        %mul3A_272 = arith.mulf %add3A_269, %mul3A_271 : vector<16xf32>
        %mul3A_273 = arith.constant 1.270000e+02 : f32
        %mul3A_274 = vector.broadcast %mul3A_273 : f32 to vector<16xf32>
        %mul3A_275 = arith.mulf %mul3A_272, %mul3A_274 : vector<16xf32>
        %add3A_276 = arith.constant 5.000000e-01 : f32
        %add3A_277 = vector.broadcast %add3A_276 : f32 to vector<16xf32>
        %add3A_278 = arith.addf %mul3A_275, %add3A_277 : vector<16xf32>
        %convert_element_type3A_279 = arith.fptosi %add3A_278 : vector<16xf32> to vector<16xi32>
        %max3A_280 = arith.constant 0 : i32
        %max3A_281 = vector.broadcast %max3A_280 : i32 to vector<16xi32>
        %max3A_282 = arith.maxsi %convert_element_type3A_279, %max3A_281 : vector<16xi32>
        %min3A_283 = arith.constant 127 : i32
        %min3A_284 = vector.broadcast %min3A_283 : i32 to vector<16xi32>
        %min3A_285 = arith.minsi %max3A_282, %min3A_284 : vector<16xi32>
        %mul3A_286 = arith.constant 64 : i32
        %mul3A_287 = vector.broadcast %mul3A_286 : i32 to vector<16xi32>
        %mul3A_288 = arith.muli %min3A_285, %mul3A_287 : vector<16xi32>
        %add3A_289 = arith.addi %mul3A_288, %min3A_257 : vector<16xi32>
        %swap3A_290 = arith.index_cast %scan3A_154 : i32 to index
        %swap3A_291 = arith.index_cast %mul3A_171 : i32 to index
        %swap3A_292 = tpu.vector_load %arg11[%swap3A_290, %swap3A_291] {strides = array<i32>} : memref<4x128xi32, #tpu.memory_space<vmem>>, vector<16xi32>,
        tpu.vector_store %arg11[%swap3A_290, %swap3A_291], %add3A_289 {strides = array<i32>} : memref<4x128xi32, #tpu.memory_space<vmem>>, vector<16xi32>,
        %get3A_293 = arith.constant 2 : i32
        %get3A_294 = arith.index_cast %get3A_293 : i32 to index
        %get3A_295 = arith.index_cast %add3A_169 : i32 to index
        %get3A_296 = tpu.vector_load %arg8[%get3A_294, %get3A_295] {strides = array<i32>} : memref<4x512xf32, #tpu.memory_space<vmem>>, vector<16xf32>,
        %add3A_297 = arith.constant 1.000000e+00 : f32
        %add3A_298 = vector.broadcast %add3A_297 : f32 to vector<16xf32>
        %add3A_299 = arith.addf %sub3A_179, %add3A_298 : vector<16xf32>
        %mul3A_300 = arith.constant 5.000000e-01 : f32
        %mul3A_301 = vector.broadcast %mul3A_300 : f32 to vector<16xf32>
        %mul3A_302 = arith.mulf %add3A_299, %mul3A_301 : vector<16xf32>
        %mul3A_303 = arith.constant 6.300000e+01 : f32
        %mul3A_304 = vector.broadcast %mul3A_303 : f32 to vector<16xf32>
        %mul3A_305 = arith.mulf %mul3A_302, %mul3A_304 : vector<16xf32>
        %add3A_306 = arith.constant 5.000000e-01 : f32
        %add3A_307 = vector.broadcast %add3A_306 : f32 to vector<16xf32>
        %add3A_308 = arith.addf %mul3A_305, %add3A_307 : vector<16xf32>
        %convert_element_type3A_309 = arith.fptosi %add3A_308 : vector<16xf32> to vector<16xi32>
        %max3A_310 = arith.constant 0 : i32
        %max3A_311 = vector.broadcast %max3A_310 : i32 to vector<16xi32>
        %max3A_312 = arith.maxsi %convert_element_type3A_309, %max3A_311 : vector<16xi32>
        %min3A_313 = arith.constant 63 : i32
        %min3A_314 = vector.broadcast %min3A_313 : i32 to vector<16xi32>
        %min3A_315 = arith.minsi %max3A_312, %min3A_314 : vector<16xi32>
        %sub3A_316 = arith.constant 1.300000e+00 : f32
        %sub3A_317 = vector.broadcast %sub3A_316 : f32 to vector<16xf32>
        %sub3A_318 = arith.subf %get3A_296, %sub3A_317 : vector<16xf32>
        %mul3A_319 = arith.constant -0.769230782 : f32
        %mul3A_320 = vector.broadcast %mul3A_319 : f32 to vector<16xf32>
        %mul3A_321 = arith.mulf %sub3A_318, %mul3A_320 : vector<16xf32>
        %sub3A_322 = arith.constant 1.000000e+00 : f32
        %sub3A_323 = vector.broadcast %sub3A_322 : f32 to vector<16xf32>
        %sub3A_324 = arith.subf %mul3A_321, %sub3A_323 : vector<16xf32>
        %add3A_325 = arith.constant 1.000000e+00 : f32
        %add3A_326 = vector.broadcast %add3A_325 : f32 to vector<16xf32>
        %add3A_327 = arith.addf %sub3A_324, %add3A_326 : vector<16xf32>
        %mul3A_328 = arith.constant 5.000000e-01 : f32
        %mul3A_329 = vector.broadcast %mul3A_328 : f32 to vector<16xf32>
        %mul3A_330 = arith.mulf %add3A_327, %mul3A_329 : vector<16xf32>
        %mul3A_331 = arith.constant 1.270000e+02 : f32
        %mul3A_332 = vector.broadcast %mul3A_331 : f32 to vector<16xf32>
        %mul3A_333 = arith.mulf %mul3A_330, %mul3A_332 : vector<16xf32>
        %add3A_334 = arith.constant 5.000000e-01 : f32
        %add3A_335 = vector.broadcast %add3A_334 : f32 to vector<16xf32>
        %add3A_336 = arith.addf %mul3A_333, %add3A_335 : vector<16xf32>
        %convert_element_type3A_337 = arith.fptosi %add3A_336 : vector<16xf32> to vector<16xi32>
        %max3A_338 = arith.constant 0 : i32
        %max3A_339 = vector.broadcast %max3A_338 : i32 to vector<16xi32>
        %max3A_340 = arith.maxsi %convert_element_type3A_337, %max3A_339 : vector<16xi32>
        %min3A_341 = arith.constant 127 : i32
        %min3A_342 = vector.broadcast %min3A_341 : i32 to vector<16xi32>
        %min3A_343 = arith.minsi %max3A_340, %min3A_342 : vector<16xi32>
        %mul3A_344 = arith.constant 64 : i32
        %mul3A_345 = vector.broadcast %mul3A_344 : i32 to vector<16xi32>
        %mul3A_346 = arith.muli %min3A_343, %mul3A_345 : vector<16xi32>
        %add3A_347 = arith.addi %mul3A_346, %min3A_315 : vector<16xi32>
        %swap3A_348 = arith.index_cast %scan3A_154 : i32 to index
        %swap3A_349 = arith.index_cast %mul3A_171 : i32 to index
        %swap3A_350 = tpu.vector_load %arg12[%swap3A_348, %swap3A_349] {strides = array<i32>} : memref<4x128xi32, #tpu.memory_space<vmem>>, vector<16xi32>,
        tpu.vector_store %arg12[%swap3A_348, %swap3A_349], %add3A_347 {strides = array<i32>} : memref<4x128xi32, #tpu.memory_space<vmem>>, vector<16xi32>,
        %scan3A_351 = arith.constant 0 : i32
        scf.yield %scan3A_351 : i32
      }
      %scan3A_162 = arith.constant 8 : i32
      scf.yield %scan3A_161 : i32
    }
    %scan3A_10 = arith.constant 4 : i32
    %dma_start3A = arith.constant 0 : i32
    %dma_start3A_11 = arith.constant 0 : i32
    %dma_start3A_12 = arith.constant 0 : i32
    %dma_start3A_13 = tpu.memref_slice %arg16[%dma_start3A_11, %dma_start3A_12] : memref<512x32xf32, #tpu.memory_space<vmem>> -> memref<128x32xf32, #tpu.memory_space<vmem>>
    %dma_start3A_14 = arith.constant 0 : i32
    %dma_start3A_15 = tpu.memref_slice %arg10[%dma_start3A, %dma_start3A_14] : memref<4x128xi32, #tpu.memory_space<vmem>> -> memref<1x128xi32, #tpu.memory_space<vmem>>
    %dma_start3A_16 = tpu.memref_squeeze %dma_start3A_15 : memref<1x128xi32, #tpu.memory_space<vmem>> -> memref<128xi32, #tpu.memory_space<vmem>>
    %dma_start3A_17 = arith.constant 0 : i32
    %dma_start3A_18 = arith.constant 0 : i32
    %dma_start3A_19 = tpu.memref_slice %arg3[%dma_start3A_17, %dma_start3A_18] : memref<8192x32xf32, #tpu.memory_space<hbm>> -> memref<8192x32xf32, #tpu.memory_space<hbm>>
    tpu.enqueue_indirect_dma source(%dma_start3A_19 : memref<8192x32xf32, #tpu.memory_space<hbm>>) target(%dma_start3A_13 : memref<128x32xf32, #tpu.memory_space<vmem>>) offsets(%dma_start3A_16 : memref<128xi32, #tpu.memory_space<vmem>>) semaphore(%arg27 : memref<!tpu.dma_semaphore, #tpu.memory_space<semaphore_mem>>)
    %dma_start3A_20 = arith.constant 0 : i32
    %dma_start3A_21 = arith.constant 0 : i32
    %dma_start3A_22 = arith.constant 0 : i32
    %dma_start3A_23 = tpu.memref_slice %arg17[%dma_start3A_21, %dma_start3A_22] : memref<512x32xf32, #tpu.memory_space<vmem>> -> memref<128x32xf32, #tpu.memory_space<vmem>>
    %dma_start3A_24 = arith.constant 0 : i32
    %dma_start3A_25 = tpu.memref_slice %arg11[%dma_start3A_20, %dma_start3A_24] : memref<4x128xi32, #tpu.memory_space<vmem>> -> memref<1x128xi32, #tpu.memory_space<vmem>>
    %dma_start3A_26 = tpu.memref_squeeze %dma_start3A_25 : memref<1x128xi32, #tpu.memory_space<vmem>> -> memref<128xi32, #tpu.memory_space<vmem>>
    %dma_start3A_27 = arith.constant 0 : i32
    %dma_start3A_28 = arith.constant 0 : i32
    %dma_start3A_29 = tpu.memref_slice %arg4[%dma_start3A_27, %dma_start3A_28] : memref<8192x32xf32, #tpu.memory_space<hbm>> -> memref<8192x32xf32, #tpu.memory_space<hbm>>
    tpu.enqueue_indirect_dma source(%dma_start3A_29 : memref<8192x32xf32, #tpu.memory_space<hbm>>) target(%dma_start3A_23 : memref<128x32xf32, #tpu.memory_space<vmem>>) offsets(%dma_start3A_26 : memref<128xi32, #tpu.memory_space<vmem>>) semaphore(%arg27 : memref<!tpu.dma_semaphore, #tpu.memory_space<semaphore_mem>>)
    %dma_start3A_30 = arith.constant 0 : i32
    %dma_start3A_31 = arith.constant 0 : i32
    %dma_start3A_32 = arith.constant 0 : i32
    %dma_start3A_33 = tpu.memref_slice %arg18[%dma_start3A_31, %dma_start3A_32] : memref<512x32xf32, #tpu.memory_space<vmem>> -> memref<128x32xf32, #tpu.memory_space<vmem>>
    %dma_start3A_34 = arith.constant 0 : i32
    %dma_start3A_35 = tpu.memref_slice %arg12[%dma_start3A_30, %dma_start3A_34] : memref<4x128xi32, #tpu.memory_space<vmem>> -> memref<1x128xi32, #tpu.memory_space<vmem>>
    %dma_start3A_36 = tpu.memref_squeeze %dma_start3A_35 : memref<1x128xi32, #tpu.memory_space<vmem>> -> memref<128xi32, #tpu.memory_space<vmem>>
    %dma_start3A_37 = arith.constant 0 : i32
    %dma_start3A_38 = arith.constant 0 : i32
    %dma_start3A_39 = tpu.memref_slice %arg5[%dma_start3A_37, %dma_start3A_38] : memref<8192x32xf32, #tpu.memory_space<hbm>> -> memref<8192x32xf32, #tpu.memory_space<hbm>>
    tpu.enqueue_indirect_dma source(%dma_start3A_39 : memref<8192x32xf32, #tpu.memory_space<hbm>>) target(%dma_start3A_33 : memref<128x32xf32, #tpu.memory_space<vmem>>) offsets(%dma_start3A_36 : memref<128xi32, #tpu.memory_space<vmem>>) semaphore(%arg27 : memref<!tpu.dma_semaphore, #tpu.memory_space<semaphore_mem>>)
    %dma_start3A_40 = arith.constant 1 : i32
    %dma_start3A_41 = arith.constant 128 : i32
    %dma_start3A_42 = arith.constant 0 : i32
    %dma_start3A_43 = tpu.memref_slice %arg16[%dma_start3A_41, %dma_start3A_42] : memref<512x32xf32, #tpu.memory_space<vmem>> -> memref<128x32xf32, #tpu.memory_space<vmem>>
    %dma_start3A_44 = arith.constant 0 : i32
    %dma_start3A_45 = tpu.memref_slice %arg10[%dma_start3A_40, %dma_start3A_44] : memref<4x128xi32, #tpu.memory_space<vmem>> -> memref<1x128xi32, #tpu.memory_space<vmem>>
    %dma_start3A_46 = tpu.memref_squeeze %dma_start3A_45 : memref<1x128xi32, #tpu.memory_space<vmem>> -> memref<128xi32, #tpu.memory_space<vmem>>
    %dma_start3A_47 = arith.constant 0 : i32
    %dma_start3A_48 = arith.constant 0 : i32
    %dma_start3A_49 = tpu.memref_slice %arg3[%dma_start3A_47, %dma_start3A_48] : memref<8192x32xf32, #tpu.memory_space<hbm>> -> memref<8192x32xf32, #tpu.memory_space<hbm>>
    tpu.enqueue_indirect_dma source(%dma_start3A_49 : memref<8192x32xf32, #tpu.memory_space<hbm>>) target(%dma_start3A_43 : memref<128x32xf32, #tpu.memory_space<vmem>>) offsets(%dma_start3A_46 : memref<128xi32, #tpu.memory_space<vmem>>) semaphore(%arg27 : memref<!tpu.dma_semaphore, #tpu.memory_space<semaphore_mem>>)
    %dma_start3A_50 = arith.constant 1 : i32
    %dma_start3A_51 = arith.constant 128 : i32
    %dma_start3A_52 = arith.constant 0 : i32
    %dma_start3A_53 = tpu.memref_slice %arg17[%dma_start3A_51, %dma_start3A_52] : memref<512x32xf32, #tpu.memory_space<vmem>> -> memref<128x32xf32, #tpu.memory_space<vmem>>
    %dma_start3A_54 = arith.constant 0 : i32
    %dma_start3A_55 = tpu.memref_slice %arg11[%dma_start3A_50, %dma_start3A_54] : memref<4x128xi32, #tpu.memory_space<vmem>> -> memref<1x128xi32, #tpu.memory_space<vmem>>
    %dma_start3A_56 = tpu.memref_squeeze %dma_start3A_55 : memref<1x128xi32, #tpu.memory_space<vmem>> -> memref<128xi32, #tpu.memory_space<vmem>>
    %dma_start3A_57 = arith.constant 0 : i32
    %dma_start3A_58 = arith.constant 0 : i32
    %dma_start3A_59 = tpu.memref_slice %arg4[%dma_start3A_57, %dma_start3A_58] : memref<8192x32xf32, #tpu.memory_space<hbm>> -> memref<8192x32xf32, #tpu.memory_space<hbm>>
    tpu.enqueue_indirect_dma source(%dma_start3A_59 : memref<8192x32xf32, #tpu.memory_space<hbm>>) target(%dma_start3A_53 : memref<128x32xf32, #tpu.memory_space<vmem>>) offsets(%dma_start3A_56 : memref<128xi32, #tpu.memory_space<vmem>>) semaphore(%arg27 : memref<!tpu.dma_semaphore, #tpu.memory_space<semaphore_mem>>)
    %dma_start3A_60 = arith.constant 1 : i32
    %dma_start3A_61 = arith.constant 128 : i32
    %dma_start3A_62 = arith.constant 0 : i32
    %dma_start3A_63 = tpu.memref_slice %arg18[%dma_start3A_61, %dma_start3A_62] : memref<512x32xf32, #tpu.memory_space<vmem>> -> memref<128x32xf32, #tpu.memory_space<vmem>>
    %dma_start3A_64 = arith.constant 0 : i32
    %dma_start3A_65 = tpu.memref_slice %arg12[%dma_start3A_60, %dma_start3A_64] : memref<4x128xi32, #tpu.memory_space<vmem>> -> memref<1x128xi32, #tpu.memory_space<vmem>>
    %dma_start3A_66 = tpu.memref_squeeze %dma_start3A_65 : memref<1x128xi32, #tpu.memory_space<vmem>> -> memref<128xi32, #tpu.memory_space<vmem>>
    %dma_start3A_67 = arith.constant 0 : i32
    %dma_start3A_68 = arith.constant 0 : i32
    %dma_start3A_69 = tpu.memref_slice %arg5[%dma_start3A_67, %dma_start3A_68] : memref<8192x32xf32, #tpu.memory_space<hbm>> -> memref<8192x32xf32, #tpu.memory_space<hbm>>
    tpu.enqueue_indirect_dma source(%dma_start3A_69 : memref<8192x32xf32, #tpu.memory_space<hbm>>) target(%dma_start3A_63 : memref<128x32xf32, #tpu.memory_space<vmem>>) offsets(%dma_start3A_66 : memref<128xi32, #tpu.memory_space<vmem>>) semaphore(%arg27 : memref<!tpu.dma_semaphore, #tpu.memory_space<semaphore_mem>>)
    %dma_start3A_70 = arith.constant 2 : i32
    %dma_start3A_71 = arith.constant 256 : i32
    %dma_start3A_72 = arith.constant 0 : i32
    %dma_start3A_73 = tpu.memref_slice %arg16[%dma_start3A_71, %dma_start3A_72] : memref<512x32xf32, #tpu.memory_space<vmem>> -> memref<128x32xf32, #tpu.memory_space<vmem>>
    %dma_start3A_74 = arith.constant 0 : i32
    %dma_start3A_75 = tpu.memref_slice %arg10[%dma_start3A_70, %dma_start3A_74] : memref<4x128xi32, #tpu.memory_space<vmem>> -> memref<1x128xi32, #tpu.memory_space<vmem>>
    %dma_start3A_76 = tpu.memref_squeeze %dma_start3A_75 : memref<1x128xi32, #tpu.memory_space<vmem>> -> memref<128xi32, #tpu.memory_space<vmem>>
    %dma_start3A_77 = arith.constant 0 : i32
    %dma_start3A_78 = arith.constant 0 : i32
    %dma_start3A_79 = tpu.memref_slice %arg3[%dma_start3A_77, %dma_start3A_78] : memref<8192x32xf32, #tpu.memory_space<hbm>> -> memref<8192x32xf32, #tpu.memory_space<hbm>>
    tpu.enqueue_indirect_dma source(%dma_start3A_79 : memref<8192x32xf32, #tpu.memory_space<hbm>>) target(%dma_start3A_73 : memref<128x32xf32, #tpu.memory_space<vmem>>) offsets(%dma_start3A_76 : memref<128xi32, #tpu.memory_space<vmem>>) semaphore(%arg27 : memref<!tpu.dma_semaphore, #tpu.memory_space<semaphore_mem>>)
    %dma_start3A_80 = arith.constant 2 : i32
    %dma_start3A_81 = arith.constant 256 : i32
    %dma_start3A_82 = arith.constant 0 : i32
    %dma_start3A_83 = tpu.memref_slice %arg17[%dma_start3A_81, %dma_start3A_82] : memref<512x32xf32, #tpu.memory_space<vmem>> -> memref<128x32xf32, #tpu.memory_space<vmem>>
    %dma_start3A_84 = arith.constant 0 : i32
    %dma_start3A_85 = tpu.memref_slice %arg11[%dma_start3A_80, %dma_start3A_84] : memref<4x128xi32, #tpu.memory_space<vmem>> -> memref<1x128xi32, #tpu.memory_space<vmem>>
    %dma_start3A_86 = tpu.memref_squeeze %dma_start3A_85 : memref<1x128xi32, #tpu.memory_space<vmem>> -> memref<128xi32, #tpu.memory_space<vmem>>
    %dma_start3A_87 = arith.constant 0 : i32
    %dma_start3A_88 = arith.constant 0 : i32
    %dma_start3A_89 = tpu.memref_slice %arg4[%dma_start3A_87, %dma_start3A_88] : memref<8192x32xf32, #tpu.memory_space<hbm>> -> memref<8192x32xf32, #tpu.memory_space<hbm>>
    tpu.enqueue_indirect_dma source(%dma_start3A_89 : memref<8192x32xf32, #tpu.memory_space<hbm>>) target(%dma_start3A_83 : memref<128x32xf32, #tpu.memory_space<vmem>>) offsets(%dma_start3A_86 : memref<128xi32, #tpu.memory_space<vmem>>) semaphore(%arg27 : memref<!tpu.dma_semaphore, #tpu.memory_space<semaphore_mem>>)
    %dma_start3A_90 = arith.constant 2 : i32
    %dma_start3A_91 = arith.constant 256 : i32
    %dma_start3A_92 = arith.constant 0 : i32
    %dma_start3A_93 = tpu.memref_slice %arg18[%dma_start3A_91, %dma_start3A_92] : memref<512x32xf32, #tpu.memory_space<vmem>> -> memref<128x32xf32, #tpu.memory_space<vmem>>
    %dma_start3A_94 = arith.constant 0 : i32
    %dma_start3A_95 = tpu.memref_slice %arg12[%dma_start3A_90, %dma_start3A_94] : memref<4x128xi32, #tpu.memory_space<vmem>> -> memref<1x128xi32, #tpu.memory_space<vmem>>
    %dma_start3A_96 = tpu.memref_squeeze %dma_start3A_95 : memref<1x128xi32, #tpu.memory_space<vmem>> -> memref<128xi32, #tpu.memory_space<vmem>>
    %dma_start3A_97 = arith.constant 0 : i32
    %dma_start3A_98 = arith.constant 0 : i32
    %dma_start3A_99 = tpu.memref_slice %arg5[%dma_start3A_97, %dma_start3A_98] : memref<8192x32xf32, #tpu.memory_space<hbm>> -> memref<8192x32xf32, #tpu.memory_space<hbm>>
    tpu.enqueue_indirect_dma source(%dma_start3A_99 : memref<8192x32xf32, #tpu.memory_space<hbm>>) target(%dma_start3A_93 : memref<128x32xf32, #tpu.memory_space<vmem>>) offsets(%dma_start3A_96 : memref<128xi32, #tpu.memory_space<vmem>>) semaphore(%arg27 : memref<!tpu.dma_semaphore, #tpu.memory_space<semaphore_mem>>)
    %dma_start3A_100 = arith.constant 3 : i32
    %dma_start3A_101 = arith.constant 384 : i32
    %dma_start3A_102 = arith.constant 0 : i32
    %dma_start3A_103 = tpu.memref_slice %arg16[%dma_start3A_101, %dma_start3A_102] : memref<512x32xf32, #tpu.memory_space<vmem>> -> memref<128x32xf32, #tpu.memory_space<vmem>>
    %dma_start3A_104 = arith.constant 0 : i32
    %dma_start3A_105 = tpu.memref_slice %arg10[%dma_start3A_100, %dma_start3A_104] : memref<4x128xi32, #tpu.memory_space<vmem>> -> memref<1x128xi32, #tpu.memory_space<vmem>>
    %dma_start3A_106 = tpu.memref_squeeze %dma_start3A_105 : memref<1x128xi32, #tpu.memory_space<vmem>> -> memref<128xi32, #tpu.memory_space<vmem>>
    %dma_start3A_107 = arith.constant 0 : i32
    %dma_start3A_108 = arith.constant 0 : i32
    %dma_start3A_109 = tpu.memref_slice %arg3[%dma_start3A_107, %dma_start3A_108] : memref<8192x32xf32, #tpu.memory_space<hbm>> -> memref<8192x32xf32, #tpu.memory_space<hbm>>
    tpu.enqueue_indirect_dma source(%dma_start3A_109 : memref<8192x32xf32, #tpu.memory_space<hbm>>) target(%dma_start3A_103 : memref<128x32xf32, #tpu.memory_space<vmem>>) offsets(%dma_start3A_106 : memref<128xi32, #tpu.memory_space<vmem>>) semaphore(%arg27 : memref<!tpu.dma_semaphore, #tpu.memory_space<semaphore_mem>>)
    %dma_start3A_110 = arith.constant 3 : i32
    %dma_start3A_111 = arith.constant 384 : i32
    %dma_start3A_112 = arith.constant 0 : i32
    %dma_start3A_113 = tpu.memref_slice %arg17[%dma_start3A_111, %dma_start3A_112] : memref<512x32xf32, #tpu.memory_space<vmem>> -> memref<128x32xf32, #tpu.memory_space<vmem>>
    %dma_start3A_114 = arith.constant 0 : i32
    %dma_start3A_115 = tpu.memref_slice %arg11[%dma_start3A_110, %dma_start3A_114] : memref<4x128xi32, #tpu.memory_space<vmem>> -> memref<1x128xi32, #tpu.memory_space<vmem>>
    %dma_start3A_116 = tpu.memref_squeeze %dma_start3A_115 : memref<1x128xi32, #tpu.memory_space<vmem>> -> memref<128xi32, #tpu.memory_space<vmem>>
    %dma_start3A_117 = arith.constant 0 : i32
    %dma_start3A_118 = arith.constant 0 : i32
    %dma_start3A_119 = tpu.memref_slice %arg4[%dma_start3A_117, %dma_start3A_118] : memref<8192x32xf32, #tpu.memory_space<hbm>> -> memref<8192x32xf32, #tpu.memory_space<hbm>>
    tpu.enqueue_indirect_dma source(%dma_start3A_119 : memref<8192x32xf32, #tpu.memory_space<hbm>>) target(%dma_start3A_113 : memref<128x32xf32, #tpu.memory_space<vmem>>) offsets(%dma_start3A_116 : memref<128xi32, #tpu.memory_space<vmem>>) semaphore(%arg27 : memref<!tpu.dma_semaphore, #tpu.memory_space<semaphore_mem>>)
    %dma_start3A_120 = arith.constant 3 : i32
    %dma_start3A_121 = arith.constant 384 : i32
    %dma_start3A_122 = arith.constant 0 : i32
    %dma_start3A_123 = tpu.memref_slice %arg18[%dma_start3A_121, %dma_start3A_122] : memref<512x32xf32, #tpu.memory_space<vmem>> -> memref<128x32xf32, #tpu.memory_space<vmem>>
    %dma_start3A_124 = arith.constant 0 : i32
    %dma_start3A_125 = tpu.memref_slice %arg12[%dma_start3A_120, %dma_start3A_124] : memref<4x128xi32, #tpu.memory_space<vmem>> -> memref<1x128xi32, #tpu.memory_space<vmem>>
    %dma_start3A_126 = tpu.memref_squeeze %dma_start3A_125 : memref<1x128xi32, #tpu.memory_space<vmem>> -> memref<128xi32, #tpu.memory_space<vmem>>
    %dma_start3A_127 = arith.constant 0 : i32
    %dma_start3A_128 = arith.constant 0 : i32
    %dma_start3A_129 = tpu.memref_slice %arg5[%dma_start3A_127, %dma_start3A_128] : memref<8192x32xf32, #tpu.memory_space<hbm>> -> memref<8192x32xf32, #tpu.memory_space<hbm>>
    tpu.enqueue_indirect_dma source(%dma_start3A_129 : memref<8192x32xf32, #tpu.memory_space<hbm>>) target(%dma_start3A_123 : memref<128x32xf32, #tpu.memory_space<vmem>>) offsets(%dma_start3A_126 : memref<128xi32, #tpu.memory_space<vmem>>) semaphore(%arg27 : memref<!tpu.dma_semaphore, #tpu.memory_space<semaphore_mem>>)
    %scan3A_130 = arith.constant 0 : i32
    %scan3A_131 = arith.constant 0 : i32
    %scan3A_132 = arith.constant 32 : i32
    %scan3A_133 = arith.addi %scan3A_131, %scan3A_132 : i32
    %scan3A_134 = arith.constant 1 : i32
    %scan3A_135 = scf.for %scan3A_154 = %scan3A_131 to %scan3A_133 step %scan3A_134 iter_args(%scan3A_155 = %scan3A_130) -> (i32)  : i32 {
      %rem3A = arith.constant 2 : i32
      %rem3A_156 = arith.remsi %scan3A_154, %rem3A : i32
      %eq3A_157 = arith.constant 0 : i32
      %eq3A_158 = arith.cmpi eq, %rem3A_156, %eq3A_157 : i32
      %convert_element_type3A_159 = arith.extui %eq3A_158 : i1 to i32
      %cond3A_160 = arith.constant 0 : i32
      %cond3A_161 = arith.cmpi ne, %convert_element_type3A_159, %cond3A_160 : i32
      scf.if %cond3A_161 {
        %lt3A = arith.constant 31 : i32
        %lt3A_168 = arith.cmpi slt, %scan3A_154, %lt3A : i32
        %convert_element_type3A_169 = arith.extui %lt3A_168 : i1 to i32
        %cond3A_170 = arith.constant 0 : i32
        %cond3A_171 = arith.cmpi ne, %convert_element_type3A_169, %cond3A_170 : i32
        scf.if %cond3A_171 {
          %add3A_319 = arith.constant 1 : i32
          %add3A_320 = arith.addi %scan3A_154, %add3A_319 : i32
          %mul3A_321 = arith.constant 512 : i32
          %mul3A_322 = arith.muli %add3A_320, %mul3A_321 : i32
          %add3A_323 = arith.addi %mul3A_2, %mul3A_322 : i32
          "tpu.region"() ({
            %run_scoped3A = tpu.sem_alloc : memref<!tpu.dma_semaphore, #tpu.memory_space<semaphore_mem>>
            %dma_start3A_331 = arith.constant 0 : i32
            %dma_start3A_332 = tpu.memref_slice %arg2[%dma_start3A_331, %add3A_323] : memref<4x524288xf32, #tpu.memory_space<hbm>> -> memref<4x512xf32, #tpu.memory_space<hbm>>
            %dma_start3A_333 = arith.constant 0 : i32
            %dma_start3A_334 = tpu.memref_slice %arg2[%dma_start3A_333, %add3A_323] : memref<4x524288xf32, #tpu.memory_space<hbm>> -> memref<4x512xf32, #tpu.memory_space<hbm>>
            tpu.enqueue_dma source(%dma_start3A_334 : memref<4x512xf32, #tpu.memory_space<hbm>>) target(%arg9 : memref<4x512xf32, #tpu.memory_space<vmem>>) target_semaphore(%run_scoped3A : memref<!tpu.dma_semaphore, #tpu.memory_space<semaphore_mem>>)
            %dma_wait3A_335 = arith.constant 0 : i32
            %dma_wait3A_336 = tpu.memref_slice %arg2[%dma_wait3A_335, %add3A_323] : memref<4x524288xf32, #tpu.memory_space<hbm>> -> memref<4x512xf32, #tpu.memory_space<hbm>>
            %dma_wait3A_337 = arith.constant 0 : i32
            %dma_wait3A_338 = tpu.memref_slice %arg2[%dma_wait3A_337, %add3A_323] : memref<4x524288xf32, #tpu.memory_space<hbm>> -> memref<4x512xf32, #tpu.memory_space<hbm>>
            tpu.wait_dma2 semaphore(%run_scoped3A : memref<!tpu.dma_semaphore, #tpu.memory_space<semaphore_mem>>) src(%dma_wait3A_338 : memref<4x512xf32, #tpu.memory_space<hbm>>) dst(%arg9 : memref<4x512xf32, #tpu.memory_space<vmem>>)
            tpu.yield
          }) : () -> ()
          %scan3A_324 = arith.constant 0 : i32
          %scan3A_325 = arith.constant 0 : i32
          %scan3A_326 = arith.constant 4 : i32
          %scan3A_327 = arith.addi %scan3A_325, %scan3A_326 : i32
          %scan3A_328 = arith.constant 1 : i32
          %scan3A_329 = scf.for %scan3A_331 = %scan3A_325 to %scan3A_327 step %scan3A_328 iter_args(%scan3A_332 = %scan3A_324) -> (i32)  : i32 {
            %scan3A_333 = arith.constant 0 : i32
            %scan3A_334 = arith.constant 0 : i32
            %scan3A_335 = arith.constant 8 : i32
            %scan3A_336 = arith.addi %scan3A_334, %scan3A_335 : i32
            %scan3A_337 = arith.constant 1 : i32
            %scan3A_338 = scf.for %scan3A_340 = %scan3A_334 to %scan3A_336 step %scan3A_337 iter_args(%scan3A_341 = %scan3A_333) -> (i32)  : i32 {
              %mul3A_342 = arith.constant 128 : i32
              %mul3A_343 = arith.muli %scan3A_331, %mul3A_342 : i32
              %mul3A_344 = arith.constant 16 : i32
              %mul3A_345 = arith.muli %scan3A_340, %mul3A_344 : i32
              %add3A_346 = arith.addi %mul3A_343, %mul3A_345 : i32
              %mul3A_347 = arith.constant 16 : i32
              %mul3A_348 = arith.muli %scan3A_340, %mul3A_347 : i32
              %get3A = arith.constant 3 : i32
              %get3A_349 = arith.index_cast %get3A : i32 to index
              %get3A_350 = arith.index_cast %add3A_346 : i32 to index
              %get3A_351 = tpu.vector_load %arg9[%get3A_349, %get3A_350] {strides = array<i32>} : memref<4x512xf32, #tpu.memory_space<vmem>>, vector<16xf32>,
              %mul3A_352 = arith.constant 2.000000e+00 : f32
              %mul3A_353 = vector.broadcast %mul3A_352 : f32 to vector<16xf32>
              %mul3A_354 = arith.mulf %get3A_351, %mul3A_353 : vector<16xf32>
              %sub3A = arith.constant 1.000000e+00 : f32
              %sub3A_355 = vector.broadcast %sub3A : f32 to vector<16xf32>
              %sub3A_356 = arith.subf %mul3A_354, %sub3A_355 : vector<16xf32>
              %get3A_357 = arith.constant 0 : i32
              %get3A_358 = arith.index_cast %get3A_357 : i32 to index
              %get3A_359 = arith.index_cast %add3A_346 : i32 to index
              %get3A_360 = tpu.vector_load %arg9[%get3A_358, %get3A_359] {strides = array<i32>} : memref<4x512xf32, #tpu.memory_space<vmem>>, vector<16xf32>,
              %add3A_361 = arith.constant 1.000000e+00 : f32
              %add3A_362 = vector.broadcast %add3A_361 : f32 to vector<16xf32>
              %add3A_363 = arith.addf %sub3A_356, %add3A_362 : vector<16xf32>
              %mul3A_364 = arith.constant 5.000000e-01 : f32
              %mul3A_365 = vector.broadcast %mul3A_364 : f32 to vector<16xf32>
              %mul3A_366 = arith.mulf %add3A_363, %mul3A_365 : vector<16xf32>
              %mul3A_367 = arith.constant 6.300000e+01 : f32
              %mul3A_368 = vector.broadcast %mul3A_367 : f32 to vector<16xf32>
              %mul3A_369 = arith.mulf %mul3A_366, %mul3A_368 : vector<16xf32>
              %add3A_370 = arith.constant 5.000000e-01 : f32
              %add3A_371 = vector.broadcast %add3A_370 : f32 to vector<16xf32>
              %add3A_372 = arith.addf %mul3A_369, %add3A_371 : vector<16xf32>
              %convert_element_type3A_373 = arith.fptosi %add3A_372 : vector<16xf32> to vector<16xi32>
              %max3A = arith.constant 0 : i32
              %max3A_374 = vector.broadcast %max3A : i32 to vector<16xi32>
              %max3A_375 = arith.maxsi %convert_element_type3A_373, %max3A_374 : vector<16xi32>
              %min3A = arith.constant 63 : i32
              %min3A_376 = vector.broadcast %min3A : i32 to vector<16xi32>
              %min3A_377 = arith.minsi %max3A_375, %min3A_376 : vector<16xi32>
              %sub3A_378 = arith.constant 1.300000e+00 : f32
              %sub3A_379 = vector.broadcast %sub3A_378 : f32 to vector<16xf32>
              %sub3A_380 = arith.subf %get3A_360, %sub3A_379 : vector<16xf32>
              %mul3A_381 = arith.constant -0.769230782 : f32
              %mul3A_382 = vector.broadcast %mul3A_381 : f32 to vector<16xf32>
              %mul3A_383 = arith.mulf %sub3A_380, %mul3A_382 : vector<16xf32>
              %sub3A_384 = arith.constant 1.000000e+00 : f32
              %sub3A_385 = vector.broadcast %sub3A_384 : f32 to vector<16xf32>
              %sub3A_386 = arith.subf %mul3A_383, %sub3A_385 : vector<16xf32>
              %add3A_387 = arith.constant 1.000000e+00 : f32
              %add3A_388 = vector.broadcast %add3A_387 : f32 to vector<16xf32>
              %add3A_389 = arith.addf %sub3A_386, %add3A_388 : vector<16xf32>
              %mul3A_390 = arith.constant 5.000000e-01 : f32
              %mul3A_391 = vector.broadcast %mul3A_390 : f32 to vector<16xf32>
              %mul3A_392 = arith.mulf %add3A_389, %mul3A_391 : vector<16xf32>
              %mul3A_393 = arith.constant 1.270000e+02 : f32
              %mul3A_394 = vector.broadcast %mul3A_393 : f32 to vector<16xf32>
              %mul3A_395 = arith.mulf %mul3A_392, %mul3A_394 : vector<16xf32>
              %add3A_396 = arith.constant 5.000000e-01 : f32
              %add3A_397 = vector.broadcast %add3A_396 : f32 to vector<16xf32>
              %add3A_398 = arith.addf %mul3A_395, %add3A_397 : vector<16xf32>
              %convert_element_type3A_399 = arith.fptosi %add3A_398 : vector<16xf32> to vector<16xi32>
              %max3A_400 = arith.constant 0 : i32
              %max3A_401 = vector.broadcast %max3A_400 : i32 to vector<16xi32>
              %max3A_402 = arith.maxsi %convert_element_type3A_399, %max3A_401 : vector<16xi32>
              %min3A_403 = arith.constant 127 : i32
              %min3A_404 = vector.broadcast %min3A_403 : i32 to vector<16xi32>
              %min3A_405 = arith.minsi %max3A_402, %min3A_404 : vector<16xi32>
              %mul3A_406 = arith.constant 64 : i32
              %mul3A_407 = vector.broadcast %mul3A_406 : i32 to vector<16xi32>
              %mul3A_408 = arith.muli %min3A_405, %mul3A_407 : vector<16xi32>
              %add3A_409 = arith.addi %mul3A_408, %min3A_377 : vector<16xi32>
              %swap3A = arith.index_cast %scan3A_331 : i32 to index
              %swap3A_410 = arith.index_cast %mul3A_348 : i32 to index
              %swap3A_411 = tpu.vector_load %arg13[%swap3A, %swap3A_410] {strides = array<i32>} : memref<4x128xi32, #tpu.memory_space<vmem>>, vector<16xi32>,
              tpu.vector_store %arg13[%swap3A, %swap3A_410], %add3A_409 {strides = array<i32>} : memref<4x128xi32, #tpu.memory_space<vmem>>, vector<16xi32>,
              %get3A_412 = arith.constant 1 : i32
              %get3A_413 = arith.index_cast %get3A_412 : i32 to index
              %get3A_414 = arith.index_cast %add3A_346 : i32 to index
              %get3A_415 = tpu.vector_load %arg9[%get3A_413, %get3A_414] {strides = array<i32>} : memref<4x512xf32, #tpu.memory_space<vmem>>, vector<16xf32>,
              %add3A_416 = arith.constant 1.000000e+00 : f32
              %add3A_417 = vector.broadcast %add3A_416 : f32 to vector<16xf32>
              %add3A_418 = arith.addf %sub3A_356, %add3A_417 : vector<16xf32>
              %mul3A_419 = arith.constant 5.000000e-01 : f32
              %mul3A_420 = vector.broadcast %mul3A_419 : f32 to vector<16xf32>
              %mul3A_421 = arith.mulf %add3A_418, %mul3A_420 : vector<16xf32>
              %mul3A_422 = arith.constant 6.300000e+01 : f32
              %mul3A_423 = vector.broadcast %mul3A_422 : f32 to vector<16xf32>
              %mul3A_424 = arith.mulf %mul3A_421, %mul3A_423 : vector<16xf32>
              %add3A_425 = arith.constant 5.000000e-01 : f32
              %add3A_426 = vector.broadcast %add3A_425 : f32 to vector<16xf32>
              %add3A_427 = arith.addf %mul3A_424, %add3A_426 : vector<16xf32>
              %convert_element_type3A_428 = arith.fptosi %add3A_427 : vector<16xf32> to vector<16xi32>
              %max3A_429 = arith.constant 0 : i32
              %max3A_430 = vector.broadcast %max3A_429 : i32 to vector<16xi32>
              %max3A_431 = arith.maxsi %convert_element_type3A_428, %max3A_430 : vector<16xi32>
              %min3A_432 = arith.constant 63 : i32
              %min3A_433 = vector.broadcast %min3A_432 : i32 to vector<16xi32>
              %min3A_434 = arith.minsi %max3A_431, %min3A_433 : vector<16xi32>
              %sub3A_435 = arith.constant 1.300000e+00 : f32
              %sub3A_436 = vector.broadcast %sub3A_435 : f32 to vector<16xf32>
              %sub3A_437 = arith.subf %get3A_415, %sub3A_436 : vector<16xf32>
              %mul3A_438 = arith.constant -0.769230782 : f32
              %mul3A_439 = vector.broadcast %mul3A_438 : f32 to vector<16xf32>
              %mul3A_440 = arith.mulf %sub3A_437, %mul3A_439 : vector<16xf32>
              %sub3A_441 = arith.constant 1.000000e+00 : f32
              %sub3A_442 = vector.broadcast %sub3A_441 : f32 to vector<16xf32>
              %sub3A_443 = arith.subf %mul3A_440, %sub3A_442 : vector<16xf32>
              %add3A_444 = arith.constant 1.000000e+00 : f32
              %add3A_445 = vector.broadcast %add3A_444 : f32 to vector<16xf32>
              %add3A_446 = arith.addf %sub3A_443, %add3A_445 : vector<16xf32>
              %mul3A_447 = arith.constant 5.000000e-01 : f32
              %mul3A_448 = vector.broadcast %mul3A_447 : f32 to vector<16xf32>
              %mul3A_449 = arith.mulf %add3A_446, %mul3A_448 : vector<16xf32>
              %mul3A_450 = arith.constant 1.270000e+02 : f32
              %mul3A_451 = vector.broadcast %mul3A_450 : f32 to vector<16xf32>
              %mul3A_452 = arith.mulf %mul3A_449, %mul3A_451 : vector<16xf32>
              %add3A_453 = arith.constant 5.000000e-01 : f32
              %add3A_454 = vector.broadcast %add3A_453 : f32 to vector<16xf32>
              %add3A_455 = arith.addf %mul3A_452, %add3A_454 : vector<16xf32>
              %convert_element_type3A_456 = arith.fptosi %add3A_455 : vector<16xf32> to vector<16xi32>
              %max3A_457 = arith.constant 0 : i32
              %max3A_458 = vector.broadcast %max3A_457 : i32 to vector<16xi32>
              %max3A_459 = arith.maxsi %convert_element_type3A_456, %max3A_458 : vector<16xi32>
              %min3A_460 = arith.constant 127 : i32
              %min3A_461 = vector.broadcast %min3A_460 : i32 to vector<16xi32>
              %min3A_462 = arith.minsi %max3A_459, %min3A_461 : vector<16xi32>
              %mul3A_463 = arith.constant 64 : i32
              %mul3A_464 = vector.broadcast %mul3A_463 : i32 to vector<16xi32>
              %mul3A_465 = arith.muli %min3A_462, %mul3A_464 : vector<16xi32>
              %add3A_466 = arith.addi %mul3A_465, %min3A_434 : vector<16xi32>
              %swap3A_467 = arith.index_cast %scan3A_331 : i32 to index
              %swap3A_468 = arith.index_cast %mul3A_348 : i32 to index
              %swap3A_469 = tpu.vector_load %arg14[%swap3A_467, %swap3A_468] {strides = array<i32>} : memref<4x128xi32, #tpu.memory_space<vmem>>, vector<16xi32>,
              tpu.vector_store %arg14[%swap3A_467, %swap3A_468], %add3A_466 {strides = array<i32>} : memref<4x128xi32, #tpu.memory_space<vmem>>, vector<16xi32>,
              %get3A_470 = arith.constant 2 : i32
              %get3A_471 = arith.index_cast %get3A_470 : i32 to index
              %get3A_472 = arith.index_cast %add3A_346 : i32 to index
              %get3A_473 = tpu.vector_load %arg9[%get3A_471, %get3A_472] {strides = array<i32>} : memref<4x512xf32, #tpu.memory_space<vmem>>, vector<16xf32>,
              %add3A_474 = arith.constant 1.000000e+00 : f32
              %add3A_475 = vector.broadcast %add3A_474 : f32 to vector<16xf32>
              %add3A_476 = arith.addf %sub3A_356, %add3A_475 : vector<16xf32>
              %mul3A_477 = arith.constant 5.000000e-01 : f32
              %mul3A_478 = vector.broadcast %mul3A_477 : f32 to vector<16xf32>
              %mul3A_479 = arith.mulf %add3A_476, %mul3A_478 : vector<16xf32>
              %mul3A_480 = arith.constant 6.300000e+01 : f32
              %mul3A_481 = vector.broadcast %mul3A_480 : f32 to vector<16xf32>
              %mul3A_482 = arith.mulf %mul3A_479, %mul3A_481 : vector<16xf32>
              %add3A_483 = arith.constant 5.000000e-01 : f32
              %add3A_484 = vector.broadcast %add3A_483 : f32 to vector<16xf32>
              %add3A_485 = arith.addf %mul3A_482, %add3A_484 : vector<16xf32>
              %convert_element_type3A_486 = arith.fptosi %add3A_485 : vector<16xf32> to vector<16xi32>
              %max3A_487 = arith.constant 0 : i32
              %max3A_488 = vector.broadcast %max3A_487 : i32 to vector<16xi32>
              %max3A_489 = arith.maxsi %convert_element_type3A_486, %max3A_488 : vector<16xi32>
              %min3A_490 = arith.constant 63 : i32
              %min3A_491 = vector.broadcast %min3A_490 : i32 to vector<16xi32>
              %min3A_492 = arith.minsi %max3A_489, %min3A_491 : vector<16xi32>
              %sub3A_493 = arith.constant 1.300000e+00 : f32
              %sub3A_494 = vector.broadcast %sub3A_493 : f32 to vector<16xf32>
              %sub3A_495 = arith.subf %get3A_473, %sub3A_494 : vector<16xf32>
              %mul3A_496 = arith.constant -0.769230782 : f32
              %mul3A_497 = vector.broadcast %mul3A_496 : f32 to vector<16xf32>
              %mul3A_498 = arith.mulf %sub3A_495, %mul3A_497 : vector<16xf32>
              %sub3A_499 = arith.constant 1.000000e+00 : f32
              %sub3A_500 = vector.broadcast %sub3A_499 : f32 to vector<16xf32>
              %sub3A_501 = arith.subf %mul3A_498, %sub3A_500 : vector<16xf32>
              %add3A_502 = arith.constant 1.000000e+00 : f32
              %add3A_503 = vector.broadcast %add3A_502 : f32 to vector<16xf32>
              %add3A_504 = arith.addf %sub3A_501, %add3A_503 : vector<16xf32>
              %mul3A_505 = arith.constant 5.000000e-01 : f32
              %mul3A_506 = vector.broadcast %mul3A_505 : f32 to vector<16xf32>
              %mul3A_507 = arith.mulf %add3A_504, %mul3A_506 : vector<16xf32>
              %mul3A_508 = arith.constant 1.270000e+02 : f32
              %mul3A_509 = vector.broadcast %mul3A_508 : f32 to vector<16xf32>
              %mul3A_510 = arith.mulf %mul3A_507, %mul3A_509 : vector<16xf32>
              %add3A_511 = arith.constant 5.000000e-01 : f32
              %add3A_512 = vector.broadcast %add3A_511 : f32 to vector<16xf32>
              %add3A_513 = arith.addf %mul3A_510, %add3A_512 : vector<16xf32>
              %convert_element_type3A_514 = arith.fptosi %add3A_513 : vector<16xf32> to vector<16xi32>
              %max3A_515 = arith.constant 0 : i32
              %max3A_516 = vector.broadcast %max3A_515 : i32 to vector<16xi32>
              %max3A_517 = arith.maxsi %convert_element_type3A_514, %max3A_516 : vector<16xi32>
              %min3A_518 = arith.constant 127 : i32
              %min3A_519 = vector.broadcast %min3A_518 : i32 to vector<16xi32>
              %min3A_520 = arith.minsi %max3A_517, %min3A_519 : vector<16xi32>
              %mul3A_521 = arith.constant 64 : i32
              %mul3A_522 = vector.broadcast %mul3A_521 : i32 to vector<16xi32>
              %mul3A_523 = arith.muli %min3A_520, %mul3A_522 : vector<16xi32>
              %add3A_524 = arith.addi %mul3A_523, %min3A_492 : vector<16xi32>
              %swap3A_525 = arith.index_cast %scan3A_331 : i32 to index
              %swap3A_526 = arith.index_cast %mul3A_348 : i32 to index
              %swap3A_527 = tpu.vector_load %arg15[%swap3A_525, %swap3A_526] {strides = array<i32>} : memref<4x128xi32, #tpu.memory_space<vmem>>, vector<16xi32>,
              tpu.vector_store %arg15[%swap3A_525, %swap3A_526], %add3A_524 {strides = array<i32>} : memref<4x128xi32, #tpu.memory_space<vmem>>, vector<16xi32>,
              %scan3A_528 = arith.constant 0 : i32
              scf.yield %scan3A_528 : i32
            }
            %scan3A_339 = arith.constant 8 : i32
            scf.yield %scan3A_338 : i32
          }
          %scan3A_330 = arith.constant 4 : i32
        } else {
        }
        %ge3A = arith.constant 2 : i32
        %ge3A_172 = arith.cmpi sge, %scan3A_154, %ge3A : i32
        %convert_element_type3A_173 = arith.extui %ge3A_172 : i1 to i32
        %cond3A_174 = arith.constant 0 : i32
        %cond3A_175 = arith.cmpi ne, %convert_element_type3A_173, %cond3A_174 : i32
        scf.if %cond3A_175 {
          %dma_wait3A_319 = arith.constant 0 : i32
          %dma_wait3A_320 = tpu.memref_slice %arg6[%mul3A_2, %dma_wait3A_319] : memref<524288x32xf32, #tpu.memory_space<hbm>> -> memref<512x32xf32, #tpu.memory_space<hbm>>
          %dma_wait3A_321 = arith.constant 0 : i32
          %dma_wait3A_322 = tpu.memref_slice %arg6[%mul3A_2, %dma_wait3A_321] : memref<524288x32xf32, #tpu.memory_space<hbm>> -> memref<512x32xf32, #tpu.memory_space<hbm>>
          tpu.wait_dma2 semaphore(%arg30 : memref<!tpu.dma_semaphore, #tpu.memory_space<semaphore_mem>>) src(%arg19 : memref<512x32xf32, #tpu.memory_space<vmem>>) dst(%dma_wait3A_322 : memref<512x32xf32, #tpu.memory_space<hbm>>)
          %dma_wait3A_323 = arith.constant 0 : i32
          %dma_wait3A_324 = tpu.memref_slice %arg6[%mul3A_2, %dma_wait3A_323] : memref<524288x32xf32, #tpu.memory_space<hbm>> -> memref<512x32xf32, #tpu.memory_space<hbm>>
          %dma_wait3A_325 = arith.constant 0 : i32
          %dma_wait3A_326 = tpu.memref_slice %arg6[%mul3A_2, %dma_wait3A_325] : memref<524288x32xf32, #tpu.memory_space<hbm>> -> memref<512x32xf32, #tpu.memory_space<hbm>>
          tpu.wait_dma2 semaphore(%arg30 : memref<!tpu.dma_semaphore, #tpu.memory_space<semaphore_mem>>) src(%arg19 : memref<512x32xf32, #tpu.memory_space<vmem>>) dst(%dma_wait3A_326 : memref<512x32xf32, #tpu.memory_space<hbm>>)
        } else {
        }
        %dma_wait3A_176 = arith.constant 0 : i32
        %dma_wait3A_177 = arith.constant 0 : i32
        %dma_wait3A_178 = arith.constant 0 : i32
        %dma_wait3A_179 = tpu.memref_slice %arg16[%dma_wait3A_177, %dma_wait3A_178] : memref<512x32xf32, #tpu.memory_space<vmem>> -> memref<128x32xf32, #tpu.memory_space<vmem>>
        %dma_wait3A_180 = arith.constant 0 : i32
        %dma_wait3A_181 = tpu.memref_slice %arg10[%dma_wait3A_176, %dma_wait3A_180] : memref<4x128xi32, #tpu.memory_space<vmem>> -> memref<1x128xi32, #tpu.memory_space<vmem>>
        %dma_wait3A_182 = tpu.memref_squeeze %dma_wait3A_181 : memref<1x128xi32, #tpu.memory_space<vmem>> -> memref<128xi32, #tpu.memory_space<vmem>>
        %dma_wait3A_183 = arith.constant 0 : i32
        %dma_wait3A_184 = arith.constant 0 : i32
        %dma_wait3A_185 = tpu.memref_slice %arg3[%dma_wait3A_183, %dma_wait3A_184] : memref<8192x32xf32, #tpu.memory_space<hbm>> -> memref<8192x32xf32, #tpu.memory_space<hbm>>
        tpu.wait_indirect_dma semaphore(%arg27 : memref<!tpu.dma_semaphore, #tpu.memory_space<semaphore_mem>>) src(%dma_wait3A_185 : memref<8192x32xf32, #tpu.memory_space<hbm>>) dst(%dma_wait3A_179 : memref<128x32xf32, #tpu.memory_space<vmem>>)
        %dma_wait3A_186 = arith.constant 0 : i32
        %dma_wait3A_187 = arith.constant 0 : i32
        %dma_wait3A_188 = arith.constant 0 : i32
        %dma_wait3A_189 = tpu.memref_slice %arg17[%dma_wait3A_187, %dma_wait3A_188] : memref<512x32xf32, #tpu.memory_space<vmem>> -> memref<128x32xf32, #tpu.memory_space<vmem>>
        %dma_wait3A_190 = arith.constant 0 : i32
        %dma_wait3A_191 = tpu.memref_slice %arg11[%dma_wait3A_186, %dma_wait3A_190] : memref<4x128xi32, #tpu.memory_space<vmem>> -> memref<1x128xi32, #tpu.memory_space<vmem>>
        %dma_wait3A_192 = tpu.memref_squeeze %dma_wait3A_191 : memref<1x128xi32, #tpu.memory_space<vmem>> -> memref<128xi32, #tpu.memory_space<vmem>>
        %dma_wait3A_193 = arith.constant 0 : i32
        %dma_wait3A_194 = arith.constant 0 : i32
        %dma_wait3A_195 = tpu.memref_slice %arg4[%dma_wait3A_193, %dma_wait3A_194] : memref<8192x32xf32, #tpu.memory_space<hbm>> -> memref<8192x32xf32, #tpu.memory_space<hbm>>
        tpu.wait_indirect_dma semaphore(%arg27 : memref<!tpu.dma_semaphore, #tpu.memory_space<semaphore_mem>>) src(%dma_wait3A_195 : memref<8192x32xf32, #tpu.memory_space<hbm>>) dst(%dma_wait3A_189 : memref<128x32xf32, #tpu.memory_space<vmem>>)
        %dma_wait3A_196 = arith.constant 0 : i32
        %dma_wait3A_197 = arith.constant 0 : i32
        %dma_wait3A_198 = arith.constant 0 : i32
        %dma_wait3A_199 = tpu.memref_slice %arg18[%dma_wait3A_197, %dma_wait3A_198] : memref<512x32xf32, #tpu.memory_space<vmem>> -> memref<128x32xf32, #tpu.memory_space<vmem>>
        %dma_wait3A_200 = arith.constant 0 : i32
        %dma_wait3A_201 = tpu.memref_slice %arg12[%dma_wait3A_196, %dma_wait3A_200] : memref<4x128xi32, #tpu.memory_space<vmem>> -> memref<1x128xi32, #tpu.memory_space<vmem>>
        %dma_wait3A_202 = tpu.memref_squeeze %dma_wait3A_201 : memref<1x128xi32, #tpu.memory_space<vmem>> -> memref<128xi32, #tpu.memory_space<vmem>>
        %dma_wait3A_203 = arith.constant 0 : i32
        %dma_wait3A_204 = arith.constant 0 : i32
        %dma_wait3A_205 = tpu.memref_slice %arg5[%dma_wait3A_203, %dma_wait3A_204] : memref<8192x32xf32, #tpu.memory_space<hbm>> -> memref<8192x32xf32, #tpu.memory_space<hbm>>
        tpu.wait_indirect_dma semaphore(%arg27 : memref<!tpu.dma_semaphore, #tpu.memory_space<semaphore_mem>>) src(%dma_wait3A_205 : memref<8192x32xf32, #tpu.memory_space<hbm>>) dst(%dma_wait3A_199 : memref<128x32xf32, #tpu.memory_space<vmem>>)
        %dma_wait3A_206 = arith.constant 1 : i32
        %dma_wait3A_207 = arith.constant 128 : i32
        %dma_wait3A_208 = arith.constant 0 : i32
        %dma_wait3A_209 = tpu.memref_slice %arg16[%dma_wait3A_207, %dma_wait3A_208] : memref<512x32xf32, #tpu.memory_space<vmem>> -> memref<128x32xf32, #tpu.memory_space<vmem>>
        %dma_wait3A_210 = arith.constant 0 : i32
        %dma_wait3A_211 = tpu.memref_slice %arg10[%dma_wait3A_206, %dma_wait3A_210] : memref<4x128xi32, #tpu.memory_space<vmem>> -> memref<1x128xi32, #tpu.memory_space<vmem>>
        %dma_wait3A_212 = tpu.memref_squeeze %dma_wait3A_211 : memref<1x128xi32, #tpu.memory_space<vmem>> -> memref<128xi32, #tpu.memory_space<vmem>>
        %dma_wait3A_213 = arith.constant 0 : i32
        %dma_wait3A_214 = arith.constant 0 : i32
        %dma_wait3A_215 = tpu.memref_slice %arg3[%dma_wait3A_213, %dma_wait3A_214] : memref<8192x32xf32, #tpu.memory_space<hbm>> -> memref<8192x32xf32, #tpu.memory_space<hbm>>
        tpu.wait_indirect_dma semaphore(%arg27 : memref<!tpu.dma_semaphore, #tpu.memory_space<semaphore_mem>>) src(%dma_wait3A_215 : memref<8192x32xf32, #tpu.memory_space<hbm>>) dst(%dma_wait3A_209 : memref<128x32xf32, #tpu.memory_space<vmem>>)
        %dma_wait3A_216 = arith.constant 1 : i32
        %dma_wait3A_217 = arith.constant 128 : i32
        %dma_wait3A_218 = arith.constant 0 : i32
        %dma_wait3A_219 = tpu.memref_slice %arg17[%dma_wait3A_217, %dma_wait3A_218] : memref<512x32xf32, #tpu.memory_space<vmem>> -> memref<128x32xf32, #tpu.memory_space<vmem>>
        %dma_wait3A_220 = arith.constant 0 : i32
        %dma_wait3A_221 = tpu.memref_slice %arg11[%dma_wait3A_216, %dma_wait3A_220] : memref<4x128xi32, #tpu.memory_space<vmem>> -> memref<1x128xi32, #tpu.memory_space<vmem>>
        %dma_wait3A_222 = tpu.memref_squeeze %dma_wait3A_221 : memref<1x128xi32, #tpu.memory_space<vmem>> -> memref<128xi32, #tpu.memory_space<vmem>>
        %dma_wait3A_223 = arith.constant 0 : i32
        %dma_wait3A_224 = arith.constant 0 : i32
        %dma_wait3A_225 = tpu.memref_slice %arg4[%dma_wait3A_223, %dma_wait3A_224] : memref<8192x32xf32, #tpu.memory_space<hbm>> -> memref<8192x32xf32, #tpu.memory_space<hbm>>
        tpu.wait_indirect_dma semaphore(%arg27 : memref<!tpu.dma_semaphore, #tpu.memory_space<semaphore_mem>>) src(%dma_wait3A_225 : memref<8192x32xf32, #tpu.memory_space<hbm>>) dst(%dma_wait3A_219 : memref<128x32xf32, #tpu.memory_space<vmem>>)
        %dma_wait3A_226 = arith.constant 1 : i32
        %dma_wait3A_227 = arith.constant 128 : i32
        %dma_wait3A_228 = arith.constant 0 : i32
        %dma_wait3A_229 = tpu.memref_slice %arg18[%dma_wait3A_227, %dma_wait3A_228] : memref<512x32xf32, #tpu.memory_space<vmem>> -> memref<128x32xf32, #tpu.memory_space<vmem>>
        %dma_wait3A_230 = arith.constant 0 : i32
        %dma_wait3A_231 = tpu.memref_slice %arg12[%dma_wait3A_226, %dma_wait3A_230] : memref<4x128xi32, #tpu.memory_space<vmem>> -> memref<1x128xi32, #tpu.memory_space<vmem>>
        %dma_wait3A_232 = tpu.memref_squeeze %dma_wait3A_231 : memref<1x128xi32, #tpu.memory_space<vmem>> -> memref<128xi32, #tpu.memory_space<vmem>>
        %dma_wait3A_233 = arith.constant 0 : i32
        %dma_wait3A_234 = arith.constant 0 : i32
        %dma_wait3A_235 = tpu.memref_slice %arg5[%dma_wait3A_233, %dma_wait3A_234] : memref<8192x32xf32, #tpu.memory_space<hbm>> -> memref<8192x32xf32, #tpu.memory_space<hbm>>
        tpu.wait_indirect_dma semaphore(%arg27 : memref<!tpu.dma_semaphore, #tpu.memory_space<semaphore_mem>>) src(%dma_wait3A_235 : memref<8192x32xf32, #tpu.memory_space<hbm>>) dst(%dma_wait3A_229 : memref<128x32xf32, #tpu.memory_space<vmem>>)
        %dma_wait3A_236 = arith.constant 2 : i32
        %dma_wait3A_237 = arith.constant 256 : i32
        %dma_wait3A_238 = arith.constant 0 : i32
        %dma_wait3A_239 = tpu.memref_slice %arg16[%dma_wait3A_237, %dma_wait3A_238] : memref<512x32xf32, #tpu.memory_space<vmem>> -> memref<128x32xf32, #tpu.memory_space<vmem>>
        %dma_wait3A_240 = arith.constant 0 : i32
        %dma_wait3A_241 = tpu.memref_slice %arg10[%dma_wait3A_236, %dma_wait3A_240] : memref<4x128xi32, #tpu.memory_space<vmem>> -> memref<1x128xi32, #tpu.memory_space<vmem>>
        %dma_wait3A_242 = tpu.memref_squeeze %dma_wait3A_241 : memref<1x128xi32, #tpu.memory_space<vmem>> -> memref<128xi32, #tpu.memory_space<vmem>>
        %dma_wait3A_243 = arith.constant 0 : i32
        %dma_wait3A_244 = arith.constant 0 : i32
        %dma_wait3A_245 = tpu.memref_slice %arg3[%dma_wait3A_243, %dma_wait3A_244] : memref<8192x32xf32, #tpu.memory_space<hbm>> -> memref<8192x32xf32, #tpu.memory_space<hbm>>
        tpu.wait_indirect_dma semaphore(%arg27 : memref<!tpu.dma_semaphore, #tpu.memory_space<semaphore_mem>>) src(%dma_wait3A_245 : memref<8192x32xf32, #tpu.memory_space<hbm>>) dst(%dma_wait3A_239 : memref<128x32xf32, #tpu.memory_space<vmem>>)
        %dma_wait3A_246 = arith.constant 2 : i32
        %dma_wait3A_247 = arith.constant 256 : i32
        %dma_wait3A_248 = arith.constant 0 : i32
        %dma_wait3A_249 = tpu.memref_slice %arg17[%dma_wait3A_247, %dma_wait3A_248] : memref<512x32xf32, #tpu.memory_space<vmem>> -> memref<128x32xf32, #tpu.memory_space<vmem>>
        %dma_wait3A_250 = arith.constant 0 : i32
        %dma_wait3A_251 = tpu.memref_slice %arg11[%dma_wait3A_246, %dma_wait3A_250] : memref<4x128xi32, #tpu.memory_space<vmem>> -> memref<1x128xi32, #tpu.memory_space<vmem>>
        %dma_wait3A_252 = tpu.memref_squeeze %dma_wait3A_251 : memref<1x128xi32, #tpu.memory_space<vmem>> -> memref<128xi32, #tpu.memory_space<vmem>>
        %dma_wait3A_253 = arith.constant 0 : i32
        %dma_wait3A_254 = arith.constant 0 : i32
        %dma_wait3A_255 = tpu.memref_slice %arg4[%dma_wait3A_253, %dma_wait3A_254] : memref<8192x32xf32, #tpu.memory_space<hbm>> -> memref<8192x32xf32, #tpu.memory_space<hbm>>
        tpu.wait_indirect_dma semaphore(%arg27 : memref<!tpu.dma_semaphore, #tpu.memory_space<semaphore_mem>>) src(%dma_wait3A_255 : memref<8192x32xf32, #tpu.memory_space<hbm>>) dst(%dma_wait3A_249 : memref<128x32xf32, #tpu.memory_space<vmem>>)
        %dma_wait3A_256 = arith.constant 2 : i32
        %dma_wait3A_257 = arith.constant 256 : i32
        %dma_wait3A_258 = arith.constant 0 : i32
        %dma_wait3A_259 = tpu.memref_slice %arg18[%dma_wait3A_257, %dma_wait3A_258] : memref<512x32xf32, #tpu.memory_space<vmem>> -> memref<128x32xf32, #tpu.memory_space<vmem>>
        %dma_wait3A_260 = arith.constant 0 : i32
        %dma_wait3A_261 = tpu.memref_slice %arg12[%dma_wait3A_256, %dma_wait3A_260] : memref<4x128xi32, #tpu.memory_space<vmem>> -> memref<1x128xi32, #tpu.memory_space<vmem>>
        %dma_wait3A_262 = tpu.memref_squeeze %dma_wait3A_261 : memref<1x128xi32, #tpu.memory_space<vmem>> -> memref<128xi32, #tpu.memory_space<vmem>>
        %dma_wait3A_263 = arith.constant 0 : i32
        %dma_wait3A_264 = arith.constant 0 : i32
        %dma_wait3A_265 = tpu.memref_slice %arg5[%dma_wait3A_263, %dma_wait3A_264] : memref<8192x32xf32, #tpu.memory_space<hbm>> -> memref<8192x32xf32, #tpu.memory_space<hbm>>
        tpu.wait_indirect_dma semaphore(%arg27 : memref<!tpu.dma_semaphore, #tpu.memory_space<semaphore_mem>>) src(%dma_wait3A_265 : memref<8192x32xf32, #tpu.memory_space<hbm>>) dst(%dma_wait3A_259 : memref<128x32xf32, #tpu.memory_space<vmem>>)
        %dma_wait3A_266 = arith.constant 3 : i32
        %dma_wait3A_267 = arith.constant 384 : i32
        %dma_wait3A_268 = arith.constant 0 : i32
        %dma_wait3A_269 = tpu.memref_slice %arg16[%dma_wait3A_267, %dma_wait3A_268] : memref<512x32xf32, #tpu.memory_space<vmem>> -> memref<128x32xf32, #tpu.memory_space<vmem>>
        %dma_wait3A_270 = arith.constant 0 : i32
        %dma_wait3A_271 = tpu.memref_slice %arg10[%dma_wait3A_266, %dma_wait3A_270] : memref<4x128xi32, #tpu.memory_space<vmem>> -> memref<1x128xi32, #tpu.memory_space<vmem>>
        %dma_wait3A_272 = tpu.memref_squeeze %dma_wait3A_271 : memref<1x128xi32, #tpu.memory_space<vmem>> -> memref<128xi32, #tpu.memory_space<vmem>>
        %dma_wait3A_273 = arith.constant 0 : i32
        %dma_wait3A_274 = arith.constant 0 : i32
        %dma_wait3A_275 = tpu.memref_slice %arg3[%dma_wait3A_273, %dma_wait3A_274] : memref<8192x32xf32, #tpu.memory_space<hbm>> -> memref<8192x32xf32, #tpu.memory_space<hbm>>
        tpu.wait_indirect_dma semaphore(%arg27 : memref<!tpu.dma_semaphore, #tpu.memory_space<semaphore_mem>>) src(%dma_wait3A_275 : memref<8192x32xf32, #tpu.memory_space<hbm>>) dst(%dma_wait3A_269 : memref<128x32xf32, #tpu.memory_space<vmem>>)
        %dma_wait3A_276 = arith.constant 3 : i32
        %dma_wait3A_277 = arith.constant 384 : i32
        %dma_wait3A_278 = arith.constant 0 : i32
        %dma_wait3A_279 = tpu.memref_slice %arg17[%dma_wait3A_277, %dma_wait3A_278] : memref<512x32xf32, #tpu.memory_space<vmem>> -> memref<128x32xf32, #tpu.memory_space<vmem>>
        %dma_wait3A_280 = arith.constant 0 : i32
        %dma_wait3A_281 = tpu.memref_slice %arg11[%dma_wait3A_276, %dma_wait3A_280] : memref<4x128xi32, #tpu.memory_space<vmem>> -> memref<1x128xi32, #tpu.memory_space<vmem>>
        %dma_wait3A_282 = tpu.memref_squeeze %dma_wait3A_281 : memref<1x128xi32, #tpu.memory_space<vmem>> -> memref<128xi32, #tpu.memory_space<vmem>>
        %dma_wait3A_283 = arith.constant 0 : i32
        %dma_wait3A_284 = arith.constant 0 : i32
        %dma_wait3A_285 = tpu.memref_slice %arg4[%dma_wait3A_283, %dma_wait3A_284] : memref<8192x32xf32, #tpu.memory_space<hbm>> -> memref<8192x32xf32, #tpu.memory_space<hbm>>
        tpu.wait_indirect_dma semaphore(%arg27 : memref<!tpu.dma_semaphore, #tpu.memory_space<semaphore_mem>>) src(%dma_wait3A_285 : memref<8192x32xf32, #tpu.memory_space<hbm>>) dst(%dma_wait3A_279 : memref<128x32xf32, #tpu.memory_space<vmem>>)
        %dma_wait3A_286 = arith.constant 3 : i32
        %dma_wait3A_287 = arith.constant 384 : i32
        %dma_wait3A_288 = arith.constant 0 : i32
        %dma_wait3A_289 = tpu.memref_slice %arg18[%dma_wait3A_287, %dma_wait3A_288] : memref<512x32xf32, #tpu.memory_space<vmem>> -> memref<128x32xf32, #tpu.memory_space<vmem>>
        %dma_wait3A_290 = arith.constant 0 : i32
        %dma_wait3A_291 = tpu.memref_slice %arg12[%dma_wait3A_286, %dma_wait3A_290] : memref<4x128xi32, #tpu.memory_space<vmem>> -> memref<1x128xi32, #tpu.memory_space<vmem>>
        %dma_wait3A_292 = tpu.memref_squeeze %dma_wait3A_291 : memref<1x128xi32, #tpu.memory_space<vmem>> -> memref<128xi32, #tpu.memory_space<vmem>>
        %dma_wait3A_293 = arith.constant 0 : i32
        %dma_wait3A_294 = arith.constant 0 : i32
        %dma_wait3A_295 = tpu.memref_slice %arg5[%dma_wait3A_293, %dma_wait3A_294] : memref<8192x32xf32, #tpu.memory_space<hbm>> -> memref<8192x32xf32, #tpu.memory_space<hbm>>
        tpu.wait_indirect_dma semaphore(%arg27 : memref<!tpu.dma_semaphore, #tpu.memory_space<semaphore_mem>>) src(%dma_wait3A_295 : memref<8192x32xf32, #tpu.memory_space<hbm>>) dst(%dma_wait3A_289 : memref<128x32xf32, #tpu.memory_space<vmem>>)
        %lt3A_296 = arith.constant 31 : i32
        %lt3A_297 = arith.cmpi slt, %scan3A_154, %lt3A_296 : i32
        %convert_element_type3A_298 = arith.extui %lt3A_297 : i1 to i32
        %cond3A_299 = arith.constant 0 : i32
        %cond3A_300 = arith.cmpi ne, %convert_element_type3A_298, %cond3A_299 : i32
        scf.if %cond3A_300 {
          %dma_start3A_319 = arith.constant 0 : i32
          %dma_start3A_320 = arith.constant 0 : i32
          %dma_start3A_321 = arith.constant 0 : i32
          %dma_start3A_322 = tpu.memref_slice %arg19[%dma_start3A_320, %dma_start3A_321] : memref<512x32xf32, #tpu.memory_space<vmem>> -> memref<128x32xf32, #tpu.memory_space<vmem>>
          %dma_start3A_323 = arith.constant 0 : i32
          %dma_start3A_324 = tpu.memref_slice %arg13[%dma_start3A_319, %dma_start3A_323] : memref<4x128xi32, #tpu.memory_space<vmem>> -> memref<1x128xi32, #tpu.memory_space<vmem>>
          %dma_start3A_325 = tpu.memref_squeeze %dma_start3A_324 : memref<1x128xi32, #tpu.memory_space<vmem>> -> memref<128xi32, #tpu.memory_space<vmem>>
          %dma_start3A_326 = arith.constant 0 : i32
          %dma_start3A_327 = arith.constant 0 : i32
          %dma_start3A_328 = tpu.memref_slice %arg3[%dma_start3A_326, %dma_start3A_327] : memref<8192x32xf32, #tpu.memory_space<hbm>> -> memref<8192x32xf32, #tpu.memory_space<hbm>>
          tpu.enqueue_indirect_dma source(%dma_start3A_328 : memref<8192x32xf32, #tpu.memory_space<hbm>>) target(%dma_start3A_322 : memref<128x32xf32, #tpu.memory_space<vmem>>) offsets(%dma_start3A_325 : memref<128xi32, #tpu.memory_space<vmem>>) semaphore(%arg28 : memref<!tpu.dma_semaphore, #tpu.memory_space<semaphore_mem>>)
          %dma_start3A_329 = arith.constant 0 : i32
          %dma_start3A_330 = arith.constant 0 : i32
          %dma_start3A_331 = arith.constant 0 : i32
          %dma_start3A_332 = tpu.memref_slice %arg20[%dma_start3A_330, %dma_start3A_331] : memref<512x32xf32, #tpu.memory_space<vmem>> -> memref<128x32xf32, #tpu.memory_space<vmem>>
          %dma_start3A_333 = arith.constant 0 : i32
          %dma_start3A_334 = tpu.memref_slice %arg14[%dma_start3A_329, %dma_start3A_333] : memref<4x128xi32, #tpu.memory_space<vmem>> -> memref<1x128xi32, #tpu.memory_space<vmem>>
          %dma_start3A_335 = tpu.memref_squeeze %dma_start3A_334 : memref<1x128xi32, #tpu.memory_space<vmem>> -> memref<128xi32, #tpu.memory_space<vmem>>
          %dma_start3A_336 = arith.constant 0 : i32
          %dma_start3A_337 = arith.constant 0 : i32
          %dma_start3A_338 = tpu.memref_slice %arg4[%dma_start3A_336, %dma_start3A_337] : memref<8192x32xf32, #tpu.memory_space<hbm>> -> memref<8192x32xf32, #tpu.memory_space<hbm>>
          tpu.enqueue_indirect_dma source(%dma_start3A_338 : memref<8192x32xf32, #tpu.memory_space<hbm>>) target(%dma_start3A_332 : memref<128x32xf32, #tpu.memory_space<vmem>>) offsets(%dma_start3A_335 : memref<128xi32, #tpu.memory_space<vmem>>) semaphore(%arg28 : memref<!tpu.dma_semaphore, #tpu.memory_space<semaphore_mem>>)
          %dma_start3A_339 = arith.constant 0 : i32
          %dma_start3A_340 = arith.constant 0 : i32
          %dma_start3A_341 = arith.constant 0 : i32
          %dma_start3A_342 = tpu.memref_slice %arg21[%dma_start3A_340, %dma_start3A_341] : memref<512x32xf32, #tpu.memory_space<vmem>> -> memref<128x32xf32, #tpu.memory_space<vmem>>
          %dma_start3A_343 = arith.constant 0 : i32
          %dma_start3A_344 = tpu.memref_slice %arg15[%dma_start3A_339, %dma_start3A_343] : memref<4x128xi32, #tpu.memory_space<vmem>> -> memref<1x128xi32, #tpu.memory_space<vmem>>
          %dma_start3A_345 = tpu.memref_squeeze %dma_start3A_344 : memref<1x128xi32, #tpu.memory_space<vmem>> -> memref<128xi32, #tpu.memory_space<vmem>>
          %dma_start3A_346 = arith.constant 0 : i32
          %dma_start3A_347 = arith.constant 0 : i32
          %dma_start3A_348 = tpu.memref_slice %arg5[%dma_start3A_346, %dma_start3A_347] : memref<8192x32xf32, #tpu.memory_space<hbm>> -> memref<8192x32xf32, #tpu.memory_space<hbm>>
          tpu.enqueue_indirect_dma source(%dma_start3A_348 : memref<8192x32xf32, #tpu.memory_space<hbm>>) target(%dma_start3A_342 : memref<128x32xf32, #tpu.memory_space<vmem>>) offsets(%dma_start3A_345 : memref<128xi32, #tpu.memory_space<vmem>>) semaphore(%arg28 : memref<!tpu.dma_semaphore, #tpu.memory_space<semaphore_mem>>)
          %dma_start3A_349 = arith.constant 1 : i32
          %dma_start3A_350 = arith.constant 128 : i32
          %dma_start3A_351 = arith.constant 0 : i32
          %dma_start3A_352 = tpu.memref_slice %arg19[%dma_start3A_350, %dma_start3A_351] : memref<512x32xf32, #tpu.memory_space<vmem>> -> memref<128x32xf32, #tpu.memory_space<vmem>>
          %dma_start3A_353 = arith.constant 0 : i32
          %dma_start3A_354 = tpu.memref_slice %arg13[%dma_start3A_349, %dma_start3A_353] : memref<4x128xi32, #tpu.memory_space<vmem>> -> memref<1x128xi32, #tpu.memory_space<vmem>>
          %dma_start3A_355 = tpu.memref_squeeze %dma_start3A_354 : memref<1x128xi32, #tpu.memory_space<vmem>> -> memref<128xi32, #tpu.memory_space<vmem>>
          %dma_start3A_356 = arith.constant 0 : i32
          %dma_start3A_357 = arith.constant 0 : i32
          %dma_start3A_358 = tpu.memref_slice %arg3[%dma_start3A_356, %dma_start3A_357] : memref<8192x32xf32, #tpu.memory_space<hbm>> -> memref<8192x32xf32, #tpu.memory_space<hbm>>
          tpu.enqueue_indirect_dma source(%dma_start3A_358 : memref<8192x32xf32, #tpu.memory_space<hbm>>) target(%dma_start3A_352 : memref<128x32xf32, #tpu.memory_space<vmem>>) offsets(%dma_start3A_355 : memref<128xi32, #tpu.memory_space<vmem>>) semaphore(%arg28 : memref<!tpu.dma_semaphore, #tpu.memory_space<semaphore_mem>>)
          %dma_start3A_359 = arith.constant 1 : i32
          %dma_start3A_360 = arith.constant 128 : i32
          %dma_start3A_361 = arith.constant 0 : i32
          %dma_start3A_362 = tpu.memref_slice %arg20[%dma_start3A_360, %dma_start3A_361] : memref<512x32xf32, #tpu.memory_space<vmem>> -> memref<128x32xf32, #tpu.memory_space<vmem>>
          %dma_start3A_363 = arith.constant 0 : i32
          %dma_start3A_364 = tpu.memref_slice %arg14[%dma_start3A_359, %dma_start3A_363] : memref<4x128xi32, #tpu.memory_space<vmem>> -> memref<1x128xi32, #tpu.memory_space<vmem>>
          %dma_start3A_365 = tpu.memref_squeeze %dma_start3A_364 : memref<1x128xi32, #tpu.memory_space<vmem>> -> memref<128xi32, #tpu.memory_space<vmem>>
          %dma_start3A_366 = arith.constant 0 : i32
          %dma_start3A_367 = arith.constant 0 : i32
          %dma_start3A_368 = tpu.memref_slice %arg4[%dma_start3A_366, %dma_start3A_367] : memref<8192x32xf32, #tpu.memory_space<hbm>> -> memref<8192x32xf32, #tpu.memory_space<hbm>>
          tpu.enqueue_indirect_dma source(%dma_start3A_368 : memref<8192x32xf32, #tpu.memory_space<hbm>>) target(%dma_start3A_362 : memref<128x32xf32, #tpu.memory_space<vmem>>) offsets(%dma_start3A_365 : memref<128xi32, #tpu.memory_space<vmem>>) semaphore(%arg28 : memref<!tpu.dma_semaphore, #tpu.memory_space<semaphore_mem>>)
          %dma_start3A_369 = arith.constant 1 : i32
          %dma_start3A_370 = arith.constant 128 : i32
          %dma_start3A_371 = arith.constant 0 : i32
          %dma_start3A_372 = tpu.memref_slice %arg21[%dma_start3A_370, %dma_start3A_371] : memref<512x32xf32, #tpu.memory_space<vmem>> -> memref<128x32xf32, #tpu.memory_space<vmem>>
          %dma_start3A_373 = arith.constant 0 : i32
          %dma_start3A_374 = tpu.memref_slice %arg15[%dma_start3A_369, %dma_start3A_373] : memref<4x128xi32, #tpu.memory_space<vmem>> -> memref<1x128xi32, #tpu.memory_space<vmem>>
          %dma_start3A_375 = tpu.memref_squeeze %dma_start3A_374 : memref<1x128xi32, #tpu.memory_space<vmem>> -> memref<128xi32, #tpu.memory_space<vmem>>
          %dma_start3A_376 = arith.constant 0 : i32
          %dma_start3A_377 = arith.constant 0 : i32
          %dma_start3A_378 = tpu.memref_slice %arg5[%dma_start3A_376, %dma_start3A_377] : memref<8192x32xf32, #tpu.memory_space<hbm>> -> memref<8192x32xf32, #tpu.memory_space<hbm>>
          tpu.enqueue_indirect_dma source(%dma_start3A_378 : memref<8192x32xf32, #tpu.memory_space<hbm>>) target(%dma_start3A_372 : memref<128x32xf32, #tpu.memory_space<vmem>>) offsets(%dma_start3A_375 : memref<128xi32, #tpu.memory_space<vmem>>) semaphore(%arg28 : memref<!tpu.dma_semaphore, #tpu.memory_space<semaphore_mem>>)
          %dma_start3A_379 = arith.constant 2 : i32
          %dma_start3A_380 = arith.constant 256 : i32
          %dma_start3A_381 = arith.constant 0 : i32
          %dma_start3A_382 = tpu.memref_slice %arg19[%dma_start3A_380, %dma_start3A_381] : memref<512x32xf32, #tpu.memory_space<vmem>> -> memref<128x32xf32, #tpu.memory_space<vmem>>
          %dma_start3A_383 = arith.constant 0 : i32
          %dma_start3A_384 = tpu.memref_slice %arg13[%dma_start3A_379, %dma_start3A_383] : memref<4x128xi32, #tpu.memory_space<vmem>> -> memref<1x128xi32, #tpu.memory_space<vmem>>
          %dma_start3A_385 = tpu.memref_squeeze %dma_start3A_384 : memref<1x128xi32, #tpu.memory_space<vmem>> -> memref<128xi32, #tpu.memory_space<vmem>>
          %dma_start3A_386 = arith.constant 0 : i32
          %dma_start3A_387 = arith.constant 0 : i32
          %dma_start3A_388 = tpu.memref_slice %arg3[%dma_start3A_386, %dma_start3A_387] : memref<8192x32xf32, #tpu.memory_space<hbm>> -> memref<8192x32xf32, #tpu.memory_space<hbm>>
          tpu.enqueue_indirect_dma source(%dma_start3A_388 : memref<8192x32xf32, #tpu.memory_space<hbm>>) target(%dma_start3A_382 : memref<128x32xf32, #tpu.memory_space<vmem>>) offsets(%dma_start3A_385 : memref<128xi32, #tpu.memory_space<vmem>>) semaphore(%arg28 : memref<!tpu.dma_semaphore, #tpu.memory_space<semaphore_mem>>)
          %dma_start3A_389 = arith.constant 2 : i32
          %dma_start3A_390 = arith.constant 256 : i32
          %dma_start3A_391 = arith.constant 0 : i32
          %dma_start3A_392 = tpu.memref_slice %arg20[%dma_start3A_390, %dma_start3A_391] : memref<512x32xf32, #tpu.memory_space<vmem>> -> memref<128x32xf32, #tpu.memory_space<vmem>>
          %dma_start3A_393 = arith.constant 0 : i32
          %dma_start3A_394 = tpu.memref_slice %arg14[%dma_start3A_389, %dma_start3A_393] : memref<4x128xi32, #tpu.memory_space<vmem>> -> memref<1x128xi32, #tpu.memory_space<vmem>>
          %dma_start3A_395 = tpu.memref_squeeze %dma_start3A_394 : memref<1x128xi32, #tpu.memory_space<vmem>> -> memref<128xi32, #tpu.memory_space<vmem>>
          %dma_start3A_396 = arith.constant 0 : i32
          %dma_start3A_397 = arith.constant 0 : i32
          %dma_start3A_398 = tpu.memref_slice %arg4[%dma_start3A_396, %dma_start3A_397] : memref<8192x32xf32, #tpu.memory_space<hbm>> -> memref<8192x32xf32, #tpu.memory_space<hbm>>
          tpu.enqueue_indirect_dma source(%dma_start3A_398 : memref<8192x32xf32, #tpu.memory_space<hbm>>) target(%dma_start3A_392 : memref<128x32xf32, #tpu.memory_space<vmem>>) offsets(%dma_start3A_395 : memref<128xi32, #tpu.memory_space<vmem>>) semaphore(%arg28 : memref<!tpu.dma_semaphore, #tpu.memory_space<semaphore_mem>>)
          %dma_start3A_399 = arith.constant 2 : i32
          %dma_start3A_400 = arith.constant 256 : i32
          %dma_start3A_401 = arith.constant 0 : i32
          %dma_start3A_402 = tpu.memref_slice %arg21[%dma_start3A_400, %dma_start3A_401] : memref<512x32xf32, #tpu.memory_space<vmem>> -> memref<128x32xf32, #tpu.memory_space<vmem>>
          %dma_start3A_403 = arith.constant 0 : i32
          %dma_start3A_404 = tpu.memref_slice %arg15[%dma_start3A_399, %dma_start3A_403] : memref<4x128xi32, #tpu.memory_space<vmem>> -> memref<1x128xi32, #tpu.memory_space<vmem>>
          %dma_start3A_405 = tpu.memref_squeeze %dma_start3A_404 : memref<1x128xi32, #tpu.memory_space<vmem>> -> memref<128xi32, #tpu.memory_space<vmem>>
          %dma_start3A_406 = arith.constant 0 : i32
          %dma_start3A_407 = arith.constant 0 : i32
          %dma_start3A_408 = tpu.memref_slice %arg5[%dma_start3A_406, %dma_start3A_407] : memref<8192x32xf32, #tpu.memory_space<hbm>> -> memref<8192x32xf32, #tpu.memory_space<hbm>>
          tpu.enqueue_indirect_dma source(%dma_start3A_408 : memref<8192x32xf32, #tpu.memory_space<hbm>>) target(%dma_start3A_402 : memref<128x32xf32, #tpu.memory_space<vmem>>) offsets(%dma_start3A_405 : memref<128xi32, #tpu.memory_space<vmem>>) semaphore(%arg28 : memref<!tpu.dma_semaphore, #tpu.memory_space<semaphore_mem>>)
          %dma_start3A_409 = arith.constant 3 : i32
          %dma_start3A_410 = arith.constant 384 : i32
          %dma_start3A_411 = arith.constant 0 : i32
          %dma_start3A_412 = tpu.memref_slice %arg19[%dma_start3A_410, %dma_start3A_411] : memref<512x32xf32, #tpu.memory_space<vmem>> -> memref<128x32xf32, #tpu.memory_space<vmem>>
          %dma_start3A_413 = arith.constant 0 : i32
          %dma_start3A_414 = tpu.memref_slice %arg13[%dma_start3A_409, %dma_start3A_413] : memref<4x128xi32, #tpu.memory_space<vmem>> -> memref<1x128xi32, #tpu.memory_space<vmem>>
          %dma_start3A_415 = tpu.memref_squeeze %dma_start3A_414 : memref<1x128xi32, #tpu.memory_space<vmem>> -> memref<128xi32, #tpu.memory_space<vmem>>
          %dma_start3A_416 = arith.constant 0 : i32
          %dma_start3A_417 = arith.constant 0 : i32
          %dma_start3A_418 = tpu.memref_slice %arg3[%dma_start3A_416, %dma_start3A_417] : memref<8192x32xf32, #tpu.memory_space<hbm>> -> memref<8192x32xf32, #tpu.memory_space<hbm>>
          tpu.enqueue_indirect_dma source(%dma_start3A_418 : memref<8192x32xf32, #tpu.memory_space<hbm>>) target(%dma_start3A_412 : memref<128x32xf32, #tpu.memory_space<vmem>>) offsets(%dma_start3A_415 : memref<128xi32, #tpu.memory_space<vmem>>) semaphore(%arg28 : memref<!tpu.dma_semaphore, #tpu.memory_space<semaphore_mem>>)
          %dma_start3A_419 = arith.constant 3 : i32
          %dma_start3A_420 = arith.constant 384 : i32
          %dma_start3A_421 = arith.constant 0 : i32
          %dma_start3A_422 = tpu.memref_slice %arg20[%dma_start3A_420, %dma_start3A_421] : memref<512x32xf32, #tpu.memory_space<vmem>> -> memref<128x32xf32, #tpu.memory_space<vmem>>
          %dma_start3A_423 = arith.constant 0 : i32
          %dma_start3A_424 = tpu.memref_slice %arg14[%dma_start3A_419, %dma_start3A_423] : memref<4x128xi32, #tpu.memory_space<vmem>> -> memref<1x128xi32, #tpu.memory_space<vmem>>
          %dma_start3A_425 = tpu.memref_squeeze %dma_start3A_424 : memref<1x128xi32, #tpu.memory_space<vmem>> -> memref<128xi32, #tpu.memory_space<vmem>>
          %dma_start3A_426 = arith.constant 0 : i32
          %dma_start3A_427 = arith.constant 0 : i32
          %dma_start3A_428 = tpu.memref_slice %arg4[%dma_start3A_426, %dma_start3A_427] : memref<8192x32xf32, #tpu.memory_space<hbm>> -> memref<8192x32xf32, #tpu.memory_space<hbm>>
          tpu.enqueue_indirect_dma source(%dma_start3A_428 : memref<8192x32xf32, #tpu.memory_space<hbm>>) target(%dma_start3A_422 : memref<128x32xf32, #tpu.memory_space<vmem>>) offsets(%dma_start3A_425 : memref<128xi32, #tpu.memory_space<vmem>>) semaphore(%arg28 : memref<!tpu.dma_semaphore, #tpu.memory_space<semaphore_mem>>)
          %dma_start3A_429 = arith.constant 3 : i32
          %dma_start3A_430 = arith.constant 384 : i32
          %dma_start3A_431 = arith.constant 0 : i32
          %dma_start3A_432 = tpu.memref_slice %arg21[%dma_start3A_430, %dma_start3A_431] : memref<512x32xf32, #tpu.memory_space<vmem>> -> memref<128x32xf32, #tpu.memory_space<vmem>>
          %dma_start3A_433 = arith.constant 0 : i32
          %dma_start3A_434 = tpu.memref_slice %arg15[%dma_start3A_429, %dma_start3A_433] : memref<4x128xi32, #tpu.memory_space<vmem>> -> memref<1x128xi32, #tpu.memory_space<vmem>>
          %dma_start3A_435 = tpu.memref_squeeze %dma_start3A_434 : memref<1x128xi32, #tpu.memory_space<vmem>> -> memref<128xi32, #tpu.memory_space<vmem>>
          %dma_start3A_436 = arith.constant 0 : i32
          %dma_start3A_437 = arith.constant 0 : i32
          %dma_start3A_438 = tpu.memref_slice %arg5[%dma_start3A_436, %dma_start3A_437] : memref<8192x32xf32, #tpu.memory_space<hbm>> -> memref<8192x32xf32, #tpu.memory_space<hbm>>
          tpu.enqueue_indirect_dma source(%dma_start3A_438 : memref<8192x32xf32, #tpu.memory_space<hbm>>) target(%dma_start3A_432 : memref<128x32xf32, #tpu.memory_space<vmem>>) offsets(%dma_start3A_435 : memref<128xi32, #tpu.memory_space<vmem>>) semaphore(%arg28 : memref<!tpu.dma_semaphore, #tpu.memory_space<semaphore_mem>>)
        } else {
        }
        %scan3A_301 = arith.constant 0 : i32
        %scan3A_302 = arith.constant 0 : i32
        %scan3A_303 = arith.constant 512 : i32
        %scan3A_304 = arith.addi %scan3A_302, %scan3A_303 : i32
        %scan3A_305 = arith.constant 1 : i32
        %scan3A_306 = scf.for %scan3A_319 = %scan3A_302 to %scan3A_304 step %scan3A_305 iter_args(%scan3A_320 = %scan3A_301) -> (i32)  : i32 {
          %get3A = arith.index_cast %scan3A_319 : i32 to index
          %get3A_321 = arith.constant 0 : index
          %get3A_322 = tpu.vector_load %arg16[%get3A, %get3A_321] {strides = array<i32>} : memref<512x32xf32, #tpu.memory_space<vmem>>, vector<16xf32>,
          %get3A_323 = arith.index_cast %scan3A_319 : i32 to index
          %get3A_324 = arith.constant 0 : index
          %get3A_325 = tpu.vector_load %arg17[%get3A_323, %get3A_324] {strides = array<i32>} : memref<512x32xf32, #tpu.memory_space<vmem>>, vector<16xf32>,
          %mul3A_326 = arith.mulf %get3A_322, %get3A_325 : vector<16xf32>
          %get3A_327 = arith.index_cast %scan3A_319 : i32 to index
          %get3A_328 = arith.constant 0 : index
          %get3A_329 = tpu.vector_load %arg18[%get3A_327, %get3A_328] {strides = array<i32>} : memref<512x32xf32, #tpu.memory_space<vmem>>, vector<16xf32>,
          %mul3A_330 = arith.mulf %mul3A_326, %get3A_329 : vector<16xf32>
          %swap3A = arith.index_cast %scan3A_319 : i32 to index
          %swap3A_331 = arith.constant 0 : index
          %swap3A_332 = tpu.vector_load %arg16[%swap3A, %swap3A_331] {strides = array<i32>} : memref<512x32xf32, #tpu.memory_space<vmem>>, vector<16xf32>,
          tpu.vector_store %arg16[%swap3A, %swap3A_331], %mul3A_330 {strides = array<i32>} : memref<512x32xf32, #tpu.memory_space<vmem>>, vector<16xf32>,
          %get3A_333 = arith.index_cast %scan3A_319 : i32 to index
          %get3A_334 = arith.constant 16 : index
          %get3A_335 = tpu.vector_load %arg16[%get3A_333, %get3A_334] {strides = array<i32>} : memref<512x32xf32, #tpu.memory_space<vmem>>, vector<16xf32>,
          %get3A_336 = arith.index_cast %scan3A_319 : i32 to index
          %get3A_337 = arith.constant 16 : index
          %get3A_338 = tpu.vector_load %arg17[%get3A_336, %get3A_337] {strides = array<i32>} : memref<512x32xf32, #tpu.memory_space<vmem>>, vector<16xf32>,
          %mul3A_339 = arith.mulf %get3A_335, %get3A_338 : vector<16xf32>
          %get3A_340 = arith.index_cast %scan3A_319 : i32 to index
          %get3A_341 = arith.constant 16 : index
          %get3A_342 = tpu.vector_load %arg18[%get3A_340, %get3A_341] {strides = array<i32>} : memref<512x32xf32, #tpu.memory_space<vmem>>, vector<16xf32>,
          %mul3A_343 = arith.mulf %mul3A_339, %get3A_342 : vector<16xf32>
          %swap3A_344 = arith.index_cast %scan3A_319 : i32 to index
          %swap3A_345 = arith.constant 16 : index
          %swap3A_346 = tpu.vector_load %arg16[%swap3A_344, %swap3A_345] {strides = array<i32>} : memref<512x32xf32, #tpu.memory_space<vmem>>, vector<16xf32>,
          tpu.vector_store %arg16[%swap3A_344, %swap3A_345], %mul3A_343 {strides = array<i32>} : memref<512x32xf32, #tpu.memory_space<vmem>>, vector<16xf32>,
          %scan3A_347 = arith.constant 0 : i32
          scf.yield %scan3A_347 : i32
        }
        %scan3A_307 = arith.constant 512 : i32
        %mul3A_308 = arith.constant 512 : i32
        %mul3A_309 = arith.muli %scan3A_154, %mul3A_308 : i32
        %add3A_310 = arith.addi %mul3A_2, %mul3A_309 : i32
        %dma_start3A_311 = arith.constant 0 : i32
        %dma_start3A_312 = tpu.memref_slice %arg6[%add3A_310, %dma_start3A_311] : memref<524288x32xf32, #tpu.memory_space<hbm>> -> memref<512x32xf32, #tpu.memory_space<hbm>>
        %dma_start3A_313 = arith.constant 0 : i32
        %dma_start3A_314 = tpu.memref_slice %arg6[%add3A_310, %dma_start3A_313] : memref<524288x32xf32, #tpu.memory_space<hbm>> -> memref<512x32xf32, #tpu.memory_space<hbm>>
        tpu.enqueue_dma source(%arg16 : memref<512x32xf32, #tpu.memory_space<vmem>>) target(%dma_start3A_314 : memref<512x32xf32, #tpu.memory_space<hbm>>) target_semaphore(%arg29 : memref<!tpu.dma_semaphore, #tpu.memory_space<semaphore_mem>>)
        %dma_start3A_315 = arith.constant 0 : i32
        %dma_start3A_316 = tpu.memref_slice %arg7[%add3A_310, %dma_start3A_315] : memref<524288x32xf32, #tpu.memory_space<hbm>> -> memref<512x32xf32, #tpu.memory_space<hbm>>
        %dma_start3A_317 = arith.constant 0 : i32
        %dma_start3A_318 = tpu.memref_slice %arg7[%add3A_310, %dma_start3A_317] : memref<524288x32xf32, #tpu.memory_space<hbm>> -> memref<512x32xf32, #tpu.memory_space<hbm>>
        tpu.enqueue_dma source(%arg16 : memref<512x32xf32, #tpu.memory_space<vmem>>) target(%dma_start3A_318 : memref<512x32xf32, #tpu.memory_space<hbm>>) target_semaphore(%arg29 : memref<!tpu.dma_semaphore, #tpu.memory_space<semaphore_mem>>)
      } else {
      }
      %eq3A_162 = arith.constant 1 : i32
      %eq3A_163 = arith.cmpi eq, %rem3A_156, %eq3A_162 : i32
      %convert_element_type3A_164 = arith.extui %eq3A_163 : i1 to i32
      %cond3A_165 = arith.constant 0 : i32
      %cond3A_166 = arith.cmpi ne, %convert_element_type3A_164, %cond3A_165 : i32
      scf.if %cond3A_166 {
        %lt3A = arith.constant 31 : i32
        %lt3A_168 = arith.cmpi slt, %scan3A_154, %lt3A : i32
        %convert_element_type3A_169 = arith.extui %lt3A_168 : i1 to i32
        %cond3A_170 = arith.constant 0 : i32
        %cond3A_171 = arith.cmpi ne, %convert_element_type3A_169, %cond3A_170 : i32
        scf.if %cond3A_171 {
          %add3A_319 = arith.constant 1 : i32
          %add3A_320 = arith.addi %scan3A_154, %add3A_319 : i32
          %mul3A_321 = arith.constant 512 : i32
          %mul3A_322 = arith.muli %add3A_320, %mul3A_321 : i32
          %add3A_323 = arith.addi %mul3A_2, %mul3A_322 : i32
          "tpu.region"() ({
            %run_scoped3A = tpu.sem_alloc : memref<!tpu.dma_semaphore, #tpu.memory_space<semaphore_mem>>
            %dma_start3A_331 = arith.constant 0 : i32
            %dma_start3A_332 = tpu.memref_slice %arg2[%dma_start3A_331, %add3A_323] : memref<4x524288xf32, #tpu.memory_space<hbm>> -> memref<4x512xf32, #tpu.memory_space<hbm>>
            %dma_start3A_333 = arith.constant 0 : i32
            %dma_start3A_334 = tpu.memref_slice %arg2[%dma_start3A_333, %add3A_323] : memref<4x524288xf32, #tpu.memory_space<hbm>> -> memref<4x512xf32, #tpu.memory_space<hbm>>
            tpu.enqueue_dma source(%dma_start3A_334 : memref<4x512xf32, #tpu.memory_space<hbm>>) target(%arg8 : memref<4x512xf32, #tpu.memory_space<vmem>>) target_semaphore(%run_scoped3A : memref<!tpu.dma_semaphore, #tpu.memory_space<semaphore_mem>>)
            %dma_wait3A_335 = arith.constant 0 : i32
            %dma_wait3A_336 = tpu.memref_slice %arg2[%dma_wait3A_335, %add3A_323] : memref<4x524288xf32, #tpu.memory_space<hbm>> -> memref<4x512xf32, #tpu.memory_space<hbm>>
            %dma_wait3A_337 = arith.constant 0 : i32
            %dma_wait3A_338 = tpu.memref_slice %arg2[%dma_wait3A_337, %add3A_323] : memref<4x524288xf32, #tpu.memory_space<hbm>> -> memref<4x512xf32, #tpu.memory_space<hbm>>
            tpu.wait_dma2 semaphore(%run_scoped3A : memref<!tpu.dma_semaphore, #tpu.memory_space<semaphore_mem>>) src(%dma_wait3A_338 : memref<4x512xf32, #tpu.memory_space<hbm>>) dst(%arg8 : memref<4x512xf32, #tpu.memory_space<vmem>>)
            tpu.yield
          }) : () -> ()
          %scan3A_324 = arith.constant 0 : i32
          %scan3A_325 = arith.constant 0 : i32
          %scan3A_326 = arith.constant 4 : i32
          %scan3A_327 = arith.addi %scan3A_325, %scan3A_326 : i32
          %scan3A_328 = arith.constant 1 : i32
          %scan3A_329 = scf.for %scan3A_331 = %scan3A_325 to %scan3A_327 step %scan3A_328 iter_args(%scan3A_332 = %scan3A_324) -> (i32)  : i32 {
            %scan3A_333 = arith.constant 0 : i32
            %scan3A_334 = arith.constant 0 : i32
            %scan3A_335 = arith.constant 8 : i32
            %scan3A_336 = arith.addi %scan3A_334, %scan3A_335 : i32
            %scan3A_337 = arith.constant 1 : i32
            %scan3A_338 = scf.for %scan3A_340 = %scan3A_334 to %scan3A_336 step %scan3A_337 iter_args(%scan3A_341 = %scan3A_333) -> (i32)  : i32 {
              %mul3A_342 = arith.constant 128 : i32
              %mul3A_343 = arith.muli %scan3A_331, %mul3A_342 : i32
              %mul3A_344 = arith.constant 16 : i32
              %mul3A_345 = arith.muli %scan3A_340, %mul3A_344 : i32
              %add3A_346 = arith.addi %mul3A_343, %mul3A_345 : i32
              %mul3A_347 = arith.constant 16 : i32
              %mul3A_348 = arith.muli %scan3A_340, %mul3A_347 : i32
              %get3A = arith.constant 3 : i32
              %get3A_349 = arith.index_cast %get3A : i32 to index
              %get3A_350 = arith.index_cast %add3A_346 : i32 to index
              %get3A_351 = tpu.vector_load %arg8[%get3A_349, %get3A_350] {strides = array<i32>} : memref<4x512xf32, #tpu.memory_space<vmem>>, vector<16xf32>,
              %mul3A_352 = arith.constant 2.000000e+00 : f32
              %mul3A_353 = vector.broadcast %mul3A_352 : f32 to vector<16xf32>
              %mul3A_354 = arith.mulf %get3A_351, %mul3A_353 : vector<16xf32>
              %sub3A = arith.constant 1.000000e+00 : f32
              %sub3A_355 = vector.broadcast %sub3A : f32 to vector<16xf32>
              %sub3A_356 = arith.subf %mul3A_354, %sub3A_355 : vector<16xf32>
              %get3A_357 = arith.constant 0 : i32
              %get3A_358 = arith.index_cast %get3A_357 : i32 to index
              %get3A_359 = arith.index_cast %add3A_346 : i32 to index
              %get3A_360 = tpu.vector_load %arg8[%get3A_358, %get3A_359] {strides = array<i32>} : memref<4x512xf32, #tpu.memory_space<vmem>>, vector<16xf32>,
              %add3A_361 = arith.constant 1.000000e+00 : f32
              %add3A_362 = vector.broadcast %add3A_361 : f32 to vector<16xf32>
              %add3A_363 = arith.addf %sub3A_356, %add3A_362 : vector<16xf32>
              %mul3A_364 = arith.constant 5.000000e-01 : f32
              %mul3A_365 = vector.broadcast %mul3A_364 : f32 to vector<16xf32>
              %mul3A_366 = arith.mulf %add3A_363, %mul3A_365 : vector<16xf32>
              %mul3A_367 = arith.constant 6.300000e+01 : f32
              %mul3A_368 = vector.broadcast %mul3A_367 : f32 to vector<16xf32>
              %mul3A_369 = arith.mulf %mul3A_366, %mul3A_368 : vector<16xf32>
              %add3A_370 = arith.constant 5.000000e-01 : f32
              %add3A_371 = vector.broadcast %add3A_370 : f32 to vector<16xf32>
              %add3A_372 = arith.addf %mul3A_369, %add3A_371 : vector<16xf32>
              %convert_element_type3A_373 = arith.fptosi %add3A_372 : vector<16xf32> to vector<16xi32>
              %max3A = arith.constant 0 : i32
              %max3A_374 = vector.broadcast %max3A : i32 to vector<16xi32>
              %max3A_375 = arith.maxsi %convert_element_type3A_373, %max3A_374 : vector<16xi32>
              %min3A = arith.constant 63 : i32
              %min3A_376 = vector.broadcast %min3A : i32 to vector<16xi32>
              %min3A_377 = arith.minsi %max3A_375, %min3A_376 : vector<16xi32>
              %sub3A_378 = arith.constant 1.300000e+00 : f32
              %sub3A_379 = vector.broadcast %sub3A_378 : f32 to vector<16xf32>
              %sub3A_380 = arith.subf %get3A_360, %sub3A_379 : vector<16xf32>
              %mul3A_381 = arith.constant -0.769230782 : f32
              %mul3A_382 = vector.broadcast %mul3A_381 : f32 to vector<16xf32>
              %mul3A_383 = arith.mulf %sub3A_380, %mul3A_382 : vector<16xf32>
              %sub3A_384 = arith.constant 1.000000e+00 : f32
              %sub3A_385 = vector.broadcast %sub3A_384 : f32 to vector<16xf32>
              %sub3A_386 = arith.subf %mul3A_383, %sub3A_385 : vector<16xf32>
              %add3A_387 = arith.constant 1.000000e+00 : f32
              %add3A_388 = vector.broadcast %add3A_387 : f32 to vector<16xf32>
              %add3A_389 = arith.addf %sub3A_386, %add3A_388 : vector<16xf32>
              %mul3A_390 = arith.constant 5.000000e-01 : f32
              %mul3A_391 = vector.broadcast %mul3A_390 : f32 to vector<16xf32>
              %mul3A_392 = arith.mulf %add3A_389, %mul3A_391 : vector<16xf32>
              %mul3A_393 = arith.constant 1.270000e+02 : f32
              %mul3A_394 = vector.broadcast %mul3A_393 : f32 to vector<16xf32>
              %mul3A_395 = arith.mulf %mul3A_392, %mul3A_394 : vector<16xf32>
              %add3A_396 = arith.constant 5.000000e-01 : f32
              %add3A_397 = vector.broadcast %add3A_396 : f32 to vector<16xf32>
              %add3A_398 = arith.addf %mul3A_395, %add3A_397 : vector<16xf32>
              %convert_element_type3A_399 = arith.fptosi %add3A_398 : vector<16xf32> to vector<16xi32>
              %max3A_400 = arith.constant 0 : i32
              %max3A_401 = vector.broadcast %max3A_400 : i32 to vector<16xi32>
              %max3A_402 = arith.maxsi %convert_element_type3A_399, %max3A_401 : vector<16xi32>
              %min3A_403 = arith.constant 127 : i32
              %min3A_404 = vector.broadcast %min3A_403 : i32 to vector<16xi32>
              %min3A_405 = arith.minsi %max3A_402, %min3A_404 : vector<16xi32>
              %mul3A_406 = arith.constant 64 : i32
              %mul3A_407 = vector.broadcast %mul3A_406 : i32 to vector<16xi32>
              %mul3A_408 = arith.muli %min3A_405, %mul3A_407 : vector<16xi32>
              %add3A_409 = arith.addi %mul3A_408, %min3A_377 : vector<16xi32>
              %swap3A = arith.index_cast %scan3A_331 : i32 to index
              %swap3A_410 = arith.index_cast %mul3A_348 : i32 to index
              %swap3A_411 = tpu.vector_load %arg10[%swap3A, %swap3A_410] {strides = array<i32>} : memref<4x128xi32, #tpu.memory_space<vmem>>, vector<16xi32>,
              tpu.vector_store %arg10[%swap3A, %swap3A_410], %add3A_409 {strides = array<i32>} : memref<4x128xi32, #tpu.memory_space<vmem>>, vector<16xi32>,
              %get3A_412 = arith.constant 1 : i32
              %get3A_413 = arith.index_cast %get3A_412 : i32 to index
              %get3A_414 = arith.index_cast %add3A_346 : i32 to index
              %get3A_415 = tpu.vector_load %arg8[%get3A_413, %get3A_414] {strides = array<i32>} : memref<4x512xf32, #tpu.memory_space<vmem>>, vector<16xf32>,
              %add3A_416 = arith.constant 1.000000e+00 : f32
              %add3A_417 = vector.broadcast %add3A_416 : f32 to vector<16xf32>
              %add3A_418 = arith.addf %sub3A_356, %add3A_417 : vector<16xf32>
              %mul3A_419 = arith.constant 5.000000e-01 : f32
              %mul3A_420 = vector.broadcast %mul3A_419 : f32 to vector<16xf32>
              %mul3A_421 = arith.mulf %add3A_418, %mul3A_420 : vector<16xf32>
              %mul3A_422 = arith.constant 6.300000e+01 : f32
              %mul3A_423 = vector.broadcast %mul3A_422 : f32 to vector<16xf32>
              %mul3A_424 = arith.mulf %mul3A_421, %mul3A_423 : vector<16xf32>
              %add3A_425 = arith.constant 5.000000e-01 : f32
              %add3A_426 = vector.broadcast %add3A_425 : f32 to vector<16xf32>
              %add3A_427 = arith.addf %mul3A_424, %add3A_426 : vector<16xf32>
              %convert_element_type3A_428 = arith.fptosi %add3A_427 : vector<16xf32> to vector<16xi32>
              %max3A_429 = arith.constant 0 : i32
              %max3A_430 = vector.broadcast %max3A_429 : i32 to vector<16xi32>
              %max3A_431 = arith.maxsi %convert_element_type3A_428, %max3A_430 : vector<16xi32>
              %min3A_432 = arith.constant 63 : i32
              %min3A_433 = vector.broadcast %min3A_432 : i32 to vector<16xi32>
              %min3A_434 = arith.minsi %max3A_431, %min3A_433 : vector<16xi32>
              %sub3A_435 = arith.constant 1.300000e+00 : f32
              %sub3A_436 = vector.broadcast %sub3A_435 : f32 to vector<16xf32>
              %sub3A_437 = arith.subf %get3A_415, %sub3A_436 : vector<16xf32>
              %mul3A_438 = arith.constant -0.769230782 : f32
              %mul3A_439 = vector.broadcast %mul3A_438 : f32 to vector<16xf32>
              %mul3A_440 = arith.mulf %sub3A_437, %mul3A_439 : vector<16xf32>
              %sub3A_441 = arith.constant 1.000000e+00 : f32
              %sub3A_442 = vector.broadcast %sub3A_441 : f32 to vector<16xf32>
              %sub3A_443 = arith.subf %mul3A_440, %sub3A_442 : vector<16xf32>
              %add3A_444 = arith.constant 1.000000e+00 : f32
              %add3A_445 = vector.broadcast %add3A_444 : f32 to vector<16xf32>
              %add3A_446 = arith.addf %sub3A_443, %add3A_445 : vector<16xf32>
              %mul3A_447 = arith.constant 5.000000e-01 : f32
              %mul3A_448 = vector.broadcast %mul3A_447 : f32 to vector<16xf32>
              %mul3A_449 = arith.mulf %add3A_446, %mul3A_448 : vector<16xf32>
              %mul3A_450 = arith.constant 1.270000e+02 : f32
              %mul3A_451 = vector.broadcast %mul3A_450 : f32 to vector<16xf32>
              %mul3A_452 = arith.mulf %mul3A_449, %mul3A_451 : vector<16xf32>
              %add3A_453 = arith.constant 5.000000e-01 : f32
              %add3A_454 = vector.broadcast %add3A_453 : f32 to vector<16xf32>
              %add3A_455 = arith.addf %mul3A_452, %add3A_454 : vector<16xf32>
              %convert_element_type3A_456 = arith.fptosi %add3A_455 : vector<16xf32> to vector<16xi32>
              %max3A_457 = arith.constant 0 : i32
              %max3A_458 = vector.broadcast %max3A_457 : i32 to vector<16xi32>
              %max3A_459 = arith.maxsi %convert_element_type3A_456, %max3A_458 : vector<16xi32>
              %min3A_460 = arith.constant 127 : i32
              %min3A_461 = vector.broadcast %min3A_460 : i32 to vector<16xi32>
              %min3A_462 = arith.minsi %max3A_459, %min3A_461 : vector<16xi32>
              %mul3A_463 = arith.constant 64 : i32
              %mul3A_464 = vector.broadcast %mul3A_463 : i32 to vector<16xi32>
              %mul3A_465 = arith.muli %min3A_462, %mul3A_464 : vector<16xi32>
              %add3A_466 = arith.addi %mul3A_465, %min3A_434 : vector<16xi32>
              %swap3A_467 = arith.index_cast %scan3A_331 : i32 to index
              %swap3A_468 = arith.index_cast %mul3A_348 : i32 to index
              %swap3A_469 = tpu.vector_load %arg11[%swap3A_467, %swap3A_468] {strides = array<i32>} : memref<4x128xi32, #tpu.memory_space<vmem>>, vector<16xi32>,
              tpu.vector_store %arg11[%swap3A_467, %swap3A_468], %add3A_466 {strides = array<i32>} : memref<4x128xi32, #tpu.memory_space<vmem>>, vector<16xi32>,
              %get3A_470 = arith.constant 2 : i32
              %get3A_471 = arith.index_cast %get3A_470 : i32 to index
              %get3A_472 = arith.index_cast %add3A_346 : i32 to index
              %get3A_473 = tpu.vector_load %arg8[%get3A_471, %get3A_472] {strides = array<i32>} : memref<4x512xf32, #tpu.memory_space<vmem>>, vector<16xf32>,
              %add3A_474 = arith.constant 1.000000e+00 : f32
              %add3A_475 = vector.broadcast %add3A_474 : f32 to vector<16xf32>
              %add3A_476 = arith.addf %sub3A_356, %add3A_475 : vector<16xf32>
              %mul3A_477 = arith.constant 5.000000e-01 : f32
              %mul3A_478 = vector.broadcast %mul3A_477 : f32 to vector<16xf32>
              %mul3A_479 = arith.mulf %add3A_476, %mul3A_478 : vector<16xf32>
              %mul3A_480 = arith.constant 6.300000e+01 : f32
              %mul3A_481 = vector.broadcast %mul3A_480 : f32 to vector<16xf32>
              %mul3A_482 = arith.mulf %mul3A_479, %mul3A_481 : vector<16xf32>
              %add3A_483 = arith.constant 5.000000e-01 : f32
              %add3A_484 = vector.broadcast %add3A_483 : f32 to vector<16xf32>
              %add3A_485 = arith.addf %mul3A_482, %add3A_484 : vector<16xf32>
              %convert_element_type3A_486 = arith.fptosi %add3A_485 : vector<16xf32> to vector<16xi32>
              %max3A_487 = arith.constant 0 : i32
              %max3A_488 = vector.broadcast %max3A_487 : i32 to vector<16xi32>
              %max3A_489 = arith.maxsi %convert_element_type3A_486, %max3A_488 : vector<16xi32>
              %min3A_490 = arith.constant 63 : i32
              %min3A_491 = vector.broadcast %min3A_490 : i32 to vector<16xi32>
              %min3A_492 = arith.minsi %max3A_489, %min3A_491 : vector<16xi32>
              %sub3A_493 = arith.constant 1.300000e+00 : f32
              %sub3A_494 = vector.broadcast %sub3A_493 : f32 to vector<16xf32>
              %sub3A_495 = arith.subf %get3A_473, %sub3A_494 : vector<16xf32>
              %mul3A_496 = arith.constant -0.769230782 : f32
              %mul3A_497 = vector.broadcast %mul3A_496 : f32 to vector<16xf32>
              %mul3A_498 = arith.mulf %sub3A_495, %mul3A_497 : vector<16xf32>
              %sub3A_499 = arith.constant 1.000000e+00 : f32
              %sub3A_500 = vector.broadcast %sub3A_499 : f32 to vector<16xf32>
              %sub3A_501 = arith.subf %mul3A_498, %sub3A_500 : vector<16xf32>
              %add3A_502 = arith.constant 1.000000e+00 : f32
              %add3A_503 = vector.broadcast %add3A_502 : f32 to vector<16xf32>
              %add3A_504 = arith.addf %sub3A_501, %add3A_503 : vector<16xf32>
              %mul3A_505 = arith.constant 5.000000e-01 : f32
              %mul3A_506 = vector.broadcast %mul3A_505 : f32 to vector<16xf32>
              %mul3A_507 = arith.mulf %add3A_504, %mul3A_506 : vector<16xf32>
              %mul3A_508 = arith.constant 1.270000e+02 : f32
              %mul3A_509 = vector.broadcast %mul3A_508 : f32 to vector<16xf32>
              %mul3A_510 = arith.mulf %mul3A_507, %mul3A_509 : vector<16xf32>
              %add3A_511 = arith.constant 5.000000e-01 : f32
              %add3A_512 = vector.broadcast %add3A_511 : f32 to vector<16xf32>
              %add3A_513 = arith.addf %mul3A_510, %add3A_512 : vector<16xf32>
              %convert_element_type3A_514 = arith.fptosi %add3A_513 : vector<16xf32> to vector<16xi32>
              %max3A_515 = arith.constant 0 : i32
              %max3A_516 = vector.broadcast %max3A_515 : i32 to vector<16xi32>
              %max3A_517 = arith.maxsi %convert_element_type3A_514, %max3A_516 : vector<16xi32>
              %min3A_518 = arith.constant 127 : i32
              %min3A_519 = vector.broadcast %min3A_518 : i32 to vector<16xi32>
              %min3A_520 = arith.minsi %max3A_517, %min3A_519 : vector<16xi32>
              %mul3A_521 = arith.constant 64 : i32
              %mul3A_522 = vector.broadcast %mul3A_521 : i32 to vector<16xi32>
              %mul3A_523 = arith.muli %min3A_520, %mul3A_522 : vector<16xi32>
              %add3A_524 = arith.addi %mul3A_523, %min3A_492 : vector<16xi32>
              %swap3A_525 = arith.index_cast %scan3A_331 : i32 to index
              %swap3A_526 = arith.index_cast %mul3A_348 : i32 to index
              %swap3A_527 = tpu.vector_load %arg12[%swap3A_525, %swap3A_526] {strides = array<i32>} : memref<4x128xi32, #tpu.memory_space<vmem>>, vector<16xi32>,
              tpu.vector_store %arg12[%swap3A_525, %swap3A_526], %add3A_524 {strides = array<i32>} : memref<4x128xi32, #tpu.memory_space<vmem>>, vector<16xi32>,
              %scan3A_528 = arith.constant 0 : i32
              scf.yield %scan3A_528 : i32
            }
            %scan3A_339 = arith.constant 8 : i32
            scf.yield %scan3A_338 : i32
          }
          %scan3A_330 = arith.constant 4 : i32
        } else {
        }
        %ge3A = arith.constant 2 : i32
        %ge3A_172 = arith.cmpi sge, %scan3A_154, %ge3A : i32
        %convert_element_type3A_173 = arith.extui %ge3A_172 : i1 to i32
        %cond3A_174 = arith.constant 0 : i32
        %cond3A_175 = arith.cmpi ne, %convert_element_type3A_173, %cond3A_174 : i32
        scf.if %cond3A_175 {
          %dma_wait3A_319 = arith.constant 0 : i32
          %dma_wait3A_320 = tpu.memref_slice %arg6[%mul3A_2, %dma_wait3A_319] : memref<524288x32xf32, #tpu.memory_space<hbm>> -> memref<512x32xf32, #tpu.memory_space<hbm>>
          %dma_wait3A_321 = arith.constant 0 : i32
          %dma_wait3A_322 = tpu.memref_slice %arg6[%mul3A_2, %dma_wait3A_321] : memref<524288x32xf32, #tpu.memory_space<hbm>> -> memref<512x32xf32, #tpu.memory_space<hbm>>
          tpu.wait_dma2 semaphore(%arg29 : memref<!tpu.dma_semaphore, #tpu.memory_space<semaphore_mem>>) src(%arg16 : memref<512x32xf32, #tpu.memory_space<vmem>>) dst(%dma_wait3A_322 : memref<512x32xf32, #tpu.memory_space<hbm>>)
          %dma_wait3A_323 = arith.constant 0 : i32
          %dma_wait3A_324 = tpu.memref_slice %arg6[%mul3A_2, %dma_wait3A_323] : memref<524288x32xf32, #tpu.memory_space<hbm>> -> memref<512x32xf32, #tpu.memory_space<hbm>>
          %dma_wait3A_325 = arith.constant 0 : i32
          %dma_wait3A_326 = tpu.memref_slice %arg6[%mul3A_2, %dma_wait3A_325] : memref<524288x32xf32, #tpu.memory_space<hbm>> -> memref<512x32xf32, #tpu.memory_space<hbm>>
          tpu.wait_dma2 semaphore(%arg29 : memref<!tpu.dma_semaphore, #tpu.memory_space<semaphore_mem>>) src(%arg16 : memref<512x32xf32, #tpu.memory_space<vmem>>) dst(%dma_wait3A_326 : memref<512x32xf32, #tpu.memory_space<hbm>>)
        } else {
        }
        %dma_wait3A_176 = arith.constant 0 : i32
        %dma_wait3A_177 = arith.constant 0 : i32
        %dma_wait3A_178 = arith.constant 0 : i32
        %dma_wait3A_179 = tpu.memref_slice %arg19[%dma_wait3A_177, %dma_wait3A_178] : memref<512x32xf32, #tpu.memory_space<vmem>> -> memref<128x32xf32, #tpu.memory_space<vmem>>
        %dma_wait3A_180 = arith.constant 0 : i32
        %dma_wait3A_181 = tpu.memref_slice %arg13[%dma_wait3A_176, %dma_wait3A_180] : memref<4x128xi32, #tpu.memory_space<vmem>> -> memref<1x128xi32, #tpu.memory_space<vmem>>
        %dma_wait3A_182 = tpu.memref_squeeze %dma_wait3A_181 : memref<1x128xi32, #tpu.memory_space<vmem>> -> memref<128xi32, #tpu.memory_space<vmem>>
        %dma_wait3A_183 = arith.constant 0 : i32
        %dma_wait3A_184 = arith.constant 0 : i32
        %dma_wait3A_185 = tpu.memref_slice %arg3[%dma_wait3A_183, %dma_wait3A_184] : memref<8192x32xf32, #tpu.memory_space<hbm>> -> memref<8192x32xf32, #tpu.memory_space<hbm>>
        tpu.wait_indirect_dma semaphore(%arg28 : memref<!tpu.dma_semaphore, #tpu.memory_space<semaphore_mem>>) src(%dma_wait3A_185 : memref<8192x32xf32, #tpu.memory_space<hbm>>) dst(%dma_wait3A_179 : memref<128x32xf32, #tpu.memory_space<vmem>>)
        %dma_wait3A_186 = arith.constant 0 : i32
        %dma_wait3A_187 = arith.constant 0 : i32
        %dma_wait3A_188 = arith.constant 0 : i32
        %dma_wait3A_189 = tpu.memref_slice %arg20[%dma_wait3A_187, %dma_wait3A_188] : memref<512x32xf32, #tpu.memory_space<vmem>> -> memref<128x32xf32, #tpu.memory_space<vmem>>
        %dma_wait3A_190 = arith.constant 0 : i32
        %dma_wait3A_191 = tpu.memref_slice %arg14[%dma_wait3A_186, %dma_wait3A_190] : memref<4x128xi32, #tpu.memory_space<vmem>> -> memref<1x128xi32, #tpu.memory_space<vmem>>
        %dma_wait3A_192 = tpu.memref_squeeze %dma_wait3A_191 : memref<1x128xi32, #tpu.memory_space<vmem>> -> memref<128xi32, #tpu.memory_space<vmem>>
        %dma_wait3A_193 = arith.constant 0 : i32
        %dma_wait3A_194 = arith.constant 0 : i32
        %dma_wait3A_195 = tpu.memref_slice %arg4[%dma_wait3A_193, %dma_wait3A_194] : memref<8192x32xf32, #tpu.memory_space<hbm>> -> memref<8192x32xf32, #tpu.memory_space<hbm>>
        tpu.wait_indirect_dma semaphore(%arg28 : memref<!tpu.dma_semaphore, #tpu.memory_space<semaphore_mem>>) src(%dma_wait3A_195 : memref<8192x32xf32, #tpu.memory_space<hbm>>) dst(%dma_wait3A_189 : memref<128x32xf32, #tpu.memory_space<vmem>>)
        %dma_wait3A_196 = arith.constant 0 : i32
        %dma_wait3A_197 = arith.constant 0 : i32
        %dma_wait3A_198 = arith.constant 0 : i32
        %dma_wait3A_199 = tpu.memref_slice %arg21[%dma_wait3A_197, %dma_wait3A_198] : memref<512x32xf32, #tpu.memory_space<vmem>> -> memref<128x32xf32, #tpu.memory_space<vmem>>
        %dma_wait3A_200 = arith.constant 0 : i32
        %dma_wait3A_201 = tpu.memref_slice %arg15[%dma_wait3A_196, %dma_wait3A_200] : memref<4x128xi32, #tpu.memory_space<vmem>> -> memref<1x128xi32, #tpu.memory_space<vmem>>
        %dma_wait3A_202 = tpu.memref_squeeze %dma_wait3A_201 : memref<1x128xi32, #tpu.memory_space<vmem>> -> memref<128xi32, #tpu.memory_space<vmem>>
        %dma_wait3A_203 = arith.constant 0 : i32
        %dma_wait3A_204 = arith.constant 0 : i32
        %dma_wait3A_205 = tpu.memref_slice %arg5[%dma_wait3A_203, %dma_wait3A_204] : memref<8192x32xf32, #tpu.memory_space<hbm>> -> memref<8192x32xf32, #tpu.memory_space<hbm>>
        tpu.wait_indirect_dma semaphore(%arg28 : memref<!tpu.dma_semaphore, #tpu.memory_space<semaphore_mem>>) src(%dma_wait3A_205 : memref<8192x32xf32, #tpu.memory_space<hbm>>) dst(%dma_wait3A_199 : memref<128x32xf32, #tpu.memory_space<vmem>>)
        %dma_wait3A_206 = arith.constant 1 : i32
        %dma_wait3A_207 = arith.constant 128 : i32
        %dma_wait3A_208 = arith.constant 0 : i32
        %dma_wait3A_209 = tpu.memref_slice %arg19[%dma_wait3A_207, %dma_wait3A_208] : memref<512x32xf32, #tpu.memory_space<vmem>> -> memref<128x32xf32, #tpu.memory_space<vmem>>
        %dma_wait3A_210 = arith.constant 0 : i32
        %dma_wait3A_211 = tpu.memref_slice %arg13[%dma_wait3A_206, %dma_wait3A_210] : memref<4x128xi32, #tpu.memory_space<vmem>> -> memref<1x128xi32, #tpu.memory_space<vmem>>
        %dma_wait3A_212 = tpu.memref_squeeze %dma_wait3A_211 : memref<1x128xi32, #tpu.memory_space<vmem>> -> memref<128xi32, #tpu.memory_space<vmem>>
        %dma_wait3A_213 = arith.constant 0 : i32
        %dma_wait3A_214 = arith.constant 0 : i32
        %dma_wait3A_215 = tpu.memref_slice %arg3[%dma_wait3A_213, %dma_wait3A_214] : memref<8192x32xf32, #tpu.memory_space<hbm>> -> memref<8192x32xf32, #tpu.memory_space<hbm>>
        tpu.wait_indirect_dma semaphore(%arg28 : memref<!tpu.dma_semaphore, #tpu.memory_space<semaphore_mem>>) src(%dma_wait3A_215 : memref<8192x32xf32, #tpu.memory_space<hbm>>) dst(%dma_wait3A_209 : memref<128x32xf32, #tpu.memory_space<vmem>>)
        %dma_wait3A_216 = arith.constant 1 : i32
        %dma_wait3A_217 = arith.constant 128 : i32
        %dma_wait3A_218 = arith.constant 0 : i32
        %dma_wait3A_219 = tpu.memref_slice %arg20[%dma_wait3A_217, %dma_wait3A_218] : memref<512x32xf32, #tpu.memory_space<vmem>> -> memref<128x32xf32, #tpu.memory_space<vmem>>
        %dma_wait3A_220 = arith.constant 0 : i32
        %dma_wait3A_221 = tpu.memref_slice %arg14[%dma_wait3A_216, %dma_wait3A_220] : memref<4x128xi32, #tpu.memory_space<vmem>> -> memref<1x128xi32, #tpu.memory_space<vmem>>
        %dma_wait3A_222 = tpu.memref_squeeze %dma_wait3A_221 : memref<1x128xi32, #tpu.memory_space<vmem>> -> memref<128xi32, #tpu.memory_space<vmem>>
        %dma_wait3A_223 = arith.constant 0 : i32
        %dma_wait3A_224 = arith.constant 0 : i32
        %dma_wait3A_225 = tpu.memref_slice %arg4[%dma_wait3A_223, %dma_wait3A_224] : memref<8192x32xf32, #tpu.memory_space<hbm>> -> memref<8192x32xf32, #tpu.memory_space<hbm>>
        tpu.wait_indirect_dma semaphore(%arg28 : memref<!tpu.dma_semaphore, #tpu.memory_space<semaphore_mem>>) src(%dma_wait3A_225 : memref<8192x32xf32, #tpu.memory_space<hbm>>) dst(%dma_wait3A_219 : memref<128x32xf32, #tpu.memory_space<vmem>>)
        %dma_wait3A_226 = arith.constant 1 : i32
        %dma_wait3A_227 = arith.constant 128 : i32
        %dma_wait3A_228 = arith.constant 0 : i32
        %dma_wait3A_229 = tpu.memref_slice %arg21[%dma_wait3A_227, %dma_wait3A_228] : memref<512x32xf32, #tpu.memory_space<vmem>> -> memref<128x32xf32, #tpu.memory_space<vmem>>
        %dma_wait3A_230 = arith.constant 0 : i32
        %dma_wait3A_231 = tpu.memref_slice %arg15[%dma_wait3A_226, %dma_wait3A_230] : memref<4x128xi32, #tpu.memory_space<vmem>> -> memref<1x128xi32, #tpu.memory_space<vmem>>
        %dma_wait3A_232 = tpu.memref_squeeze %dma_wait3A_231 : memref<1x128xi32, #tpu.memory_space<vmem>> -> memref<128xi32, #tpu.memory_space<vmem>>
        %dma_wait3A_233 = arith.constant 0 : i32
        %dma_wait3A_234 = arith.constant 0 : i32
        %dma_wait3A_235 = tpu.memref_slice %arg5[%dma_wait3A_233, %dma_wait3A_234] : memref<8192x32xf32, #tpu.memory_space<hbm>> -> memref<8192x32xf32, #tpu.memory_space<hbm>>
        tpu.wait_indirect_dma semaphore(%arg28 : memref<!tpu.dma_semaphore, #tpu.memory_space<semaphore_mem>>) src(%dma_wait3A_235 : memref<8192x32xf32, #tpu.memory_space<hbm>>) dst(%dma_wait3A_229 : memref<128x32xf32, #tpu.memory_space<vmem>>)
        %dma_wait3A_236 = arith.constant 2 : i32
        %dma_wait3A_237 = arith.constant 256 : i32
        %dma_wait3A_238 = arith.constant 0 : i32
        %dma_wait3A_239 = tpu.memref_slice %arg19[%dma_wait3A_237, %dma_wait3A_238] : memref<512x32xf32, #tpu.memory_space<vmem>> -> memref<128x32xf32, #tpu.memory_space<vmem>>
        %dma_wait3A_240 = arith.constant 0 : i32
        %dma_wait3A_241 = tpu.memref_slice %arg13[%dma_wait3A_236, %dma_wait3A_240] : memref<4x128xi32, #tpu.memory_space<vmem>> -> memref<1x128xi32, #tpu.memory_space<vmem>>
        %dma_wait3A_242 = tpu.memref_squeeze %dma_wait3A_241 : memref<1x128xi32, #tpu.memory_space<vmem>> -> memref<128xi32, #tpu.memory_space<vmem>>
        %dma_wait3A_243 = arith.constant 0 : i32
        %dma_wait3A_244 = arith.constant 0 : i32
        %dma_wait3A_245 = tpu.memref_slice %arg3[%dma_wait3A_243, %dma_wait3A_244] : memref<8192x32xf32, #tpu.memory_space<hbm>> -> memref<8192x32xf32, #tpu.memory_space<hbm>>
        tpu.wait_indirect_dma semaphore(%arg28 : memref<!tpu.dma_semaphore, #tpu.memory_space<semaphore_mem>>) src(%dma_wait3A_245 : memref<8192x32xf32, #tpu.memory_space<hbm>>) dst(%dma_wait3A_239 : memref<128x32xf32, #tpu.memory_space<vmem>>)
        %dma_wait3A_246 = arith.constant 2 : i32
        %dma_wait3A_247 = arith.constant 256 : i32
        %dma_wait3A_248 = arith.constant 0 : i32
        %dma_wait3A_249 = tpu.memref_slice %arg20[%dma_wait3A_247, %dma_wait3A_248] : memref<512x32xf32, #tpu.memory_space<vmem>> -> memref<128x32xf32, #tpu.memory_space<vmem>>
        %dma_wait3A_250 = arith.constant 0 : i32
        %dma_wait3A_251 = tpu.memref_slice %arg14[%dma_wait3A_246, %dma_wait3A_250] : memref<4x128xi32, #tpu.memory_space<vmem>> -> memref<1x128xi32, #tpu.memory_space<vmem>>
        %dma_wait3A_252 = tpu.memref_squeeze %dma_wait3A_251 : memref<1x128xi32, #tpu.memory_space<vmem>> -> memref<128xi32, #tpu.memory_space<vmem>>
        %dma_wait3A_253 = arith.constant 0 : i32
        %dma_wait3A_254 = arith.constant 0 : i32
        %dma_wait3A_255 = tpu.memref_slice %arg4[%dma_wait3A_253, %dma_wait3A_254] : memref<8192x32xf32, #tpu.memory_space<hbm>> -> memref<8192x32xf32, #tpu.memory_space<hbm>>
        tpu.wait_indirect_dma semaphore(%arg28 : memref<!tpu.dma_semaphore, #tpu.memory_space<semaphore_mem>>) src(%dma_wait3A_255 : memref<8192x32xf32, #tpu.memory_space<hbm>>) dst(%dma_wait3A_249 : memref<128x32xf32, #tpu.memory_space<vmem>>)
        %dma_wait3A_256 = arith.constant 2 : i32
        %dma_wait3A_257 = arith.constant 256 : i32
        %dma_wait3A_258 = arith.constant 0 : i32
        %dma_wait3A_259 = tpu.memref_slice %arg21[%dma_wait3A_257, %dma_wait3A_258] : memref<512x32xf32, #tpu.memory_space<vmem>> -> memref<128x32xf32, #tpu.memory_space<vmem>>
        %dma_wait3A_260 = arith.constant 0 : i32
        %dma_wait3A_261 = tpu.memref_slice %arg15[%dma_wait3A_256, %dma_wait3A_260] : memref<4x128xi32, #tpu.memory_space<vmem>> -> memref<1x128xi32, #tpu.memory_space<vmem>>
        %dma_wait3A_262 = tpu.memref_squeeze %dma_wait3A_261 : memref<1x128xi32, #tpu.memory_space<vmem>> -> memref<128xi32, #tpu.memory_space<vmem>>
        %dma_wait3A_263 = arith.constant 0 : i32
        %dma_wait3A_264 = arith.constant 0 : i32
        %dma_wait3A_265 = tpu.memref_slice %arg5[%dma_wait3A_263, %dma_wait3A_264] : memref<8192x32xf32, #tpu.memory_space<hbm>> -> memref<8192x32xf32, #tpu.memory_space<hbm>>
        tpu.wait_indirect_dma semaphore(%arg28 : memref<!tpu.dma_semaphore, #tpu.memory_space<semaphore_mem>>) src(%dma_wait3A_265 : memref<8192x32xf32, #tpu.memory_space<hbm>>) dst(%dma_wait3A_259 : memref<128x32xf32, #tpu.memory_space<vmem>>)
        %dma_wait3A_266 = arith.constant 3 : i32
        %dma_wait3A_267 = arith.constant 384 : i32
        %dma_wait3A_268 = arith.constant 0 : i32
        %dma_wait3A_269 = tpu.memref_slice %arg19[%dma_wait3A_267, %dma_wait3A_268] : memref<512x32xf32, #tpu.memory_space<vmem>> -> memref<128x32xf32, #tpu.memory_space<vmem>>
        %dma_wait3A_270 = arith.constant 0 : i32
        %dma_wait3A_271 = tpu.memref_slice %arg13[%dma_wait3A_266, %dma_wait3A_270] : memref<4x128xi32, #tpu.memory_space<vmem>> -> memref<1x128xi32, #tpu.memory_space<vmem>>
        %dma_wait3A_272 = tpu.memref_squeeze %dma_wait3A_271 : memref<1x128xi32, #tpu.memory_space<vmem>> -> memref<128xi32, #tpu.memory_space<vmem>>
        %dma_wait3A_273 = arith.constant 0 : i32
        %dma_wait3A_274 = arith.constant 0 : i32
        %dma_wait3A_275 = tpu.memref_slice %arg3[%dma_wait3A_273, %dma_wait3A_274] : memref<8192x32xf32, #tpu.memory_space<hbm>> -> memref<8192x32xf32, #tpu.memory_space<hbm>>
        tpu.wait_indirect_dma semaphore(%arg28 : memref<!tpu.dma_semaphore, #tpu.memory_space<semaphore_mem>>) src(%dma_wait3A_275 : memref<8192x32xf32, #tpu.memory_space<hbm>>) dst(%dma_wait3A_269 : memref<128x32xf32, #tpu.memory_space<vmem>>)
        %dma_wait3A_276 = arith.constant 3 : i32
        %dma_wait3A_277 = arith.constant 384 : i32
        %dma_wait3A_278 = arith.constant 0 : i32
        %dma_wait3A_279 = tpu.memref_slice %arg20[%dma_wait3A_277, %dma_wait3A_278] : memref<512x32xf32, #tpu.memory_space<vmem>> -> memref<128x32xf32, #tpu.memory_space<vmem>>
        %dma_wait3A_280 = arith.constant 0 : i32
        %dma_wait3A_281 = tpu.memref_slice %arg14[%dma_wait3A_276, %dma_wait3A_280] : memref<4x128xi32, #tpu.memory_space<vmem>> -> memref<1x128xi32, #tpu.memory_space<vmem>>
        %dma_wait3A_282 = tpu.memref_squeeze %dma_wait3A_281 : memref<1x128xi32, #tpu.memory_space<vmem>> -> memref<128xi32, #tpu.memory_space<vmem>>
        %dma_wait3A_283 = arith.constant 0 : i32
        %dma_wait3A_284 = arith.constant 0 : i32
        %dma_wait3A_285 = tpu.memref_slice %arg4[%dma_wait3A_283, %dma_wait3A_284] : memref<8192x32xf32, #tpu.memory_space<hbm>> -> memref<8192x32xf32, #tpu.memory_space<hbm>>
        tpu.wait_indirect_dma semaphore(%arg28 : memref<!tpu.dma_semaphore, #tpu.memory_space<semaphore_mem>>) src(%dma_wait3A_285 : memref<8192x32xf32, #tpu.memory_space<hbm>>) dst(%dma_wait3A_279 : memref<128x32xf32, #tpu.memory_space<vmem>>)
        %dma_wait3A_286 = arith.constant 3 : i32
        %dma_wait3A_287 = arith.constant 384 : i32
        %dma_wait3A_288 = arith.constant 0 : i32
        %dma_wait3A_289 = tpu.memref_slice %arg21[%dma_wait3A_287, %dma_wait3A_288] : memref<512x32xf32, #tpu.memory_space<vmem>> -> memref<128x32xf32, #tpu.memory_space<vmem>>
        %dma_wait3A_290 = arith.constant 0 : i32
        %dma_wait3A_291 = tpu.memref_slice %arg15[%dma_wait3A_286, %dma_wait3A_290] : memref<4x128xi32, #tpu.memory_space<vmem>> -> memref<1x128xi32, #tpu.memory_space<vmem>>
        %dma_wait3A_292 = tpu.memref_squeeze %dma_wait3A_291 : memref<1x128xi32, #tpu.memory_space<vmem>> -> memref<128xi32, #tpu.memory_space<vmem>>
        %dma_wait3A_293 = arith.constant 0 : i32
        %dma_wait3A_294 = arith.constant 0 : i32
        %dma_wait3A_295 = tpu.memref_slice %arg5[%dma_wait3A_293, %dma_wait3A_294] : memref<8192x32xf32, #tpu.memory_space<hbm>> -> memref<8192x32xf32, #tpu.memory_space<hbm>>
        tpu.wait_indirect_dma semaphore(%arg28 : memref<!tpu.dma_semaphore, #tpu.memory_space<semaphore_mem>>) src(%dma_wait3A_295 : memref<8192x32xf32, #tpu.memory_space<hbm>>) dst(%dma_wait3A_289 : memref<128x32xf32, #tpu.memory_space<vmem>>)
        %lt3A_296 = arith.constant 31 : i32
        %lt3A_297 = arith.cmpi slt, %scan3A_154, %lt3A_296 : i32
        %convert_element_type3A_298 = arith.extui %lt3A_297 : i1 to i32
        %cond3A_299 = arith.constant 0 : i32
        %cond3A_300 = arith.cmpi ne, %convert_element_type3A_298, %cond3A_299 : i32
        scf.if %cond3A_300 {
          %dma_start3A_319 = arith.constant 0 : i32
          %dma_start3A_320 = arith.constant 0 : i32
          %dma_start3A_321 = arith.constant 0 : i32
          %dma_start3A_322 = tpu.memref_slice %arg16[%dma_start3A_320, %dma_start3A_321] : memref<512x32xf32, #tpu.memory_space<vmem>> -> memref<128x32xf32, #tpu.memory_space<vmem>>
          %dma_start3A_323 = arith.constant 0 : i32
          %dma_start3A_324 = tpu.memref_slice %arg10[%dma_start3A_319, %dma_start3A_323] : memref<4x128xi32, #tpu.memory_space<vmem>> -> memref<1x128xi32, #tpu.memory_space<vmem>>
          %dma_start3A_325 = tpu.memref_squeeze %dma_start3A_324 : memref<1x128xi32, #tpu.memory_space<vmem>> -> memref<128xi32, #tpu.memory_space<vmem>>
          %dma_start3A_326 = arith.constant 0 : i32
          %dma_start3A_327 = arith.constant 0 : i32
          %dma_start3A_328 = tpu.memref_slice %arg3[%dma_start3A_326, %dma_start3A_327] : memref<8192x32xf32, #tpu.memory_space<hbm>> -> memref<8192x32xf32, #tpu.memory_space<hbm>>
          tpu.enqueue_indirect_dma source(%dma_start3A_328 : memref<8192x32xf32, #tpu.memory_space<hbm>>) target(%dma_start3A_322 : memref<128x32xf32, #tpu.memory_space<vmem>>) offsets(%dma_start3A_325 : memref<128xi32, #tpu.memory_space<vmem>>) semaphore(%arg27 : memref<!tpu.dma_semaphore, #tpu.memory_space<semaphore_mem>>)
          %dma_start3A_329 = arith.constant 0 : i32
          %dma_start3A_330 = arith.constant 0 : i32
          %dma_start3A_331 = arith.constant 0 : i32
          %dma_start3A_332 = tpu.memref_slice %arg17[%dma_start3A_330, %dma_start3A_331] : memref<512x32xf32, #tpu.memory_space<vmem>> -> memref<128x32xf32, #tpu.memory_space<vmem>>
          %dma_start3A_333 = arith.constant 0 : i32
          %dma_start3A_334 = tpu.memref_slice %arg11[%dma_start3A_329, %dma_start3A_333] : memref<4x128xi32, #tpu.memory_space<vmem>> -> memref<1x128xi32, #tpu.memory_space<vmem>>
          %dma_start3A_335 = tpu.memref_squeeze %dma_start3A_334 : memref<1x128xi32, #tpu.memory_space<vmem>> -> memref<128xi32, #tpu.memory_space<vmem>>
          %dma_start3A_336 = arith.constant 0 : i32
          %dma_start3A_337 = arith.constant 0 : i32
          %dma_start3A_338 = tpu.memref_slice %arg4[%dma_start3A_336, %dma_start3A_337] : memref<8192x32xf32, #tpu.memory_space<hbm>> -> memref<8192x32xf32, #tpu.memory_space<hbm>>
          tpu.enqueue_indirect_dma source(%dma_start3A_338 : memref<8192x32xf32, #tpu.memory_space<hbm>>) target(%dma_start3A_332 : memref<128x32xf32, #tpu.memory_space<vmem>>) offsets(%dma_start3A_335 : memref<128xi32, #tpu.memory_space<vmem>>) semaphore(%arg27 : memref<!tpu.dma_semaphore, #tpu.memory_space<semaphore_mem>>)
          %dma_start3A_339 = arith.constant 0 : i32
          %dma_start3A_340 = arith.constant 0 : i32
          %dma_start3A_341 = arith.constant 0 : i32
          %dma_start3A_342 = tpu.memref_slice %arg18[%dma_start3A_340, %dma_start3A_341] : memref<512x32xf32, #tpu.memory_space<vmem>> -> memref<128x32xf32, #tpu.memory_space<vmem>>
          %dma_start3A_343 = arith.constant 0 : i32
          %dma_start3A_344 = tpu.memref_slice %arg12[%dma_start3A_339, %dma_start3A_343] : memref<4x128xi32, #tpu.memory_space<vmem>> -> memref<1x128xi32, #tpu.memory_space<vmem>>
          %dma_start3A_345 = tpu.memref_squeeze %dma_start3A_344 : memref<1x128xi32, #tpu.memory_space<vmem>> -> memref<128xi32, #tpu.memory_space<vmem>>
          %dma_start3A_346 = arith.constant 0 : i32
          %dma_start3A_347 = arith.constant 0 : i32
          %dma_start3A_348 = tpu.memref_slice %arg5[%dma_start3A_346, %dma_start3A_347] : memref<8192x32xf32, #tpu.memory_space<hbm>> -> memref<8192x32xf32, #tpu.memory_space<hbm>>
          tpu.enqueue_indirect_dma source(%dma_start3A_348 : memref<8192x32xf32, #tpu.memory_space<hbm>>) target(%dma_start3A_342 : memref<128x32xf32, #tpu.memory_space<vmem>>) offsets(%dma_start3A_345 : memref<128xi32, #tpu.memory_space<vmem>>) semaphore(%arg27 : memref<!tpu.dma_semaphore, #tpu.memory_space<semaphore_mem>>)
          %dma_start3A_349 = arith.constant 1 : i32
          %dma_start3A_350 = arith.constant 128 : i32
          %dma_start3A_351 = arith.constant 0 : i32
          %dma_start3A_352 = tpu.memref_slice %arg16[%dma_start3A_350, %dma_start3A_351] : memref<512x32xf32, #tpu.memory_space<vmem>> -> memref<128x32xf32, #tpu.memory_space<vmem>>
          %dma_start3A_353 = arith.constant 0 : i32
          %dma_start3A_354 = tpu.memref_slice %arg10[%dma_start3A_349, %dma_start3A_353] : memref<4x128xi32, #tpu.memory_space<vmem>> -> memref<1x128xi32, #tpu.memory_space<vmem>>
          %dma_start3A_355 = tpu.memref_squeeze %dma_start3A_354 : memref<1x128xi32, #tpu.memory_space<vmem>> -> memref<128xi32, #tpu.memory_space<vmem>>
          %dma_start3A_356 = arith.constant 0 : i32
          %dma_start3A_357 = arith.constant 0 : i32
          %dma_start3A_358 = tpu.memref_slice %arg3[%dma_start3A_356, %dma_start3A_357] : memref<8192x32xf32, #tpu.memory_space<hbm>> -> memref<8192x32xf32, #tpu.memory_space<hbm>>
          tpu.enqueue_indirect_dma source(%dma_start3A_358 : memref<8192x32xf32, #tpu.memory_space<hbm>>) target(%dma_start3A_352 : memref<128x32xf32, #tpu.memory_space<vmem>>) offsets(%dma_start3A_355 : memref<128xi32, #tpu.memory_space<vmem>>) semaphore(%arg27 : memref<!tpu.dma_semaphore, #tpu.memory_space<semaphore_mem>>)
          %dma_start3A_359 = arith.constant 1 : i32
          %dma_start3A_360 = arith.constant 128 : i32
          %dma_start3A_361 = arith.constant 0 : i32
          %dma_start3A_362 = tpu.memref_slice %arg17[%dma_start3A_360, %dma_start3A_361] : memref<512x32xf32, #tpu.memory_space<vmem>> -> memref<128x32xf32, #tpu.memory_space<vmem>>
          %dma_start3A_363 = arith.constant 0 : i32
          %dma_start3A_364 = tpu.memref_slice %arg11[%dma_start3A_359, %dma_start3A_363] : memref<4x128xi32, #tpu.memory_space<vmem>> -> memref<1x128xi32, #tpu.memory_space<vmem>>
          %dma_start3A_365 = tpu.memref_squeeze %dma_start3A_364 : memref<1x128xi32, #tpu.memory_space<vmem>> -> memref<128xi32, #tpu.memory_space<vmem>>
          %dma_start3A_366 = arith.constant 0 : i32
          %dma_start3A_367 = arith.constant 0 : i32
          %dma_start3A_368 = tpu.memref_slice %arg4[%dma_start3A_366, %dma_start3A_367] : memref<8192x32xf32, #tpu.memory_space<hbm>> -> memref<8192x32xf32, #tpu.memory_space<hbm>>
          tpu.enqueue_indirect_dma source(%dma_start3A_368 : memref<8192x32xf32, #tpu.memory_space<hbm>>) target(%dma_start3A_362 : memref<128x32xf32, #tpu.memory_space<vmem>>) offsets(%dma_start3A_365 : memref<128xi32, #tpu.memory_space<vmem>>) semaphore(%arg27 : memref<!tpu.dma_semaphore, #tpu.memory_space<semaphore_mem>>)
          %dma_start3A_369 = arith.constant 1 : i32
          %dma_start3A_370 = arith.constant 128 : i32
          %dma_start3A_371 = arith.constant 0 : i32
          %dma_start3A_372 = tpu.memref_slice %arg18[%dma_start3A_370, %dma_start3A_371] : memref<512x32xf32, #tpu.memory_space<vmem>> -> memref<128x32xf32, #tpu.memory_space<vmem>>
          %dma_start3A_373 = arith.constant 0 : i32
          %dma_start3A_374 = tpu.memref_slice %arg12[%dma_start3A_369, %dma_start3A_373] : memref<4x128xi32, #tpu.memory_space<vmem>> -> memref<1x128xi32, #tpu.memory_space<vmem>>
          %dma_start3A_375 = tpu.memref_squeeze %dma_start3A_374 : memref<1x128xi32, #tpu.memory_space<vmem>> -> memref<128xi32, #tpu.memory_space<vmem>>
          %dma_start3A_376 = arith.constant 0 : i32
          %dma_start3A_377 = arith.constant 0 : i32
          %dma_start3A_378 = tpu.memref_slice %arg5[%dma_start3A_376, %dma_start3A_377] : memref<8192x32xf32, #tpu.memory_space<hbm>> -> memref<8192x32xf32, #tpu.memory_space<hbm>>
          tpu.enqueue_indirect_dma source(%dma_start3A_378 : memref<8192x32xf32, #tpu.memory_space<hbm>>) target(%dma_start3A_372 : memref<128x32xf32, #tpu.memory_space<vmem>>) offsets(%dma_start3A_375 : memref<128xi32, #tpu.memory_space<vmem>>) semaphore(%arg27 : memref<!tpu.dma_semaphore, #tpu.memory_space<semaphore_mem>>)
          %dma_start3A_379 = arith.constant 2 : i32
          %dma_start3A_380 = arith.constant 256 : i32
          %dma_start3A_381 = arith.constant 0 : i32
          %dma_start3A_382 = tpu.memref_slice %arg16[%dma_start3A_380, %dma_start3A_381] : memref<512x32xf32, #tpu.memory_space<vmem>> -> memref<128x32xf32, #tpu.memory_space<vmem>>
          %dma_start3A_383 = arith.constant 0 : i32
          %dma_start3A_384 = tpu.memref_slice %arg10[%dma_start3A_379, %dma_start3A_383] : memref<4x128xi32, #tpu.memory_space<vmem>> -> memref<1x128xi32, #tpu.memory_space<vmem>>
          %dma_start3A_385 = tpu.memref_squeeze %dma_start3A_384 : memref<1x128xi32, #tpu.memory_space<vmem>> -> memref<128xi32, #tpu.memory_space<vmem>>
          %dma_start3A_386 = arith.constant 0 : i32
          %dma_start3A_387 = arith.constant 0 : i32
          %dma_start3A_388 = tpu.memref_slice %arg3[%dma_start3A_386, %dma_start3A_387] : memref<8192x32xf32, #tpu.memory_space<hbm>> -> memref<8192x32xf32, #tpu.memory_space<hbm>>
          tpu.enqueue_indirect_dma source(%dma_start3A_388 : memref<8192x32xf32, #tpu.memory_space<hbm>>) target(%dma_start3A_382 : memref<128x32xf32, #tpu.memory_space<vmem>>) offsets(%dma_start3A_385 : memref<128xi32, #tpu.memory_space<vmem>>) semaphore(%arg27 : memref<!tpu.dma_semaphore, #tpu.memory_space<semaphore_mem>>)
          %dma_start3A_389 = arith.constant 2 : i32
          %dma_start3A_390 = arith.constant 256 : i32
          %dma_start3A_391 = arith.constant 0 : i32
          %dma_start3A_392 = tpu.memref_slice %arg17[%dma_start3A_390, %dma_start3A_391] : memref<512x32xf32, #tpu.memory_space<vmem>> -> memref<128x32xf32, #tpu.memory_space<vmem>>
          %dma_start3A_393 = arith.constant 0 : i32
          %dma_start3A_394 = tpu.memref_slice %arg11[%dma_start3A_389, %dma_start3A_393] : memref<4x128xi32, #tpu.memory_space<vmem>> -> memref<1x128xi32, #tpu.memory_space<vmem>>
          %dma_start3A_395 = tpu.memref_squeeze %dma_start3A_394 : memref<1x128xi32, #tpu.memory_space<vmem>> -> memref<128xi32, #tpu.memory_space<vmem>>
          %dma_start3A_396 = arith.constant 0 : i32
          %dma_start3A_397 = arith.constant 0 : i32
          %dma_start3A_398 = tpu.memref_slice %arg4[%dma_start3A_396, %dma_start3A_397] : memref<8192x32xf32, #tpu.memory_space<hbm>> -> memref<8192x32xf32, #tpu.memory_space<hbm>>
          tpu.enqueue_indirect_dma source(%dma_start3A_398 : memref<8192x32xf32, #tpu.memory_space<hbm>>) target(%dma_start3A_392 : memref<128x32xf32, #tpu.memory_space<vmem>>) offsets(%dma_start3A_395 : memref<128xi32, #tpu.memory_space<vmem>>) semaphore(%arg27 : memref<!tpu.dma_semaphore, #tpu.memory_space<semaphore_mem>>)
          %dma_start3A_399 = arith.constant 2 : i32
          %dma_start3A_400 = arith.constant 256 : i32
          %dma_start3A_401 = arith.constant 0 : i32
          %dma_start3A_402 = tpu.memref_slice %arg18[%dma_start3A_400, %dma_start3A_401] : memref<512x32xf32, #tpu.memory_space<vmem>> -> memref<128x32xf32, #tpu.memory_space<vmem>>
          %dma_start3A_403 = arith.constant 0 : i32
          %dma_start3A_404 = tpu.memref_slice %arg12[%dma_start3A_399, %dma_start3A_403] : memref<4x128xi32, #tpu.memory_space<vmem>> -> memref<1x128xi32, #tpu.memory_space<vmem>>
          %dma_start3A_405 = tpu.memref_squeeze %dma_start3A_404 : memref<1x128xi32, #tpu.memory_space<vmem>> -> memref<128xi32, #tpu.memory_space<vmem>>
          %dma_start3A_406 = arith.constant 0 : i32
          %dma_start3A_407 = arith.constant 0 : i32
          %dma_start3A_408 = tpu.memref_slice %arg5[%dma_start3A_406, %dma_start3A_407] : memref<8192x32xf32, #tpu.memory_space<hbm>> -> memref<8192x32xf32, #tpu.memory_space<hbm>>
          tpu.enqueue_indirect_dma source(%dma_start3A_408 : memref<8192x32xf32, #tpu.memory_space<hbm>>) target(%dma_start3A_402 : memref<128x32xf32, #tpu.memory_space<vmem>>) offsets(%dma_start3A_405 : memref<128xi32, #tpu.memory_space<vmem>>) semaphore(%arg27 : memref<!tpu.dma_semaphore, #tpu.memory_space<semaphore_mem>>)
          %dma_start3A_409 = arith.constant 3 : i32
          %dma_start3A_410 = arith.constant 384 : i32
          %dma_start3A_411 = arith.constant 0 : i32
          %dma_start3A_412 = tpu.memref_slice %arg16[%dma_start3A_410, %dma_start3A_411] : memref<512x32xf32, #tpu.memory_space<vmem>> -> memref<128x32xf32, #tpu.memory_space<vmem>>
          %dma_start3A_413 = arith.constant 0 : i32
          %dma_start3A_414 = tpu.memref_slice %arg10[%dma_start3A_409, %dma_start3A_413] : memref<4x128xi32, #tpu.memory_space<vmem>> -> memref<1x128xi32, #tpu.memory_space<vmem>>
          %dma_start3A_415 = tpu.memref_squeeze %dma_start3A_414 : memref<1x128xi32, #tpu.memory_space<vmem>> -> memref<128xi32, #tpu.memory_space<vmem>>
          %dma_start3A_416 = arith.constant 0 : i32
          %dma_start3A_417 = arith.constant 0 : i32
          %dma_start3A_418 = tpu.memref_slice %arg3[%dma_start3A_416, %dma_start3A_417] : memref<8192x32xf32, #tpu.memory_space<hbm>> -> memref<8192x32xf32, #tpu.memory_space<hbm>>
          tpu.enqueue_indirect_dma source(%dma_start3A_418 : memref<8192x32xf32, #tpu.memory_space<hbm>>) target(%dma_start3A_412 : memref<128x32xf32, #tpu.memory_space<vmem>>) offsets(%dma_start3A_415 : memref<128xi32, #tpu.memory_space<vmem>>) semaphore(%arg27 : memref<!tpu.dma_semaphore, #tpu.memory_space<semaphore_mem>>)
          %dma_start3A_419 = arith.constant 3 : i32
          %dma_start3A_420 = arith.constant 384 : i32
          %dma_start3A_421 = arith.constant 0 : i32
          %dma_start3A_422 = tpu.memref_slice %arg17[%dma_start3A_420, %dma_start3A_421] : memref<512x32xf32, #tpu.memory_space<vmem>> -> memref<128x32xf32, #tpu.memory_space<vmem>>
          %dma_start3A_423 = arith.constant 0 : i32
          %dma_start3A_424 = tpu.memref_slice %arg11[%dma_start3A_419, %dma_start3A_423] : memref<4x128xi32, #tpu.memory_space<vmem>> -> memref<1x128xi32, #tpu.memory_space<vmem>>
          %dma_start3A_425 = tpu.memref_squeeze %dma_start3A_424 : memref<1x128xi32, #tpu.memory_space<vmem>> -> memref<128xi32, #tpu.memory_space<vmem>>
          %dma_start3A_426 = arith.constant 0 : i32
          %dma_start3A_427 = arith.constant 0 : i32
          %dma_start3A_428 = tpu.memref_slice %arg4[%dma_start3A_426, %dma_start3A_427] : memref<8192x32xf32, #tpu.memory_space<hbm>> -> memref<8192x32xf32, #tpu.memory_space<hbm>>
          tpu.enqueue_indirect_dma source(%dma_start3A_428 : memref<8192x32xf32, #tpu.memory_space<hbm>>) target(%dma_start3A_422 : memref<128x32xf32, #tpu.memory_space<vmem>>) offsets(%dma_start3A_425 : memref<128xi32, #tpu.memory_space<vmem>>) semaphore(%arg27 : memref<!tpu.dma_semaphore, #tpu.memory_space<semaphore_mem>>)
          %dma_start3A_429 = arith.constant 3 : i32
          %dma_start3A_430 = arith.constant 384 : i32
          %dma_start3A_431 = arith.constant 0 : i32
          %dma_start3A_432 = tpu.memref_slice %arg18[%dma_start3A_430, %dma_start3A_431] : memref<512x32xf32, #tpu.memory_space<vmem>> -> memref<128x32xf32, #tpu.memory_space<vmem>>
          %dma_start3A_433 = arith.constant 0 : i32
          %dma_start3A_434 = tpu.memref_slice %arg12[%dma_start3A_429, %dma_start3A_433] : memref<4x128xi32, #tpu.memory_space<vmem>> -> memref<1x128xi32, #tpu.memory_space<vmem>>
          %dma_start3A_435 = tpu.memref_squeeze %dma_start3A_434 : memref<1x128xi32, #tpu.memory_space<vmem>> -> memref<128xi32, #tpu.memory_space<vmem>>
          %dma_start3A_436 = arith.constant 0 : i32
          %dma_start3A_437 = arith.constant 0 : i32
          %dma_start3A_438 = tpu.memref_slice %arg5[%dma_start3A_436, %dma_start3A_437] : memref<8192x32xf32, #tpu.memory_space<hbm>> -> memref<8192x32xf32, #tpu.memory_space<hbm>>
          tpu.enqueue_indirect_dma source(%dma_start3A_438 : memref<8192x32xf32, #tpu.memory_space<hbm>>) target(%dma_start3A_432 : memref<128x32xf32, #tpu.memory_space<vmem>>) offsets(%dma_start3A_435 : memref<128xi32, #tpu.memory_space<vmem>>) semaphore(%arg27 : memref<!tpu.dma_semaphore, #tpu.memory_space<semaphore_mem>>)
        } else {
        }
        %scan3A_301 = arith.constant 0 : i32
        %scan3A_302 = arith.constant 0 : i32
        %scan3A_303 = arith.constant 512 : i32
        %scan3A_304 = arith.addi %scan3A_302, %scan3A_303 : i32
        %scan3A_305 = arith.constant 1 : i32
        %scan3A_306 = scf.for %scan3A_319 = %scan3A_302 to %scan3A_304 step %scan3A_305 iter_args(%scan3A_320 = %scan3A_301) -> (i32)  : i32 {
          %get3A = arith.index_cast %scan3A_319 : i32 to index
          %get3A_321 = arith.constant 0 : index
          %get3A_322 = tpu.vector_load %arg19[%get3A, %get3A_321] {strides = array<i32>} : memref<512x32xf32, #tpu.memory_space<vmem>>, vector<16xf32>,
          %get3A_323 = arith.index_cast %scan3A_319 : i32 to index
          %get3A_324 = arith.constant 0 : index
          %get3A_325 = tpu.vector_load %arg20[%get3A_323, %get3A_324] {strides = array<i32>} : memref<512x32xf32, #tpu.memory_space<vmem>>, vector<16xf32>,
          %mul3A_326 = arith.mulf %get3A_322, %get3A_325 : vector<16xf32>
          %get3A_327 = arith.index_cast %scan3A_319 : i32 to index
          %get3A_328 = arith.constant 0 : index
          %get3A_329 = tpu.vector_load %arg21[%get3A_327, %get3A_328] {strides = array<i32>} : memref<512x32xf32, #tpu.memory_space<vmem>>, vector<16xf32>,
          %mul3A_330 = arith.mulf %mul3A_326, %get3A_329 : vector<16xf32>
          %swap3A = arith.index_cast %scan3A_319 : i32 to index
          %swap3A_331 = arith.constant 0 : index
          %swap3A_332 = tpu.vector_load %arg19[%swap3A, %swap3A_331] {strides = array<i32>} : memref<512x32xf32, #tpu.memory_space<vmem>>, vector<16xf32>,
          tpu.vector_store %arg19[%swap3A, %swap3A_331], %mul3A_330 {strides = array<i32>} : memref<512x32xf32, #tpu.memory_space<vmem>>, vector<16xf32>,
          %get3A_333 = arith.index_cast %scan3A_319 : i32 to index
          %get3A_334 = arith.constant 16 : index
          %get3A_335 = tpu.vector_load %arg19[%get3A_333, %get3A_334] {strides = array<i32>} : memref<512x32xf32, #tpu.memory_space<vmem>>, vector<16xf32>,
          %get3A_336 = arith.index_cast %scan3A_319 : i32 to index
          %get3A_337 = arith.constant 16 : index
          %get3A_338 = tpu.vector_load %arg20[%get3A_336, %get3A_337] {strides = array<i32>} : memref<512x32xf32, #tpu.memory_space<vmem>>, vector<16xf32>,
          %mul3A_339 = arith.mulf %get3A_335, %get3A_338 : vector<16xf32>
          %get3A_340 = arith.index_cast %scan3A_319 : i32 to index
          %get3A_341 = arith.constant 16 : index
          %get3A_342 = tpu.vector_load %arg21[%get3A_340, %get3A_341] {strides = array<i32>} : memref<512x32xf32, #tpu.memory_space<vmem>>, vector<16xf32>,
          %mul3A_343 = arith.mulf %mul3A_339, %get3A_342 : vector<16xf32>
          %swap3A_344 = arith.index_cast %scan3A_319 : i32 to index
          %swap3A_345 = arith.constant 16 : index
          %swap3A_346 = tpu.vector_load %arg19[%swap3A_344, %swap3A_345] {strides = array<i32>} : memref<512x32xf32, #tpu.memory_space<vmem>>, vector<16xf32>,
          tpu.vector_store %arg19[%swap3A_344, %swap3A_345], %mul3A_343 {strides = array<i32>} : memref<512x32xf32, #tpu.memory_space<vmem>>, vector<16xf32>,
          %scan3A_347 = arith.constant 0 : i32
          scf.yield %scan3A_347 : i32
        }
        %scan3A_307 = arith.constant 512 : i32
        %mul3A_308 = arith.constant 512 : i32
        %mul3A_309 = arith.muli %scan3A_154, %mul3A_308 : i32
        %add3A_310 = arith.addi %mul3A_2, %mul3A_309 : i32
        %dma_start3A_311 = arith.constant 0 : i32
        %dma_start3A_312 = tpu.memref_slice %arg6[%add3A_310, %dma_start3A_311] : memref<524288x32xf32, #tpu.memory_space<hbm>> -> memref<512x32xf32, #tpu.memory_space<hbm>>
        %dma_start3A_313 = arith.constant 0 : i32
        %dma_start3A_314 = tpu.memref_slice %arg6[%add3A_310, %dma_start3A_313] : memref<524288x32xf32, #tpu.memory_space<hbm>> -> memref<512x32xf32, #tpu.memory_space<hbm>>
        tpu.enqueue_dma source(%arg19 : memref<512x32xf32, #tpu.memory_space<vmem>>) target(%dma_start3A_314 : memref<512x32xf32, #tpu.memory_space<hbm>>) target_semaphore(%arg30 : memref<!tpu.dma_semaphore, #tpu.memory_space<semaphore_mem>>)
        %dma_start3A_315 = arith.constant 0 : i32
        %dma_start3A_316 = tpu.memref_slice %arg7[%add3A_310, %dma_start3A_315] : memref<524288x32xf32, #tpu.memory_space<hbm>> -> memref<512x32xf32, #tpu.memory_space<hbm>>
        %dma_start3A_317 = arith.constant 0 : i32
        %dma_start3A_318 = tpu.memref_slice %arg7[%add3A_310, %dma_start3A_317] : memref<524288x32xf32, #tpu.memory_space<hbm>> -> memref<512x32xf32, #tpu.memory_space<hbm>>
        tpu.enqueue_dma source(%arg19 : memref<512x32xf32, #tpu.memory_space<vmem>>) target(%dma_start3A_318 : memref<512x32xf32, #tpu.memory_space<hbm>>) target_semaphore(%arg30 : memref<!tpu.dma_semaphore, #tpu.memory_space<semaphore_mem>>)
      } else {
      }
      %scan3A_167 = arith.constant 0 : i32
      scf.yield %scan3A_167 : i32
    }
    %scan3A_136 = arith.constant 32 : i32
    %dma_wait3A = arith.constant 0 : i32
    %dma_wait3A_137 = tpu.memref_slice %arg6[%mul3A_2, %dma_wait3A] : memref<524288x32xf32, #tpu.memory_space<hbm>> -> memref<512x32xf32, #tpu.memory_space<hbm>>
    %dma_wait3A_138 = arith.constant 0 : i32
    %dma_wait3A_139 = tpu.memref_slice %arg6[%mul3A_2, %dma_wait3A_138] : memref<524288x32xf32, #tpu.memory_space<hbm>> -> memref<512x32xf32, #tpu.memory_space<hbm>>
    tpu.wait_dma2 semaphore(%arg29 : memref<!tpu.dma_semaphore, #tpu.memory_space<semaphore_mem>>) src(%arg16 : memref<512x32xf32, #tpu.memory_space<vmem>>) dst(%dma_wait3A_139 : memref<512x32xf32, #tpu.memory_space<hbm>>)
    %dma_wait3A_140 = arith.constant 0 : i32
    %dma_wait3A_141 = tpu.memref_slice %arg6[%mul3A_2, %dma_wait3A_140] : memref<524288x32xf32, #tpu.memory_space<hbm>> -> memref<512x32xf32, #tpu.memory_space<hbm>>
    %dma_wait3A_142 = arith.constant 0 : i32
    %dma_wait3A_143 = tpu.memref_slice %arg6[%mul3A_2, %dma_wait3A_142] : memref<524288x32xf32, #tpu.memory_space<hbm>> -> memref<512x32xf32, #tpu.memory_space<hbm>>
    tpu.wait_dma2 semaphore(%arg29 : memref<!tpu.dma_semaphore, #tpu.memory_space<semaphore_mem>>) src(%arg16 : memref<512x32xf32, #tpu.memory_space<vmem>>) dst(%dma_wait3A_143 : memref<512x32xf32, #tpu.memory_space<hbm>>)
    %dma_wait3A_144 = arith.constant 0 : i32
    %dma_wait3A_145 = tpu.memref_slice %arg6[%mul3A_2, %dma_wait3A_144] : memref<524288x32xf32, #tpu.memory_space<hbm>> -> memref<512x32xf32, #tpu.memory_space<hbm>>
    %dma_wait3A_146 = arith.constant 0 : i32
    %dma_wait3A_147 = tpu.memref_slice %arg6[%mul3A_2, %dma_wait3A_146] : memref<524288x32xf32, #tpu.memory_space<hbm>> -> memref<512x32xf32, #tpu.memory_space<hbm>>
    tpu.wait_dma2 semaphore(%arg30 : memref<!tpu.dma_semaphore, #tpu.memory_space<semaphore_mem>>) src(%arg19 : memref<512x32xf32, #tpu.memory_space<vmem>>) dst(%dma_wait3A_147 : memref<512x32xf32, #tpu.memory_space<hbm>>)
    %dma_wait3A_148 = arith.constant 0 : i32
    %dma_wait3A_149 = tpu.memref_slice %arg6[%mul3A_2, %dma_wait3A_148] : memref<524288x32xf32, #tpu.memory_space<hbm>> -> memref<512x32xf32, #tpu.memory_space<hbm>>
    %dma_wait3A_150 = arith.constant 0 : i32
    %dma_wait3A_151 = tpu.memref_slice %arg6[%mul3A_2, %dma_wait3A_150] : memref<524288x32xf32, #tpu.memory_space<hbm>> -> memref<512x32xf32, #tpu.memory_space<hbm>>
    tpu.wait_dma2 semaphore(%arg30 : memref<!tpu.dma_semaphore, #tpu.memory_space<semaphore_mem>>) src(%arg19 : memref<512x32xf32, #tpu.memory_space<vmem>>) dst(%dma_wait3A_151 : memref<512x32xf32, #tpu.memory_space<hbm>>)
    %eq3A = arith.constant 31 : i32
    %eq3A_152 = arith.cmpi eq, %add3A, %eq3A : i32
    %convert_element_type3A = arith.extui %eq3A_152 : i1 to i32
    %cond3A = arith.constant 0 : i32
    %cond3A_153 = arith.cmpi ne, %convert_element_type3A, %cond3A : i32
    scf.if %cond3A_153 {
      "tpu.region"() ({
        %run_scoped3A_459 = tpu.sem_alloc : memref<!tpu.dma_semaphore, #tpu.memory_space<semaphore_mem>>
        %dma_start3A_460 = arith.constant 0 : i32
        %dma_start3A_461 = arith.constant 524272 : i32
        %dma_start3A_462 = tpu.memref_slice %arg2[%dma_start3A_460, %dma_start3A_461] : memref<4x524288xf32, #tpu.memory_space<hbm>> -> memref<4x16xf32, #tpu.memory_space<hbm>>
        %dma_start3A_463 = arith.constant 0 : i32
        %dma_start3A_464 = arith.constant 524272 : i32
        %dma_start3A_465 = tpu.memref_slice %arg2[%dma_start3A_463, %dma_start3A_464] : memref<4x524288xf32, #tpu.memory_space<hbm>> -> memref<4x16xf32, #tpu.memory_space<hbm>>
        tpu.enqueue_dma source(%dma_start3A_465 : memref<4x16xf32, #tpu.memory_space<hbm>>) target(%arg22 : memref<4x16xf32, #tpu.memory_space<vmem>>) target_semaphore(%run_scoped3A_459 : memref<!tpu.dma_semaphore, #tpu.memory_space<semaphore_mem>>)
        %dma_wait3A_466 = arith.constant 0 : i32
        %dma_wait3A_467 = arith.constant 524272 : i32
        %dma_wait3A_468 = tpu.memref_slice %arg2[%dma_wait3A_466, %dma_wait3A_467] : memref<4x524288xf32, #tpu.memory_space<hbm>> -> memref<4x16xf32, #tpu.memory_space<hbm>>
        %dma_wait3A_469 = arith.constant 0 : i32
        %dma_wait3A_470 = arith.constant 524272 : i32
        %dma_wait3A_471 = tpu.memref_slice %arg2[%dma_wait3A_469, %dma_wait3A_470] : memref<4x524288xf32, #tpu.memory_space<hbm>> -> memref<4x16xf32, #tpu.memory_space<hbm>>
        tpu.wait_dma2 semaphore(%run_scoped3A_459 : memref<!tpu.dma_semaphore, #tpu.memory_space<semaphore_mem>>) src(%dma_wait3A_471 : memref<4x16xf32, #tpu.memory_space<hbm>>) dst(%arg22 : memref<4x16xf32, #tpu.memory_space<vmem>>)
        tpu.yield
      }) : () -> ()
      %get3A = arith.constant 3 : i32
      %get3A_154 = arith.index_cast %get3A : i32 to index
      %get3A_155 = arith.constant 0 : index
      %get3A_156 = tpu.vector_load %arg22[%get3A_154, %get3A_155] {strides = array<i32>} : memref<4x16xf32, #tpu.memory_space<vmem>>, vector<16xf32>,
      %mul3A_157 = arith.constant 2.000000e+00 : f32
      %mul3A_158 = vector.broadcast %mul3A_157 : f32 to vector<16xf32>
      %mul3A_159 = arith.mulf %get3A_156, %mul3A_158 : vector<16xf32>
      %sub3A = arith.constant 1.000000e+00 : f32
      %sub3A_160 = vector.broadcast %sub3A : f32 to vector<16xf32>
      %sub3A_161 = arith.subf %mul3A_159, %sub3A_160 : vector<16xf32>
      %sub3A_162 = arith.constant 7.812500e-03 : f32
      %sub3A_163 = vector.broadcast %sub3A_162 : f32 to vector<16xf32>
      %sub3A_164 = arith.subf %sub3A_161, %sub3A_163 : vector<16xf32>
      %add3A_165 = arith.constant 1.000000e+00 : f32
      %add3A_166 = vector.broadcast %add3A_165 : f32 to vector<16xf32>
      %add3A_167 = arith.addf %sub3A_164, %add3A_166 : vector<16xf32>
      %mul3A_168 = arith.constant 5.000000e-01 : f32
      %mul3A_169 = vector.broadcast %mul3A_168 : f32 to vector<16xf32>
      %mul3A_170 = arith.mulf %add3A_167, %mul3A_169 : vector<16xf32>
      %mul3A_171 = arith.constant 6.300000e+01 : f32
      %mul3A_172 = vector.broadcast %mul3A_171 : f32 to vector<16xf32>
      %mul3A_173 = arith.mulf %mul3A_170, %mul3A_172 : vector<16xf32>
      %add3A_174 = arith.constant 5.000000e-01 : f32
      %add3A_175 = vector.broadcast %add3A_174 : f32 to vector<16xf32>
      %add3A_176 = arith.addf %mul3A_173, %add3A_175 : vector<16xf32>
      %convert_element_type3A_177 = arith.fptosi %add3A_176 : vector<16xf32> to vector<16xi32>
      %max3A = arith.constant 0 : i32
      %max3A_178 = vector.broadcast %max3A : i32 to vector<16xi32>
      %max3A_179 = arith.maxsi %convert_element_type3A_177, %max3A_178 : vector<16xi32>
      %min3A = arith.constant 63 : i32
      %min3A_180 = vector.broadcast %min3A : i32 to vector<16xi32>
      %min3A_181 = arith.minsi %max3A_179, %min3A_180 : vector<16xi32>
      %get3A_182 = arith.constant 0 : i32
      %get3A_183 = arith.index_cast %get3A_182 : i32 to index
      %get3A_184 = arith.constant 0 : index
      %get3A_185 = tpu.vector_load %arg22[%get3A_183, %get3A_184] {strides = array<i32>} : memref<4x16xf32, #tpu.memory_space<vmem>>, vector<16xf32>,
      %sub3A_186 = arith.constant 1.300000e+00 : f32
      %sub3A_187 = vector.broadcast %sub3A_186 : f32 to vector<16xf32>
      %sub3A_188 = arith.subf %get3A_185, %sub3A_187 : vector<16xf32>
      %mul3A_189 = arith.constant -0.769230782 : f32
      %mul3A_190 = vector.broadcast %mul3A_189 : f32 to vector<16xf32>
      %mul3A_191 = arith.mulf %sub3A_188, %mul3A_190 : vector<16xf32>
      %sub3A_192 = arith.constant 1.000000e+00 : f32
      %sub3A_193 = vector.broadcast %sub3A_192 : f32 to vector<16xf32>
      %sub3A_194 = arith.subf %mul3A_191, %sub3A_193 : vector<16xf32>
      %sub3A_195 = arith.constant 7.812500e-03 : f32
      %sub3A_196 = vector.broadcast %sub3A_195 : f32 to vector<16xf32>
      %sub3A_197 = arith.subf %sub3A_194, %sub3A_196 : vector<16xf32>
      %add3A_198 = arith.constant 1.000000e+00 : f32
      %add3A_199 = vector.broadcast %add3A_198 : f32 to vector<16xf32>
      %add3A_200 = arith.addf %sub3A_197, %add3A_199 : vector<16xf32>
      %mul3A_201 = arith.constant 5.000000e-01 : f32
      %mul3A_202 = vector.broadcast %mul3A_201 : f32 to vector<16xf32>
      %mul3A_203 = arith.mulf %add3A_200, %mul3A_202 : vector<16xf32>
      %mul3A_204 = arith.constant 1.270000e+02 : f32
      %mul3A_205 = vector.broadcast %mul3A_204 : f32 to vector<16xf32>
      %mul3A_206 = arith.mulf %mul3A_203, %mul3A_205 : vector<16xf32>
      %add3A_207 = arith.constant 5.000000e-01 : f32
      %add3A_208 = vector.broadcast %add3A_207 : f32 to vector<16xf32>
      %add3A_209 = arith.addf %mul3A_206, %add3A_208 : vector<16xf32>
      %convert_element_type3A_210 = arith.fptosi %add3A_209 : vector<16xf32> to vector<16xi32>
      %max3A_211 = arith.constant 0 : i32
      %max3A_212 = vector.broadcast %max3A_211 : i32 to vector<16xi32>
      %max3A_213 = arith.maxsi %convert_element_type3A_210, %max3A_212 : vector<16xi32>
      %min3A_214 = arith.constant 127 : i32
      %min3A_215 = vector.broadcast %min3A_214 : i32 to vector<16xi32>
      %min3A_216 = arith.minsi %max3A_213, %min3A_215 : vector<16xi32>
      %mul3A_217 = arith.constant 64 : i32
      %mul3A_218 = vector.broadcast %mul3A_217 : i32 to vector<16xi32>
      %mul3A_219 = arith.muli %min3A_216, %mul3A_218 : vector<16xi32>
      %add3A_220 = arith.addi %mul3A_219, %min3A_181 : vector<16xi32>
      %swap3A = arith.constant 0 : i32
      %swap3A_221 = arith.index_cast %swap3A : i32 to index
      %swap3A_222 = arith.constant 0 : index
      %swap3A_223 = tpu.vector_load %arg23[%swap3A_221, %swap3A_222] {strides = array<i32>} : memref<3x16xi32, #tpu.memory_space<vmem>>, vector<16xi32>,
      tpu.vector_store %arg23[%swap3A_221, %swap3A_222], %add3A_220 {strides = array<i32>} : memref<3x16xi32, #tpu.memory_space<vmem>>, vector<16xi32>,
      %get3A_224 = arith.constant 1 : i32
      %get3A_225 = arith.index_cast %get3A_224 : i32 to index
      %get3A_226 = arith.constant 0 : index
      %get3A_227 = tpu.vector_load %arg22[%get3A_225, %get3A_226] {strides = array<i32>} : memref<4x16xf32, #tpu.memory_space<vmem>>, vector<16xf32>,
      %sub3A_228 = arith.constant 1.300000e+00 : f32
      %sub3A_229 = vector.broadcast %sub3A_228 : f32 to vector<16xf32>
      %sub3A_230 = arith.subf %get3A_227, %sub3A_229 : vector<16xf32>
      %mul3A_231 = arith.constant -0.769230782 : f32
      %mul3A_232 = vector.broadcast %mul3A_231 : f32 to vector<16xf32>
      %mul3A_233 = arith.mulf %sub3A_230, %mul3A_232 : vector<16xf32>
      %sub3A_234 = arith.constant 1.000000e+00 : f32
      %sub3A_235 = vector.broadcast %sub3A_234 : f32 to vector<16xf32>
      %sub3A_236 = arith.subf %mul3A_233, %sub3A_235 : vector<16xf32>
      %sub3A_237 = arith.constant 7.812500e-03 : f32
      %sub3A_238 = vector.broadcast %sub3A_237 : f32 to vector<16xf32>
      %sub3A_239 = arith.subf %sub3A_236, %sub3A_238 : vector<16xf32>
      %add3A_240 = arith.constant 1.000000e+00 : f32
      %add3A_241 = vector.broadcast %add3A_240 : f32 to vector<16xf32>
      %add3A_242 = arith.addf %sub3A_239, %add3A_241 : vector<16xf32>
      %mul3A_243 = arith.constant 5.000000e-01 : f32
      %mul3A_244 = vector.broadcast %mul3A_243 : f32 to vector<16xf32>
      %mul3A_245 = arith.mulf %add3A_242, %mul3A_244 : vector<16xf32>
      %mul3A_246 = arith.constant 1.270000e+02 : f32
      %mul3A_247 = vector.broadcast %mul3A_246 : f32 to vector<16xf32>
      %mul3A_248 = arith.mulf %mul3A_245, %mul3A_247 : vector<16xf32>
      %add3A_249 = arith.constant 5.000000e-01 : f32
      %add3A_250 = vector.broadcast %add3A_249 : f32 to vector<16xf32>
      %add3A_251 = arith.addf %mul3A_248, %add3A_250 : vector<16xf32>
      %convert_element_type3A_252 = arith.fptosi %add3A_251 : vector<16xf32> to vector<16xi32>
      %max3A_253 = arith.constant 0 : i32
      %max3A_254 = vector.broadcast %max3A_253 : i32 to vector<16xi32>
      %max3A_255 = arith.maxsi %convert_element_type3A_252, %max3A_254 : vector<16xi32>
      %min3A_256 = arith.constant 127 : i32
      %min3A_257 = vector.broadcast %min3A_256 : i32 to vector<16xi32>
      %min3A_258 = arith.minsi %max3A_255, %min3A_257 : vector<16xi32>
      %mul3A_259 = arith.constant 64 : i32
      %mul3A_260 = vector.broadcast %mul3A_259 : i32 to vector<16xi32>
      %mul3A_261 = arith.muli %min3A_258, %mul3A_260 : vector<16xi32>
      %add3A_262 = arith.addi %mul3A_261, %min3A_181 : vector<16xi32>
      %swap3A_263 = arith.constant 1 : i32
      %swap3A_264 = arith.index_cast %swap3A_263 : i32 to index
      %swap3A_265 = arith.constant 0 : index
      %swap3A_266 = tpu.vector_load %arg23[%swap3A_264, %swap3A_265] {strides = array<i32>} : memref<3x16xi32, #tpu.memory_space<vmem>>, vector<16xi32>,
      tpu.vector_store %arg23[%swap3A_264, %swap3A_265], %add3A_262 {strides = array<i32>} : memref<3x16xi32, #tpu.memory_space<vmem>>, vector<16xi32>,
      %get3A_267 = arith.constant 2 : i32
      %get3A_268 = arith.index_cast %get3A_267 : i32 to index
      %get3A_269 = arith.constant 0 : index
      %get3A_270 = tpu.vector_load %arg22[%get3A_268, %get3A_269] {strides = array<i32>} : memref<4x16xf32, #tpu.memory_space<vmem>>, vector<16xf32>,
      %sub3A_271 = arith.constant 1.300000e+00 : f32
      %sub3A_272 = vector.broadcast %sub3A_271 : f32 to vector<16xf32>
      %sub3A_273 = arith.subf %get3A_270, %sub3A_272 : vector<16xf32>
      %mul3A_274 = arith.constant -0.769230782 : f32
      %mul3A_275 = vector.broadcast %mul3A_274 : f32 to vector<16xf32>
      %mul3A_276 = arith.mulf %sub3A_273, %mul3A_275 : vector<16xf32>
      %sub3A_277 = arith.constant 1.000000e+00 : f32
      %sub3A_278 = vector.broadcast %sub3A_277 : f32 to vector<16xf32>
      %sub3A_279 = arith.subf %mul3A_276, %sub3A_278 : vector<16xf32>
      %sub3A_280 = arith.constant 7.812500e-03 : f32
      %sub3A_281 = vector.broadcast %sub3A_280 : f32 to vector<16xf32>
      %sub3A_282 = arith.subf %sub3A_279, %sub3A_281 : vector<16xf32>
      %add3A_283 = arith.constant 1.000000e+00 : f32
      %add3A_284 = vector.broadcast %add3A_283 : f32 to vector<16xf32>
      %add3A_285 = arith.addf %sub3A_282, %add3A_284 : vector<16xf32>
      %mul3A_286 = arith.constant 5.000000e-01 : f32
      %mul3A_287 = vector.broadcast %mul3A_286 : f32 to vector<16xf32>
      %mul3A_288 = arith.mulf %add3A_285, %mul3A_287 : vector<16xf32>
      %mul3A_289 = arith.constant 1.270000e+02 : f32
      %mul3A_290 = vector.broadcast %mul3A_289 : f32 to vector<16xf32>
      %mul3A_291 = arith.mulf %mul3A_288, %mul3A_290 : vector<16xf32>
      %add3A_292 = arith.constant 5.000000e-01 : f32
      %add3A_293 = vector.broadcast %add3A_292 : f32 to vector<16xf32>
      %add3A_294 = arith.addf %mul3A_291, %add3A_293 : vector<16xf32>
      %convert_element_type3A_295 = arith.fptosi %add3A_294 : vector<16xf32> to vector<16xi32>
      %max3A_296 = arith.constant 0 : i32
      %max3A_297 = vector.broadcast %max3A_296 : i32 to vector<16xi32>
      %max3A_298 = arith.maxsi %convert_element_type3A_295, %max3A_297 : vector<16xi32>
      %min3A_299 = arith.constant 127 : i32
      %min3A_300 = vector.broadcast %min3A_299 : i32 to vector<16xi32>
      %min3A_301 = arith.minsi %max3A_298, %min3A_300 : vector<16xi32>
      %mul3A_302 = arith.constant 64 : i32
      %mul3A_303 = vector.broadcast %mul3A_302 : i32 to vector<16xi32>
      %mul3A_304 = arith.muli %min3A_301, %mul3A_303 : vector<16xi32>
      %add3A_305 = arith.addi %mul3A_304, %min3A_181 : vector<16xi32>
      %swap3A_306 = arith.constant 2 : i32
      %swap3A_307 = arith.index_cast %swap3A_306 : i32 to index
      %swap3A_308 = arith.constant 0 : index
      %swap3A_309 = tpu.vector_load %arg23[%swap3A_307, %swap3A_308] {strides = array<i32>} : memref<3x16xi32, #tpu.memory_space<vmem>>, vector<16xi32>,
      tpu.vector_store %arg23[%swap3A_307, %swap3A_308], %add3A_305 {strides = array<i32>} : memref<3x16xi32, #tpu.memory_space<vmem>>, vector<16xi32>,
      %dma_start3A_310 = arith.constant 0 : i32
      %dma_start3A_311 = arith.constant 0 : i32
      %dma_start3A_312 = arith.constant 0 : i32
      %dma_start3A_313 = arith.constant 0 : i32
      %dma_start3A_314 = tpu.memref_slice %arg24[%dma_start3A_311, %dma_start3A_312, %dma_start3A_313] : memref<3x16x32xf32, #tpu.memory_space<vmem>> -> memref<1x16x32xf32, #tpu.memory_space<vmem>>
      %dma_start3A_315 = tpu.memref_squeeze %dma_start3A_314 : memref<1x16x32xf32, #tpu.memory_space<vmem>> -> memref<16x32xf32, #tpu.memory_space<vmem>>
      %dma_start3A_316 = arith.constant 0 : i32
      %dma_start3A_317 = tpu.memref_slice %arg23[%dma_start3A_310, %dma_start3A_316] : memref<3x16xi32, #tpu.memory_space<vmem>> -> memref<1x16xi32, #tpu.memory_space<vmem>>
      %dma_start3A_318 = tpu.memref_squeeze %dma_start3A_317 : memref<1x16xi32, #tpu.memory_space<vmem>> -> memref<16xi32, #tpu.memory_space<vmem>>
      %dma_start3A_319 = arith.constant 0 : i32
      %dma_start3A_320 = arith.constant 0 : i32
      %dma_start3A_321 = tpu.memref_slice %arg3[%dma_start3A_319, %dma_start3A_320] : memref<8192x32xf32, #tpu.memory_space<hbm>> -> memref<8192x32xf32, #tpu.memory_space<hbm>>
      tpu.enqueue_indirect_dma source(%dma_start3A_321 : memref<8192x32xf32, #tpu.memory_space<hbm>>) target(%dma_start3A_315 : memref<16x32xf32, #tpu.memory_space<vmem>>) offsets(%dma_start3A_318 : memref<16xi32, #tpu.memory_space<vmem>>) semaphore(%arg27 : memref<!tpu.dma_semaphore, #tpu.memory_space<semaphore_mem>>)
      %dma_wait3A_322 = arith.constant 0 : i32
      %dma_wait3A_323 = arith.constant 0 : i32
      %dma_wait3A_324 = arith.constant 0 : i32
      %dma_wait3A_325 = arith.constant 0 : i32
      %dma_wait3A_326 = tpu.memref_slice %arg24[%dma_wait3A_323, %dma_wait3A_324, %dma_wait3A_325] : memref<3x16x32xf32, #tpu.memory_space<vmem>> -> memref<1x16x32xf32, #tpu.memory_space<vmem>>
      %dma_wait3A_327 = tpu.memref_squeeze %dma_wait3A_326 : memref<1x16x32xf32, #tpu.memory_space<vmem>> -> memref<16x32xf32, #tpu.memory_space<vmem>>
      %dma_wait3A_328 = arith.constant 0 : i32
      %dma_wait3A_329 = tpu.memref_slice %arg23[%dma_wait3A_322, %dma_wait3A_328] : memref<3x16xi32, #tpu.memory_space<vmem>> -> memref<1x16xi32, #tpu.memory_space<vmem>>
      %dma_wait3A_330 = tpu.memref_squeeze %dma_wait3A_329 : memref<1x16xi32, #tpu.memory_space<vmem>> -> memref<16xi32, #tpu.memory_space<vmem>>
      %dma_wait3A_331 = arith.constant 0 : i32
      %dma_wait3A_332 = arith.constant 0 : i32
      %dma_wait3A_333 = tpu.memref_slice %arg3[%dma_wait3A_331, %dma_wait3A_332] : memref<8192x32xf32, #tpu.memory_space<hbm>> -> memref<8192x32xf32, #tpu.memory_space<hbm>>
      tpu.wait_indirect_dma semaphore(%arg27 : memref<!tpu.dma_semaphore, #tpu.memory_space<semaphore_mem>>) src(%dma_wait3A_333 : memref<8192x32xf32, #tpu.memory_space<hbm>>) dst(%dma_wait3A_327 : memref<16x32xf32, #tpu.memory_space<vmem>>)
      %dma_start3A_334 = arith.constant 1 : i32
      %dma_start3A_335 = arith.constant 1 : i32
      %dma_start3A_336 = arith.constant 0 : i32
      %dma_start3A_337 = arith.constant 0 : i32
      %dma_start3A_338 = tpu.memref_slice %arg24[%dma_start3A_335, %dma_start3A_336, %dma_start3A_337] : memref<3x16x32xf32, #tpu.memory_space<vmem>> -> memref<1x16x32xf32, #tpu.memory_space<vmem>>
      %dma_start3A_339 = tpu.memref_squeeze %dma_start3A_338 : memref<1x16x32xf32, #tpu.memory_space<vmem>> -> memref<16x32xf32, #tpu.memory_space<vmem>>
      %dma_start3A_340 = arith.constant 0 : i32
      %dma_start3A_341 = tpu.memref_slice %arg23[%dma_start3A_334, %dma_start3A_340] : memref<3x16xi32, #tpu.memory_space<vmem>> -> memref<1x16xi32, #tpu.memory_space<vmem>>
      %dma_start3A_342 = tpu.memref_squeeze %dma_start3A_341 : memref<1x16xi32, #tpu.memory_space<vmem>> -> memref<16xi32, #tpu.memory_space<vmem>>
      %dma_start3A_343 = arith.constant 0 : i32
      %dma_start3A_344 = arith.constant 0 : i32
      %dma_start3A_345 = tpu.memref_slice %arg4[%dma_start3A_343, %dma_start3A_344] : memref<8192x32xf32, #tpu.memory_space<hbm>> -> memref<8192x32xf32, #tpu.memory_space<hbm>>
      tpu.enqueue_indirect_dma source(%dma_start3A_345 : memref<8192x32xf32, #tpu.memory_space<hbm>>) target(%dma_start3A_339 : memref<16x32xf32, #tpu.memory_space<vmem>>) offsets(%dma_start3A_342 : memref<16xi32, #tpu.memory_space<vmem>>) semaphore(%arg27 : memref<!tpu.dma_semaphore, #tpu.memory_space<semaphore_mem>>)
      %dma_wait3A_346 = arith.constant 1 : i32
      %dma_wait3A_347 = arith.constant 1 : i32
      %dma_wait3A_348 = arith.constant 0 : i32
      %dma_wait3A_349 = arith.constant 0 : i32
      %dma_wait3A_350 = tpu.memref_slice %arg24[%dma_wait3A_347, %dma_wait3A_348, %dma_wait3A_349] : memref<3x16x32xf32, #tpu.memory_space<vmem>> -> memref<1x16x32xf32, #tpu.memory_space<vmem>>
      %dma_wait3A_351 = tpu.memref_squeeze %dma_wait3A_350 : memref<1x16x32xf32, #tpu.memory_space<vmem>> -> memref<16x32xf32, #tpu.memory_space<vmem>>
      %dma_wait3A_352 = arith.constant 0 : i32
      %dma_wait3A_353 = tpu.memref_slice %arg23[%dma_wait3A_346, %dma_wait3A_352] : memref<3x16xi32, #tpu.memory_space<vmem>> -> memref<1x16xi32, #tpu.memory_space<vmem>>
      %dma_wait3A_354 = tpu.memref_squeeze %dma_wait3A_353 : memref<1x16xi32, #tpu.memory_space<vmem>> -> memref<16xi32, #tpu.memory_space<vmem>>
      %dma_wait3A_355 = arith.constant 0 : i32
      %dma_wait3A_356 = arith.constant 0 : i32
      %dma_wait3A_357 = tpu.memref_slice %arg4[%dma_wait3A_355, %dma_wait3A_356] : memref<8192x32xf32, #tpu.memory_space<hbm>> -> memref<8192x32xf32, #tpu.memory_space<hbm>>
      tpu.wait_indirect_dma semaphore(%arg27 : memref<!tpu.dma_semaphore, #tpu.memory_space<semaphore_mem>>) src(%dma_wait3A_357 : memref<8192x32xf32, #tpu.memory_space<hbm>>) dst(%dma_wait3A_351 : memref<16x32xf32, #tpu.memory_space<vmem>>)
      %dma_start3A_358 = arith.constant 2 : i32
      %dma_start3A_359 = arith.constant 2 : i32
      %dma_start3A_360 = arith.constant 0 : i32
      %dma_start3A_361 = arith.constant 0 : i32
      %dma_start3A_362 = tpu.memref_slice %arg24[%dma_start3A_359, %dma_start3A_360, %dma_start3A_361] : memref<3x16x32xf32, #tpu.memory_space<vmem>> -> memref<1x16x32xf32, #tpu.memory_space<vmem>>
      %dma_start3A_363 = tpu.memref_squeeze %dma_start3A_362 : memref<1x16x32xf32, #tpu.memory_space<vmem>> -> memref<16x32xf32, #tpu.memory_space<vmem>>
      %dma_start3A_364 = arith.constant 0 : i32
      %dma_start3A_365 = tpu.memref_slice %arg23[%dma_start3A_358, %dma_start3A_364] : memref<3x16xi32, #tpu.memory_space<vmem>> -> memref<1x16xi32, #tpu.memory_space<vmem>>
      %dma_start3A_366 = tpu.memref_squeeze %dma_start3A_365 : memref<1x16xi32, #tpu.memory_space<vmem>> -> memref<16xi32, #tpu.memory_space<vmem>>
      %dma_start3A_367 = arith.constant 0 : i32
      %dma_start3A_368 = arith.constant 0 : i32
      %dma_start3A_369 = tpu.memref_slice %arg5[%dma_start3A_367, %dma_start3A_368] : memref<8192x32xf32, #tpu.memory_space<hbm>> -> memref<8192x32xf32, #tpu.memory_space<hbm>>
      tpu.enqueue_indirect_dma source(%dma_start3A_369 : memref<8192x32xf32, #tpu.memory_space<hbm>>) target(%dma_start3A_363 : memref<16x32xf32, #tpu.memory_space<vmem>>) offsets(%dma_start3A_366 : memref<16xi32, #tpu.memory_space<vmem>>) semaphore(%arg27 : memref<!tpu.dma_semaphore, #tpu.memory_space<semaphore_mem>>)
      %dma_wait3A_370 = arith.constant 2 : i32
      %dma_wait3A_371 = arith.constant 2 : i32
      %dma_wait3A_372 = arith.constant 0 : i32
      %dma_wait3A_373 = arith.constant 0 : i32
      %dma_wait3A_374 = tpu.memref_slice %arg24[%dma_wait3A_371, %dma_wait3A_372, %dma_wait3A_373] : memref<3x16x32xf32, #tpu.memory_space<vmem>> -> memref<1x16x32xf32, #tpu.memory_space<vmem>>
      %dma_wait3A_375 = tpu.memref_squeeze %dma_wait3A_374 : memref<1x16x32xf32, #tpu.memory_space<vmem>> -> memref<16x32xf32, #tpu.memory_space<vmem>>
      %dma_wait3A_376 = arith.constant 0 : i32
      %dma_wait3A_377 = tpu.memref_slice %arg23[%dma_wait3A_370, %dma_wait3A_376] : memref<3x16xi32, #tpu.memory_space<vmem>> -> memref<1x16xi32, #tpu.memory_space<vmem>>
      %dma_wait3A_378 = tpu.memref_squeeze %dma_wait3A_377 : memref<1x16xi32, #tpu.memory_space<vmem>> -> memref<16xi32, #tpu.memory_space<vmem>>
      %dma_wait3A_379 = arith.constant 0 : i32
      %dma_wait3A_380 = arith.constant 0 : i32
      %dma_wait3A_381 = tpu.memref_slice %arg5[%dma_wait3A_379, %dma_wait3A_380] : memref<8192x32xf32, #tpu.memory_space<hbm>> -> memref<8192x32xf32, #tpu.memory_space<hbm>>
      tpu.wait_indirect_dma semaphore(%arg27 : memref<!tpu.dma_semaphore, #tpu.memory_space<semaphore_mem>>) src(%dma_wait3A_381 : memref<8192x32xf32, #tpu.memory_space<hbm>>) dst(%dma_wait3A_375 : memref<16x32xf32, #tpu.memory_space<vmem>>)
      %broadcast_in_dim3A = arith.constant 0 : i32
      %broadcast_in_dim3A_382 = vector.broadcast %broadcast_in_dim3A : i32 to vector<16xi32>
      %broadcast_in_dim3A_383 = arith.constant 15 : i32
      %broadcast_in_dim3A_384 = vector.broadcast %broadcast_in_dim3A_383 : i32 to vector<16xi32>
      %gather3A = tpu.vector_load_idx %arg22[%broadcast_in_dim3A_382, %broadcast_in_dim3A_384] : memref<4x16xf32, #tpu.memory_space<vmem>>[vector<16xi32>, vector<16xi32>], vector<16xf32>,
      %sub3A_385 = arith.constant 1.300000e+00 : f32
      %sub3A_386 = vector.broadcast %sub3A_385 : f32 to vector<16xf32>
      %sub3A_387 = arith.subf %gather3A, %sub3A_386 : vector<16xf32>
      %mul3A_388 = arith.constant -0.769230782 : f32
      %mul3A_389 = vector.broadcast %mul3A_388 : f32 to vector<16xf32>
      %mul3A_390 = arith.mulf %sub3A_387, %mul3A_389 : vector<16xf32>
      %sub3A_391 = arith.constant 1.000000e+00 : f32
      %sub3A_392 = vector.broadcast %sub3A_391 : f32 to vector<16xf32>
      %sub3A_393 = arith.subf %mul3A_390, %sub3A_392 : vector<16xf32>
      %add3A_394 = arith.constant 7.812500e-03 : f32
      %add3A_395 = vector.broadcast %add3A_394 : f32 to vector<16xf32>
      %add3A_396 = arith.addf %sub3A_393, %add3A_395 : vector<16xf32>
      %gt3A = arith.constant 1.000000e+00 : f32
      %gt3A_397 = vector.broadcast %gt3A : f32 to vector<16xf32>
      %gt3A_398 = arith.cmpf ogt, %add3A_396, %gt3A_397 : vector<16xf32>
      %get3A_399 = arith.constant 0 : i32
      %get3A_400 = arith.constant 15 : i32
      %get3A_401 = arith.index_cast %get3A_399 : i32 to index
      %get3A_402 = arith.index_cast %get3A_400 : i32 to index
      %get3A_403 = arith.constant 0 : index
      %get3A_404 = tpu.vector_load %arg24[%get3A_401, %get3A_402, %get3A_403] {strides = array<i32>} : memref<3x16x32xf32, #tpu.memory_space<vmem>>, vector<16xf32>,
      %get3A_405 = arith.constant 1 : i32
      %get3A_406 = arith.constant 15 : i32
      %get3A_407 = arith.index_cast %get3A_405 : i32 to index
      %get3A_408 = arith.index_cast %get3A_406 : i32 to index
      %get3A_409 = arith.constant 0 : index
      %get3A_410 = tpu.vector_load %arg24[%get3A_407, %get3A_408, %get3A_409] {strides = array<i32>} : memref<3x16x32xf32, #tpu.memory_space<vmem>>, vector<16xf32>,
      %mul3A_411 = arith.mulf %get3A_404, %get3A_410 : vector<16xf32>
      %get3A_412 = arith.constant 2 : i32
      %get3A_413 = arith.constant 15 : i32
      %get3A_414 = arith.index_cast %get3A_412 : i32 to index
      %get3A_415 = arith.index_cast %get3A_413 : i32 to index
      %get3A_416 = arith.constant 0 : index
      %get3A_417 = tpu.vector_load %arg24[%get3A_414, %get3A_415, %get3A_416] {strides = array<i32>} : memref<3x16x32xf32, #tpu.memory_space<vmem>>, vector<16xf32>,
      %mul3A_418 = arith.mulf %mul3A_411, %get3A_417 : vector<16xf32>
      %get3A_419 = arith.constant 511 : i32
      %get3A_420 = arith.index_cast %get3A_419 : i32 to index
      %get3A_421 = arith.constant 0 : index
      %get3A_422 = tpu.vector_load %arg19[%get3A_420, %get3A_421] {strides = array<i32>} : memref<512x32xf32, #tpu.memory_space<vmem>>, vector<16xf32>,
      %select_n3A = arith.select %gt3A_398, %mul3A_418, %get3A_422 : vector<16xi1>, vector<16xf32>
      %swap3A_423 = arith.constant 0 : index
      %swap3A_424 = tpu.vector_load %arg25[%swap3A_423] {strides = array<i32>} : memref<32xf32, #tpu.memory_space<vmem>>, vector<16xf32>,
      tpu.vector_store %arg25[%swap3A_423], %select_n3A {strides = array<i32>} : memref<32xf32, #tpu.memory_space<vmem>>, vector<16xf32>,
      %select_n3A_425 = arith.select %gt3A_398, %get3A_422, %mul3A_418 : vector<16xi1>, vector<16xf32>
      %swap3A_426 = arith.constant 0 : index
      %swap3A_427 = tpu.vector_load %arg26[%swap3A_426] {strides = array<i32>} : memref<32xf32, #tpu.memory_space<vmem>>, vector<16xf32>,
      tpu.vector_store %arg26[%swap3A_426], %select_n3A_425 {strides = array<i32>} : memref<32xf32, #tpu.memory_space<vmem>>, vector<16xf32>,
      %get3A_428 = arith.constant 0 : i32
      %get3A_429 = arith.constant 15 : i32
      %get3A_430 = arith.index_cast %get3A_428 : i32 to index
      %get3A_431 = arith.index_cast %get3A_429 : i32 to index
      %get3A_432 = arith.constant 16 : index
      %get3A_433 = tpu.vector_load %arg24[%get3A_430, %get3A_431, %get3A_432] {strides = array<i32>} : memref<3x16x32xf32, #tpu.memory_space<vmem>>, vector<16xf32>,
      %get3A_434 = arith.constant 1 : i32
      %get3A_435 = arith.constant 15 : i32
      %get3A_436 = arith.index_cast %get3A_434 : i32 to index
      %get3A_437 = arith.index_cast %get3A_435 : i32 to index
      %get3A_438 = arith.constant 16 : index
      %get3A_439 = tpu.vector_load %arg24[%get3A_436, %get3A_437, %get3A_438] {strides = array<i32>} : memref<3x16x32xf32, #tpu.memory_space<vmem>>, vector<16xf32>,
      %mul3A_440 = arith.mulf %get3A_433, %get3A_439 : vector<16xf32>
      %get3A_441 = arith.constant 2 : i32
      %get3A_442 = arith.constant 15 : i32
      %get3A_443 = arith.index_cast %get3A_441 : i32 to index
      %get3A_444 = arith.index_cast %get3A_442 : i32 to index
      %get3A_445 = arith.constant 16 : index
      %get3A_446 = tpu.vector_load %arg24[%get3A_443, %get3A_444, %get3A_445] {strides = array<i32>} : memref<3x16x32xf32, #tpu.memory_space<vmem>>, vector<16xf32>,
      %mul3A_447 = arith.mulf %mul3A_440, %get3A_446 : vector<16xf32>
      %get3A_448 = arith.constant 511 : i32
      %get3A_449 = arith.index_cast %get3A_448 : i32 to index
      %get3A_450 = arith.constant 16 : index
      %get3A_451 = tpu.vector_load %arg19[%get3A_449, %get3A_450] {strides = array<i32>} : memref<512x32xf32, #tpu.memory_space<vmem>>, vector<16xf32>,
      %select_n3A_452 = arith.select %gt3A_398, %mul3A_447, %get3A_451 : vector<16xi1>, vector<16xf32>
      %swap3A_453 = arith.constant 16 : index
      %swap3A_454 = tpu.vector_load %arg25[%swap3A_453] {strides = array<i32>} : memref<32xf32, #tpu.memory_space<vmem>>, vector<16xf32>,
      tpu.vector_store %arg25[%swap3A_453], %select_n3A_452 {strides = array<i32>} : memref<32xf32, #tpu.memory_space<vmem>>, vector<16xf32>,
      %select_n3A_455 = arith.select %gt3A_398, %get3A_451, %mul3A_447 : vector<16xi1>, vector<16xf32>
      %swap3A_456 = arith.constant 16 : index
      %swap3A_457 = tpu.vector_load %arg26[%swap3A_456] {strides = array<i32>} : memref<32xf32, #tpu.memory_space<vmem>>, vector<16xf32>,
      tpu.vector_store %arg26[%swap3A_456], %select_n3A_455 {strides = array<i32>} : memref<32xf32, #tpu.memory_space<vmem>>, vector<16xf32>,
      %run_scoped3A = arith.constant 524287 : i32
      "tpu.region"() ({
        %run_scoped3A_459 = tpu.sem_alloc : memref<!tpu.dma_semaphore, #tpu.memory_space<semaphore_mem>>
        %dma_start3A_460 = arith.constant 0 : i32
        %dma_start3A_461 = tpu.memref_slice %arg6[%run_scoped3A, %dma_start3A_460] : memref<524288x32xf32, #tpu.memory_space<hbm>> -> memref<1x32xf32, #tpu.memory_space<hbm>>
        %dma_start3A_462 = tpu.memref_squeeze %dma_start3A_461 : memref<1x32xf32, #tpu.memory_space<hbm>> -> memref<32xf32, #tpu.memory_space<hbm>>
        %dma_start3A_463 = arith.constant 0 : i32
        %dma_start3A_464 = tpu.memref_slice %arg6[%run_scoped3A, %dma_start3A_463] : memref<524288x32xf32, #tpu.memory_space<hbm>> -> memref<1x32xf32, #tpu.memory_space<hbm>>
        %dma_start3A_465 = tpu.memref_squeeze %dma_start3A_464 : memref<1x32xf32, #tpu.memory_space<hbm>> -> memref<32xf32, #tpu.memory_space<hbm>>
        tpu.enqueue_dma source(%arg25 : memref<32xf32, #tpu.memory_space<vmem>>) target(%dma_start3A_465 : memref<32xf32, #tpu.memory_space<hbm>>) target_semaphore(%run_scoped3A_459 : memref<!tpu.dma_semaphore, #tpu.memory_space<semaphore_mem>>)
        %dma_wait3A_466 = arith.constant 0 : i32
        %dma_wait3A_467 = tpu.memref_slice %arg6[%run_scoped3A, %dma_wait3A_466] : memref<524288x32xf32, #tpu.memory_space<hbm>> -> memref<1x32xf32, #tpu.memory_space<hbm>>
        %dma_wait3A_468 = tpu.memref_squeeze %dma_wait3A_467 : memref<1x32xf32, #tpu.memory_space<hbm>> -> memref<32xf32, #tpu.memory_space<hbm>>
        %dma_wait3A_469 = arith.constant 0 : i32
        %dma_wait3A_470 = tpu.memref_slice %arg6[%run_scoped3A, %dma_wait3A_469] : memref<524288x32xf32, #tpu.memory_space<hbm>> -> memref<1x32xf32, #tpu.memory_space<hbm>>
        %dma_wait3A_471 = tpu.memref_squeeze %dma_wait3A_470 : memref<1x32xf32, #tpu.memory_space<hbm>> -> memref<32xf32, #tpu.memory_space<hbm>>
        tpu.wait_dma2 semaphore(%run_scoped3A_459 : memref<!tpu.dma_semaphore, #tpu.memory_space<semaphore_mem>>) src(%arg25 : memref<32xf32, #tpu.memory_space<vmem>>) dst(%dma_wait3A_471 : memref<32xf32, #tpu.memory_space<hbm>>)
        tpu.yield
      }) : () -> ()
      %run_scoped3A_458 = arith.constant 524287 : i32
      "tpu.region"() ({
        %run_scoped3A_459 = tpu.sem_alloc : memref<!tpu.dma_semaphore, #tpu.memory_space<semaphore_mem>>
        %dma_start3A_460 = arith.constant 0 : i32
        %dma_start3A_461 = tpu.memref_slice %arg7[%run_scoped3A_458, %dma_start3A_460] : memref<524288x32xf32, #tpu.memory_space<hbm>> -> memref<1x32xf32, #tpu.memory_space<hbm>>
        %dma_start3A_462 = tpu.memref_squeeze %dma_start3A_461 : memref<1x32xf32, #tpu.memory_space<hbm>> -> memref<32xf32, #tpu.memory_space<hbm>>
        %dma_start3A_463 = arith.constant 0 : i32
        %dma_start3A_464 = tpu.memref_slice %arg7[%run_scoped3A_458, %dma_start3A_463] : memref<524288x32xf32, #tpu.memory_space<hbm>> -> memref<1x32xf32, #tpu.memory_space<hbm>>
        %dma_start3A_465 = tpu.memref_squeeze %dma_start3A_464 : memref<1x32xf32, #tpu.memory_space<hbm>> -> memref<32xf32, #tpu.memory_space<hbm>>
        tpu.enqueue_dma source(%arg26 : memref<32xf32, #tpu.memory_space<vmem>>) target(%dma_start3A_465 : memref<32xf32, #tpu.memory_space<hbm>>) target_semaphore(%run_scoped3A_459 : memref<!tpu.dma_semaphore, #tpu.memory_space<semaphore_mem>>)
        %dma_wait3A_466 = arith.constant 0 : i32
        %dma_wait3A_467 = tpu.memref_slice %arg7[%run_scoped3A_458, %dma_wait3A_466] : memref<524288x32xf32, #tpu.memory_space<hbm>> -> memref<1x32xf32, #tpu.memory_space<hbm>>
        %dma_wait3A_468 = tpu.memref_squeeze %dma_wait3A_467 : memref<1x32xf32, #tpu.memory_space<hbm>> -> memref<32xf32, #tpu.memory_space<hbm>>
        %dma_wait3A_469 = arith.constant 0 : i32
        %dma_wait3A_470 = tpu.memref_slice %arg7[%run_scoped3A_458, %dma_wait3A_469] : memref<524288x32xf32, #tpu.memory_space<hbm>> -> memref<1x32xf32, #tpu.memory_space<hbm>>
        %dma_wait3A_471 = tpu.memref_squeeze %dma_wait3A_470 : memref<1x32xf32, #tpu.memory_space<hbm>> -> memref<32xf32, #tpu.memory_space<hbm>>
        tpu.wait_dma2 semaphore(%run_scoped3A_459 : memref<!tpu.dma_semaphore, #tpu.memory_space<semaphore_mem>>) src(%arg26 : memref<32xf32, #tpu.memory_space<vmem>>) dst(%dma_wait3A_471 : memref<32xf32, #tpu.memory_space<hbm>>)
        tpu.yield
      }) : () -> ()
    } else {
    }
    return
  }
}

</mosaic_0001>

<sc_bundles>
// kernel: kernel.3.cloned.1.call-start
scs
__scs_entry_jumppad:
0x0: {  	(pc) =	sbr.rel $0x88, $3  }
0x1: {  	(tag) =	ssettag $0x0;
	lr =	simm.s32 $0x1  }
0x2: {  	[smem:$0x3F9C] =	sst lr;
	_ =	strace $0xD0000000  }
0x3: {  	_ = 	snop  }
0x4: {  	_ = 	snop  }
0x5: {  	_ = 	snop  }
0x6: {  	_ = 	snop  }
0x7: {  	_ = 	snop  }
__scs_overlays_trampoline_lowered:
0x8: {  	[smem:$0x3FAB] =	sst s0  }
0x9: {  	[smem:$0x3FAC] =	sst s1  }
0xa: {  	[smem:$0x3FAD] =	sst s2  }
0xb: {  	[smem:$0x3FAE] =	sst s3  }
0xc: {  	[smem:$0x3FAF] =	sst s4  }
0xd: {  	[smem:$0x3FB0] =	sst s5  }
0xe: {  	[smem:$0x3FB1] =	sst s6  }
0xf: {  	[smem:$0x3FB2] =	sst s7  }
0x10: {  	[smem:$0x3FB3] =	sst s8  }
0x11: {  	[smem:$0x3FB4] =	sst s9;
	s0 =	simm.s32 @!p0 $0x0  }
0x12: {  	s1 =	sld [smem:$0x3F9A];
	s0 =	simm.s32 @p0 $0x1  }
0x13: {  	[smem:$0x3FB5] =	sst s0;
	s0 =	simm.s32 @!p1 $0x0  }
0x14: {  	s2 =	sld [smem:$0x3F99];
	s0 =	simm.s32 @p1 $0x1  }
0x15: {  	[smem:$0x3FB6] =	sst s0;
	s0 =	simm.s32 @!p2 $0x0  }
0x16: {  	s3 =	sld [smem:$0x3FDB];
	s0 =	simm.s32 @p2 $0x1  }
0x17: {  	s4 =	simm.s32 $0x1BF5;
	[smem:$0x3FB8] =	sst s0  }
0x18: {  	s0 =	sld [smem:$0x3F9B];
	_ =	swait.ge [sflag:s4], $0x0  }
0x19: {  	s7 =	sld [smem:$0x3F9C]  }
0x1a: {  	s8 =	sadd.s32 $0xFFFFE003, lr  }
0x1b: {  	s9 =	sadd.s32 $0xFFFFFEF7, lr;
	s5 =	simm.s32 $0xFFFFFFFF;
	p2 =	slt.u32 s8, $0xFFFFF086  }
0x1c: {  	p1 =	slt.u32 s9, $0xF7A;
	s5 =	simm.s32 @!p2 $0x0  }
0x1d: {  	s5 =	simm.s32 @p1 $0x1;
	p0 =	seq.s32 s7, s2  }
0x1e: {  	s7 =	smul.u32 @!p0 $0xF7A, s2;
	p2 =	seq.s32 @!p0 s5, $0x0  }
0x1f: {  	s9 =	smul.u32 $0xF7A, s1;
	s8 =	simm.s32 @!p0 $0x1BF5;
	p2 =	por !p2, p0  }
0x20: {  	[sflag:s8] =	ssyncset.s32 @!p0 $0xFFFFF086;
	s6 =	sadd.s32 @!p0 s3, s7;
	s7 =	simm.s32 @!p0 $0x108  }
0x21: {  	s3 =	sadd.s32 s3, s9;
	s6 =	sadd.s32 @!p0 $0x88, s6;
	s7 =	simm.s32 @p2 $0x1082  }
0x22: {  	[simem:s7], [sflag:s8] =	dma.local @!p0 [hbm:s6], $0xF7A  }
0x23: {  	s9 =	sor.u32 $0xD0000000, s2;
	s6 =	simm.s32 $0x108;
	_ =	swait.ge @!p0 [sflag:s8], $0x0  }
0x24: {  	s3 =	sadd.s32 $0x88, s3;
	s6 =	simm.s32 @!p1 $0x1082;
	[sflag:s4] =	ssyncset.s32 $0xFFFFF086  }
0x25: {  	[simem:s6], [sflag:s4] =	dma.local [hbm:s3], $0xF7A  }
0x26: {  	[smem:$0x3F9C] =	sst s1;
	(tag) =	ssettag s2;
	_ =	strace s9  }
0x27: {  	s1 =	sld [smem:$0x3FAC]  }
0x28: {  	s2 =	sld [smem:$0x3FAD]  }
0x29: {  	s4 =	sld [smem:$0x3FAF]  }
0x2a: {  	p0 =	seq.s32 s5, $0x0;
	s5 =	sld [smem:$0x3FB0]  }
0x2b: {  	s6 =	sld [smem:$0x3FB1]  }
0x2c: {  	s7 =	sld [smem:$0x3FB2]  }
0x2d: {  	s3 =	simm.s32 $0x108;
	s8 =	sld [smem:$0x3FB3]  }
0x2e: {  	s3 =	simm.s32 @!p0 $0x1082;
	s9 =	sld [smem:$0x3FB4]  }
0x2f: {  	lr =	sadd.s32 s0, s3;
	s0 =	sld [smem:$0x3FAB]  }
0x30: {  	s3 =	sld [smem:$0x3FAE]  }
0x31: {  	[smem:$0x3FB7] =	sst s10  }
0x32: {  	s10 =	sld [smem:$0x3FB5];
	_ =	sdelay $0x3  }
0x33: {  	p0 =	seq.s32 s10, $0x1;
	s10 =	sld [smem:$0x3FB7];
	_ =	sdelay $0x3  }
0x34: {  	[smem:$0x3FB7] =	sst s10  }
0x35: {  	s10 =	sld [smem:$0x3FB6];
	_ =	sdelay $0x3  }
0x36: {  	p1 =	seq.s32 s10, $0x1;
	s10 =	sld [smem:$0x3FB7];
	_ =	sdelay $0x3  }
0x37: {  	[smem:$0x3FB7] =	sst s10  }
0x38: {  	s10 =	sld [smem:$0x3FB8]  }
0x39: {  	_ = 	snop;
	(pc) =	sbr.ind lr, $3  }
0x3a: {  	_ = 	snop  }
0x3b: {  	_ = 	snop  }
0x3c: {  	p2 =	seq.s32 s10, $0x1;
	s10 =	sld [smem:$0x3FB7]  }
0x3d: {  	_ =	shalt  }
0x3e: {  	_ =	shalt  }
0x3f: {  	_ =	shalt  }
0x40: {  	_ =	shalt  }
0x41: {  	_ =	shalt  }
0x42: {  	_ =	shalt  }
0x43: {  	_ =	shalt  }
0x44: {  	_ =	shalt  }
0x45: {  	_ =	shalt  }
0x46: {  	_ =	shalt  }
0x47: {  	_ =	shalt  }
0x48: {  	_ =	shalt  }
0x49: {  	_ =	shalt  }
0x4a: {  	_ =	shalt  }
0x4b: {  	_ =	shalt  }
0x4c: {  	_ =	shalt  }
0x4d: {  	_ =	shalt  }
0x4e: {  	_ =	shalt  }
0x4f: {  	_ =	shalt  }
0x50: {  	_ =	shalt  }
0x51: {  	_ =	shalt  }
0x52: {  	_ =	shalt  }
0x53: {  	_ =	shalt  }
0x54: {  	_ =	shalt  }
0x55: {  	_ =	shalt  }
0x56: {  	_ =	shalt  }
0x57: {  	_ =	shalt  }
0x58: {  	_ =	shalt  }
0x59: {  	_ =	shalt  }
0x5a: {  	_ =	shalt  }
0x5b: {  	_ =	shalt  }
0x5c: {  	_ =	shalt  }
0x5d: {  	_ =	shalt  }
0x5e: {  	_ =	shalt  }
0x5f: {  	_ =	shalt  }
0x60: {  	_ =	shalt  }
0x61: {  	_ =	shalt  }
0x62: {  	_ =	shalt  }
0x63: {  	_ =	shalt  }
0x64: {  	_ =	shalt  }
0x65: {  	_ =	shalt  }
0x66: {  	_ =	shalt  }
0x67: {  	_ =	shalt  }
0x68: {  	_ =	shalt  }
0x69: {  	_ =	shalt  }
0x6a: {  	_ =	shalt  }
0x6b: {  	_ =	shalt  }
0x6c: {  	_ =	shalt  }
0x6d: {  	_ =	shalt  }
0x6e: {  	_ =	shalt  }
0x6f: {  	_ =	shalt  }
0x70: {  	_ =	shalt  }
0x71: {  	_ =	shalt  }
0x72: {  	_ =	shalt  }
0x73: {  	_ =	shalt  }
0x74: {  	_ =	shalt  }
0x75: {  	_ =	shalt  }
0x76: {  	_ =	shalt  }
0x77: {  	_ =	shalt  }
0x78: {  	_ =	shalt  }
0x79: {  	_ =	shalt  }
0x7a: {  	_ =	shalt  }
0x7b: {  	_ =	shalt  }
0x7c: {  	_ =	shalt  }
0x7d: {  	_ =	shalt  }
0x7e: {  	_ =	shalt  }
0x7f: {  	_ =	shalt  }
0x80: {  	_ =	shalt  }
0x81: {  	_ =	shalt  }
0x82: {  	_ =	shalt  }
0x83: {  	_ =	shalt  }
0x84: {  	_ =	shalt  }
0x85: {  	_ =	shalt  }
0x86: {  	_ =	shalt  }
0x87: {  	_ =	shalt  }
.Lfunc_end0:
.L_simem_size_0:
called_computation.2_lowered:
.L_overlay_start_0:
0x88: {  	s2 =	sld [smem:$0x3FD9]  }
0x89: {  	s3 =	sld [smem:$0x3FFE];
	_ =	sdelay $0x1  }
0x8a: {  	s1 =	srdreg.scid  }
0x8b: {  	s0 =	sand.u32 $0x1, s1  }
0x8c: {  	s14 =	sshll.u32 s0, $0xA;
	s2 =	sadd.s32 s3, s2  }
0x8d: {  	s2 =	sadd.s32 s2, s14  }
0x8e: {  	[smem:$0x3FC3] =	sst s2  }
0x8f: {  	_ = 	snop  }
0x90: {  	s2 =	sld [smem:$0x3FD0];
	_ =	sdelay $0x2  }
0x91: {  	s15 =	simm.s32 $0xB;
	s4 =	simm.s32 $0x10  }
0x92: {  	[smem:s4], [sflag:s15] =	dma.local [hbm:s2], $0x1  }
0x93: {  	_ =	swait.eq [sflag:s15], $0x1  }
0x94: {  	[sflag:s15] =	ssyncset.done $0x0  }
0x95: {  	s16 =	sld [smem:$0x10];
	[sflag:s15] =	ssyncadd.s32 $0xFFFFFFFF  }
0x96: {  	s17 =	sld [smem:$0x11];
	(tm) =	ssettm $0x1  }
0x97: {  	s18 =	sld [smem:$0x3FFB];
	_ =	sdelay $0x3  }
0x98: {  	_ =	strace s18  }
0x99: {  	s4 =	sld [smem:$0x3FFC];
	_ =	sdelay $0x3  }
0x9a: {  	_ =	strace s4  }
0x9b: {  	s4 =	sld [smem:$0x3FFD];
	_ =	sdelay $0x3  }
0x9c: {  	_ =	strace s4  }
0x9d: {  	_ =	strace $0x8FFFFFFF  }
0x9e: {  	s19 =	sld [smem:$0x3FDB];
	_ =	sdelay $0x1  }
0x9f: {  	s5 =	simm.s32 $_scs_section_size  }
0xa0: {  	s6 =	simm.s32 $_size__tile_overlayer_lowered;
	s7 =	simm.s32 $_tile_overlayer_lowered  }
0xa1: {  	s22 =	simm.s32 $0x1BFF;
	s21 =	sshll.u32 s7, $0x1;
	s4 =	sadd.s32 s5, s19  }
0xa2: {  	s8 =	simm.s32 $0x0;
	s20 =	sshll.u32 s6, $0x1;
	s6 =	sadd.s32 s21, s4  }
0xa3: {  	[timem:s8], [sflag:s22] =	dma.local [hbm:s6], s20  }
0xa4: {  	_ =	swait.ge [sflag:s22], s20  }
0xa5: {  	s5 =	ssub.s32 $0x0, s20;
	[sflag:s22] =	ssyncset.done $0x0  }
0xa6: {  	[sflag:s22] =	ssyncadd.s32 s5;
	_ =	sdelay $0x1  }
0xa7: {  	s23 =	simm.s32 $0x1B8B  }
0xa8: {  	_ =	swait.ge [sflag:s23], $0x1  }
0xa9: {  	[sflag:s23] =	ssyncset.done $0x0  }
0xaa: {  	s25 =	simm.s32 $0x1B8E;
	s24 =	sld [smem:$0x3FFE];
	[sflag:s23] =	ssyncadd.s32 $0xFFFFFFFF  }
0xab: {  	s26 =	simm.s32 $execute0_lowered;
	[smem:$0x3FD2] =	sst s25  }
0xac: {  	s6 =	sshll.u32 s26, $0x1;
	_ =	strace $0x80000046;
	[dreg:$0x1] =	wrdreg $0xFFFFFFFF  }
0xad: {  	s28 =	simm.s32 $_size_execute0_lowered;
	s4 =	sadd.s32 s4, s6;
	[dreg:$0x0] =	wrdreg $0x0  }
0xae: {  	s6 =	sshll.u32 s28, $0x1;
	[dreg:$0x2] =	wrdreg s4  }
0xaf: {  	[dreg:$0x3] =	wrdreg s6  }
0xb0: {  	[dreg:$0x4] =	wrdreg $0xC0  }
0xb1: {  	_ =	task [dreg:s8], $0x5FFFF  }
0xb2: {  	[dreg:$0x1] =	wrdreg $0xFFFFFFFF  }
0xb3: {  	[dreg:$0x0] =	wrdreg $0x60  }
0xb4: {  	[dreg:$0x2] =	wrdreg s24  }
0xb5: {  	[dreg:$0x3] =	wrdreg s16  }
0xb6: {  	[dreg:$0x4] =	wrdreg s17  }
0xb7: {  	[dreg:$0x5] =	wrdreg $0x9  }
0xb8: {  	_ =	task.clear_ibuf [dreg:s8], $0x6FFFF;
	_ =	strace $0x90000046  }
0xb9: {  	s29 =	simm.s32 $0x9;
	_ =	strace $0x80000048  }
0xba: {  	_ =	swait.ge [sflag:s29], $0x1  }
0xbb: {  	[sflag:s29] =	ssyncadd.s32 $0xFFFFFFFF  }
0xbc: {  	_ =	strace $0x90000048  }
0xbd: {  	_ =	sfence  }
0xbe: {  	s30 =	sld [smem:$0x0];
	_ =	sdelay $0x2  }
0xbf: {  	s31 =	sshll.u32 s1, $0xD;
	s1 =	sshrl.u32 s1, $0x2  }
0xc0: {  	s3 =	sand.u32 $0x4000, s31;
	s1 =	sadd.s32 s1, s30  }
0xc1: {  	s0 =	sor.u32 s3, s0;
	s1 =	sshll.u32 s1, $0x11  }
0xc2: {  	s0 =	sor.u32 s1, s0  }
0xc3: {  	s0 =	sadd.s32 $0x8F2B, s0  }
0xc4: {  	[sflag:s0] =	ssyncadd.remote.s32 $0x1  }
0xc5: {  	_ =	sfence.sel $0xFFFF  }
0xc6: {  	[dreg:$0x0] =	wrdreg $0xFFFFFFFF;
	(pc) =	sbr.abs _section_cstart, $3  }
0xc7: {  	[dreg:$0x1] =	wrdreg $0xFFFFFFFF  }
0xc8: {  	_ =	task.clear_ibuf [dreg:s8], $0x2FFFF;
	_ =	strace $0x9FFFFFFF  }
0xc9: {  	(tm) =	ssettm $0x7FFFFFFF  }
tec
execute0_lowered:
.L_overlay_start_1:
0x0: {  	(tag) =	ssettag $0x1  }
0x1: {  	s0 =	rddreg [dreg:$0x0]  }
0x2: {  	s1 =	rddreg [dreg:$0x1]  }
0x3: {  	s2 =	rddreg [dreg:$0x2]  }
0x4: {  	s3 =	simm.s32 $0x0;
	s4 =	srdreg.scid;
	s7 =	stileid.u32  }
0x5: {  	s16 =	simm.s32 $0x200;
	s17 =	simm.s32 $0x80000;
	s18 =	simm.s32 $0x5  }
0x6: {  	s19 =	simm.s32 $0x80;
	s21 =	simm.s32 $0x1C00;
	s20 =	simm.s32 $0x2  }
0x7: {  	s22 =	simm.s32 $0xDC00;
	s26 =	simm.s32 $0x1;
	s13 =	simm.s32 $0x1980  }
0x8: {  	s14 =	simm.s32 $0x14C00;
	s15 =	simm.s32 $0x18C00;
	s12 =	simm.s32 $0x0  }
0x9: {  	[smem:$0x7FF] =	sst s3;
	s5 =	sadd.s32 $0x19E00, s0;
	s6 =	sadd.s32 $0x1E00, s0  }
0xa: {  	s4 =	sand.u32 $0x1, s4;
	s8 =	sshll.u32 s7, $0x1;
	s7 =	sadd.s32 $0x9E00, s0  }
0xb: {  	s29 =	sadd.s32 $0x1FFFFC, s1;
	s30 =	sadd.s32 $0x1FFFFC, s2;
	_ =	strace $0x80000047  }
0xc: {  	s9 =	ssub.s32 $0x2, s4;
	s4 =	sor.u32 s4, s8;
	[dreg:$0x6] =	wrdreg s29  }
0xd: {  	s8 =	sadd.s32 $0x11E00, s0;
	s0 =	sadd.s32 $0x29DFE, s0;
	[dreg:$0x7] =	wrdreg s30  }
.Ltmp0:
0xe: {  	s10 =	sshrl.u32 s9, $0x1;
	s11 =	sshll.u32 s4, $0xB;
	(pc) =	sbr.rel .LBB2_1-.Ltmp0, $4  }
0xf: {  	s28 =	sshll.u32 s4, $0xE;
	[dreg:$0x5] =	wrdreg s0;
	p0 =	sne.s32 s4, $0x1F  }
0x10: {  	s9 =	ssub.s32 s9, s10;
	s11 =	sadd.s32 s5, s11;
	s10 =	sor.u32 $0x200, s28  }
0x11: {  	[dreg:$0x4] =	wrdreg s11;
	s11 =	sshll.u32 s4, $0x10;
	s31 =	smax.u32 s9, $0x1  }
0x12: {  	v0 =	vimm.s32 $0xF;
	s4 =	simm.s32 $0x3;
	s9 =	simm.s32 $0x1B80;
	[dreg:$0x8] =	wrdreg s31  }
.LBB2_27:
0x13: {  	s12 =	sadd.s32 $0x1, s25;
	s0 =	rddreg [dreg:$0x8]  }
0x14: {  	p1 =	sne.s32 s12, s0  }
.Ltmp1:
0x15: {  	_ = 	snop;
	(pc) =	sbr.rel @!p1 .LBB2_28-.Ltmp1, $1  }
0x16: {  	_ =	sdelay $0x3  }
.LBB2_1:
0x17: {  	s0 =	rddreg [dreg:$0x4]  }
0x18: {  	[tilespmem:s3], [sflag:$0x5] =	stream.strided.gather [hbm4b:s0+s16], $0x800, s17, s16, $0x38;
	[tilespmem:$0x1A2B0] =	vst v63  }
0x19: {  	s23 =	simm.s32 $0x600;
	_ =	swait.ge [sflag:s18], $0x800  }
0x1a: {  	s24 =	simm.s32 $0x1400;
	s28 =	simm.s32 $0x1200;
	[sflag:s18] =	ssyncset.done $0x0  }
0x1b: {  	s29 =	simm.s32 $0x1000;
	s30 =	simm.s32 $0x0;
	[sflag:s18] =	ssyncadd.s32 $0xFFFFF800  }
.LBB2_2:
0x1c: {  	v1 =	vmov s23;
	_ =	sdelay $0x3  }
0x1d: {  	s31 =	simm.s32 $0x0  }
0x1e: {  	v2 =	vld.idx.msk [tilespmem:v1+s31+$0xFFFFFA00 ss:$0x1], $0xffff;
	_ =	sdelay $0x2  }
0x1f: {  	v3 =	vld.idx.msk [tilespmem:v1+s31+$0x0 ss:$0x1], $0xffff;
	_ =	sdelay $0x1  }
0x20: {  	v2 =	vadd.f32 $-1.299999950e+00, v2;
	_ =	sdelay $0x1  }
0x21: {  	v2 =	vmul.f32 $7.692307820e-01, v2  }
0x22: {  	v3 =	vadd.f32 v3, v3  }
0x23: {  	v2 =	vsub.f32 $-1.000000000e+00, v2  }
0x24: {  	v3 =	vadd.f32 $-1.000000000e+00, v3  }
0x25: {  	v2 =	vadd.f32 $1.000000000e+00, v2  }
0x26: {  	v3 =	vadd.f32 $1.000000000e+00, v3  }
0x27: {  	v2 =	vmul.f32 $5.000000000e-01, v2  }
0x28: {  	v3 =	vmul.f32 $5.000000000e-01, v3  }
0x29: {  	v2 =	vmul.f32 $1.270000000e+02, v2  }
0x2a: {  	v3 =	vmul.f32 $6.300000000e+01, v3  }
0x2b: {  	v2 =	vadd.f32 $5.000000000e-01, v2  }
0x2c: {  	v3 =	vadd.f32 $5.000000000e-01, v3  }
0x2d: {  	v2 =	vtrunc.f32 v2  }
0x2e: {  	v3 =	vtrunc.f32 v3;
	v4 =	vcvt.f32.s32 v2  }
0x2f: {  	v3 =	vcvt.f32.s32 v3  }
0x30: {  	v2 =	vmov s29;
	vm0 =	vgt.s32 v4, $0x0  }
0x31: {  	vm1 =	vgt.s32 v3, $0x0;
	v4 =	vnsel vm0, $0x0, v4  }
0x32: {  	v3 =	vnsel vm1, $0x0, v3;
	v4 =	vmin.u32 v4, $0x7F  }
0x33: {  	v5 =	vmin.u32 v3, $0x3F;
	v3 =	vshll.u32 v4, $0x6  }
0x34: {  	v3 =	vor.u32 v5, v3  }
0x35: {  	[tilespmem:v2+s31+$0x0 ss:$0x1] =	vst.idx.msk $0xffff, v3  }
0x36: {  	v3 =	vld.idx.msk [tilespmem:v1+s31+$0xFFFFFC00 ss:$0x1], $0xffff;
	_ =	sdelay $0x4  }
0x37: {  	v3 =	vadd.f32 $-1.299999950e+00, v3;
	_ =	sdelay $0x1  }
0x38: {  	v3 =	vmul.f32 $7.692307820e-01, v3;
	_ =	sdelay $0x1  }
0x39: {  	v3 =	vsub.f32 $-1.000000000e+00, v3;
	_ =	sdelay $0x1  }
0x3a: {  	v3 =	vadd.f32 $1.000000000e+00, v3;
	_ =	sdelay $0x1  }
0x3b: {  	v3 =	vmul.f32 $5.000000000e-01, v3;
	_ =	sdelay $0x1  }
0x3c: {  	v3 =	vmul.f32 $1.270000000e+02, v3;
	_ =	sdelay $0x1  }
0x3d: {  	v3 =	vadd.f32 $5.000000000e-01, v3;
	_ =	sdelay $0x1  }
0x3e: {  	v3 =	vtrunc.f32 v3  }
0x3f: {  	v4 =	vcvt.f32.s32 v3;
	_ =	sdelay $0x1  }
0x40: {  	v3 =	vmov s28;
	vm14 =	vgt.s32 v4, $0x0  }
0x41: {  	v4 =	vnsel vm14, $0x0, v4  }
0x42: {  	v4 =	vmin.u32 v4, $0x7F  }
0x43: {  	v4 =	vshll.u32 v4, $0x6  }
0x44: {  	v4 =	vor.u32 v5, v4  }
0x45: {  	[tilespmem:v3+s31+$0x0 ss:$0x1] =	vst.idx.msk $0xffff, v4  }
0x46: {  	v4 =	vld.idx.msk [tilespmem:v1+s31+$0xFFFFFE00 ss:$0x1], $0xffff;
	_ =	sdelay $0x4  }
0x47: {  	v4 =	vadd.f32 $-1.299999950e+00, v4;
	_ =	sdelay $0x1  }
0x48: {  	v4 =	vmul.f32 $7.692307820e-01, v4;
	_ =	sdelay $0x1  }
0x49: {  	v4 =	vsub.f32 $-1.000000000e+00, v4;
	_ =	sdelay $0x1  }
0x4a: {  	v4 =	vadd.f32 $1.000000000e+00, v4;
	_ =	sdelay $0x1  }
0x4b: {  	v4 =	vmul.f32 $5.000000000e-01, v4;
	_ =	sdelay $0x1  }
0x4c: {  	v4 =	vmul.f32 $1.270000000e+02, v4;
	_ =	sdelay $0x1  }
0x4d: {  	v4 =	vadd.f32 $5.000000000e-01, v4;
	_ =	sdelay $0x1  }
0x4e: {  	v4 =	vtrunc.f32 v4  }
0x4f: {  	v4 =	vcvt.f32.s32 v4;
	_ =	sdelay $0x1  }
0x50: {  	vm15 =	vgt.s32 v4, $0x0  }
0x51: {  	v4 =	vnsel vm15, $0x0, v4  }
0x52: {  	v4 =	vmin.u32 v4, $0x7F  }
0x53: {  	v6 =	vshll.u32 v4, $0x6;
	v4 =	vmov s24;
	_ =	sdelay $0x2  }
0x54: {  	s0 =	simm.s32 $0x40;
	s25 =	simm.s32 $0x80;
	v5 =	vor.u32 v5, v6  }
.LBB2_3:
0x55: {  	p1 =	sne.s32 s25, $0x1C0  }
0x56: {  	[tilespmem:v4+s31+$0x0 ss:$0x1] =	vst.idx.msk $0xffff, v5;
	s31 =	sshra.s32 s0, $0x2;
	s0 =	smov.u32 s25;
	s25 =	sadd.s32 $0x40, s25  }
0x57: {  	v5 =	vld.idx.msk [tilespmem:v1+s31+$0xFFFFFA00 ss:$0x1], $0xffff;
	_ =	sdelay $0x2  }
0x58: {  	v6 =	vld.idx.msk [tilespmem:v1+s31+$0x0 ss:$0x1], $0xffff;
	_ =	sdelay $0x2  }
0x59: {  	v5 =	vadd.f32 $-1.299999950e+00, v5;
	_ =	sdelay $0x1  }
0x5a: {  	v5 =	vmul.f32 $7.692307820e-01, v5  }
0x5b: {  	v6 =	vadd.f32 v6, v6  }
0x5c: {  	v5 =	vsub.f32 $-1.000000000e+00, v5  }
0x5d: {  	v6 =	vadd.f32 $-1.000000000e+00, v6  }
0x5e: {  	v5 =	vadd.f32 $1.000000000e+00, v5  }
0x5f: {  	v6 =	vadd.f32 $1.000000000e+00, v6  }
0x60: {  	v5 =	vmul.f32 $5.000000000e-01, v5  }
0x61: {  	v6 =	vmul.f32 $5.000000000e-01, v6  }
0x62: {  	v5 =	vmul.f32 $1.270000000e+02, v5  }
0x63: {  	v6 =	vmul.f32 $6.300000000e+01, v6  }
0x64: {  	v5 =	vadd.f32 $5.000000000e-01, v5  }
0x65: {  	v6 =	vadd.f32 $5.000000000e-01, v6  }
0x66: {  	v5 =	vtrunc.f32 v5  }
0x67: {  	v6 =	vtrunc.f32 v6;
	v5 =	vcvt.f32.s32 v5  }
0x68: {  	v6 =	vcvt.f32.s32 v6  }
0x69: {  	vm0 =	vgt.s32 v5, $0x0  }
0x6a: {  	vm1 =	vgt.s32 v6, $0x0;
	v5 =	vnsel vm0, $0x0, v5  }
0x6b: {  	v6 =	vnsel vm1, $0x0, v6;
	v5 =	vmin.u32 v5, $0x7F  }
0x6c: {  	v6 =	vmin.u32 v6, $0x3F;
	v5 =	vshll.u32 v5, $0x6  }
0x6d: {  	v5 =	vor.u32 v6, v5  }
0x6e: {  	[tilespmem:v2+s31+$0x0 ss:$0x1] =	vst.idx.msk $0xffff, v5  }
0x6f: {  	v5 =	vld.idx.msk [tilespmem:v1+s31+$0xFFFFFC00 ss:$0x1], $0xffff;
	_ =	sdelay $0x5  }
0x70: {  	v5 =	vadd.f32 $-1.299999950e+00, v5;
	_ =	sdelay $0x1  }
0x71: {  	v5 =	vmul.f32 $7.692307820e-01, v5;
	_ =	sdelay $0x1  }
0x72: {  	v5 =	vsub.f32 $-1.000000000e+00, v5;
	_ =	sdelay $0x1  }
0x73: {  	v5 =	vadd.f32 $1.000000000e+00, v5;
	_ =	sdelay $0x1  }
0x74: {  	v5 =	vmul.f32 $5.000000000e-01, v5;
	_ =	sdelay $0x1  }
0x75: {  	v5 =	vmul.f32 $1.270000000e+02, v5;
	_ =	sdelay $0x1  }
0x76: {  	v5 =	vadd.f32 $5.000000000e-01, v5;
	_ =	sdelay $0x1  }
0x77: {  	v5 =	vtrunc.f32 v5  }
0x78: {  	v5 =	vcvt.f32.s32 v5;
	_ =	sdelay $0x1  }
0x79: {  	vm0 =	vgt.s32 v5, $0x0  }
0x7a: {  	v5 =	vnsel vm0, $0x0, v5  }
0x7b: {  	v5 =	vmin.u32 v5, $0x7F  }
0x7c: {  	v5 =	vshll.u32 v5, $0x6  }
0x7d: {  	v5 =	vor.u32 v6, v5  }
0x7e: {  	[tilespmem:v3+s31+$0x0 ss:$0x1] =	vst.idx.msk $0xffff, v5  }
0x7f: {  	v5 =	vld.idx.msk [tilespmem:v1+s31+$0xFFFFFE00 ss:$0x1], $0xffff;
	_ =	sdelay $0x5  }
0x80: {  	v5 =	vadd.f32 $-1.299999950e+00, v5;
	_ =	sdelay $0x1  }
0x81: {  	v5 =	vmul.f32 $7.692307820e-01, v5;
	_ =	sdelay $0x1  }
0x82: {  	v5 =	vsub.f32 $-1.000000000e+00, v5;
	_ =	sdelay $0x1  }
0x83: {  	v5 =	vadd.f32 $1.000000000e+00, v5;
	_ =	sdelay $0x1  }
0x84: {  	v5 =	vmul.f32 $5.000000000e-01, v5;
	_ =	sdelay $0x1  }
0x85: {  	v5 =	vmul.f32 $1.270000000e+02, v5;
	_ =	sdelay $0x1  }
0x86: {  	v5 =	vadd.f32 $5.000000000e-01, v5;
	_ =	sdelay $0x1  }
0x87: {  	v5 =	vtrunc.f32 v5  }
0x88: {  	v5 =	vcvt.f32.s32 v5;
	_ =	sdelay $0x1  }
.Ltmp2:
0x89: {  	vm0 =	vgt.s32 v5, $0x0;
	(pc) =	sbr.rel @p1 .LBB2_3-.Ltmp2, $4  }
0x8a: {  	v5 =	vnsel vm0, $0x0, v5  }
0x8b: {  	v5 =	vmin.u32 v5, $0x7F  }
0x8c: {  	v5 =	vshll.u32 v5, $0x6  }
0x8d: {  	v5 =	vor.u32 v6, v5  }
0x8e: {  	_ =	sdelay $0x3  }
0x8f: {  	s0 =	sshra.s32 s0, $0x2;
	[tilespmem:v4+s31+$0x0 ss:$0x1] =	vst.idx.msk $0xffff, v5  }
0x90: {  	v5 =	vld.idx.msk [tilespmem:v1+s0+$0xFFFFFA00 ss:$0x1], $0xffff;
	_ =	sdelay $0x2  }
0x91: {  	v6 =	vld.idx.msk [tilespmem:v1+s0+$0x0 ss:$0x1], $0xffff;
	_ =	sdelay $0x1  }
0x92: {  	v5 =	vadd.f32 $-1.299999950e+00, v5;
	_ =	sdelay $0x1  }
0x93: {  	v5 =	vmul.f32 $7.692307820e-01, v5  }
0x94: {  	v6 =	vadd.f32 v6, v6  }
0x95: {  	v5 =	vsub.f32 $-1.000000000e+00, v5  }
0x96: {  	v6 =	vadd.f32 $-1.000000000e+00, v6  }
0x97: {  	v5 =	vadd.f32 $1.000000000e+00, v5  }
0x98: {  	v6 =	vadd.f32 $1.000000000e+00, v6  }
0x99: {  	v5 =	vmul.f32 $5.000000000e-01, v5  }
0x9a: {  	v6 =	vmul.f32 $5.000000000e-01, v6  }
0x9b: {  	v5 =	vmul.f32 $1.270000000e+02, v5  }
0x9c: {  	v6 =	vmul.f32 $6.300000000e+01, v6  }
0x9d: {  	v5 =	vadd.f32 $5.000000000e-01, v5  }
0x9e: {  	v6 =	vadd.f32 $5.000000000e-01, v6  }
0x9f: {  	v5 =	vtrunc.f32 v5  }
0xa0: {  	v6 =	vtrunc.f32 v6;
	v5 =	vcvt.f32.s32 v5  }
0xa1: {  	v6 =	vcvt.f32.s32 v6  }
0xa2: {  	vm0 =	vgt.s32 v5, $0x0  }
0xa3: {  	vm1 =	vgt.s32 v6, $0x0;
	v5 =	vnsel vm0, $0x0, v5  }
0xa4: {  	v6 =	vnsel vm1, $0x0, v6;
	v5 =	vmin.u32 v5, $0x7F  }
0xa5: {  	v6 =	vmin.u32 v6, $0x3F;
	v5 =	vshll.u32 v5, $0x6  }
0xa6: {  	v5 =	vor.u32 v6, v5  }
0xa7: {  	[tilespmem:v2+s0+$0x0 ss:$0x1] =	vst.idx.msk $0xffff, v5  }
0xa8: {  	v2 =	vld.idx.msk [tilespmem:v1+s0+$0xFFFFFC00 ss:$0x1], $0xffff;
	_ =	sdelay $0x4  }
0xa9: {  	v2 =	vadd.f32 $-1.299999950e+00, v2;
	_ =	sdelay $0x1  }
0xaa: {  	v2 =	vmul.f32 $7.692307820e-01, v2;
	_ =	sdelay $0x1  }
0xab: {  	v2 =	vsub.f32 $-1.000000000e+00, v2;
	_ =	sdelay $0x1  }
0xac: {  	v2 =	vadd.f32 $1.000000000e+00, v2;
	_ =	sdelay $0x1  }
0xad: {  	v2 =	vmul.f32 $5.000000000e-01, v2;
	_ =	sdelay $0x1  }
0xae: {  	v2 =	vmul.f32 $1.270000000e+02, v2;
	_ =	sdelay $0x1  }
0xaf: {  	v2 =	vadd.f32 $5.000000000e-01, v2;
	_ =	sdelay $0x1  }
0xb0: {  	v2 =	vtrunc.f32 v2  }
0xb1: {  	v2 =	vcvt.f32.s32 v2;
	_ =	sdelay $0x1  }
0xb2: {  	vm14 =	vgt.s32 v2, $0x0  }
0xb3: {  	v2 =	vnsel vm14, $0x0, v2  }
0xb4: {  	v2 =	vmin.u32 v2, $0x7F  }
0xb5: {  	v2 =	vshll.u32 v2, $0x6  }
0xb6: {  	v2 =	vor.u32 v6, v2  }
0xb7: {  	[tilespmem:v3+s0+$0x0 ss:$0x1] =	vst.idx.msk $0xffff, v2  }
0xb8: {  	v1 =	vld.idx.msk [tilespmem:v1+s0+$0xFFFFFE00 ss:$0x1], $0xffff;
	_ =	sdelay $0x4  }
0xb9: {  	v1 =	vadd.f32 $-1.299999950e+00, v1;
	_ =	sdelay $0x1  }
0xba: {  	v1 =	vmul.f32 $7.692307820e-01, v1;
	_ =	sdelay $0x1  }
0xbb: {  	v1 =	vsub.f32 $-1.000000000e+00, v1;
	_ =	sdelay $0x1  }
0xbc: {  	v1 =	vadd.f32 $1.000000000e+00, v1;
	_ =	sdelay $0x1  }
0xbd: {  	v1 =	vmul.f32 $5.000000000e-01, v1;
	_ =	sdelay $0x1  }
0xbe: {  	v1 =	vmul.f32 $1.270000000e+02, v1;
	_ =	sdelay $0x1  }
0xbf: {  	v1 =	vadd.f32 $5.000000000e-01, v1;
	_ =	sdelay $0x1  }
0xc0: {  	v1 =	vtrunc.f32 v1  }
0xc1: {  	v1 =	vcvt.f32.s32 v1  }
0xc2: {  	s30 =	sadd.s32 $0x1, s30  }
0xc3: {  	p1 =	sne.s32 s30, $0x4;
	vm15 =	vgt.s32 v1, $0x0  }
.Ltmp3:
0xc4: {  	v1 =	vnsel vm15, $0x0, v1;
	(pc) =	sbr.rel @p1 .LBB2_2-.Ltmp3, $4  }
0xc5: {  	v1 =	vmin.u32 v1, $0x7F  }
0xc6: {  	v1 =	vshll.u32 v1, $0x6  }
0xc7: {  	s29 =	sadd.s32 $0x80, s29;
	v1 =	vor.u32 v6, v1  }
0xc8: {  	s28 =	sadd.s32 $0x80, s28;
	s24 =	sadd.s32 $0x80, s24;
	s23 =	sadd.s32 $0x80, s23;
	[tilespmem:v4+s0+$0x0 ss:$0x1] =	vst.idx.msk $0xffff, v1  }
0xc9: {  	s0 =	simm.s32 $0x1000  }
0xca: {  	[tilespmem:s21], [sflag:$0x1] =	stream.indirect.gather [hbm4b:s6+s19], $0x20, s0, s19, $0xb8;
	[tilespmem:$0x1A2B0] =	vst v63  }
0xcb: {  	s24 =	simm.s32 $0x1200;
	s25 =	simm.s32 $0x5C00  }
0xcc: {  	[tilespmem:s25], [sflag:$0x1] =	stream.indirect.gather [hbm4b:s7+s19], $0x20, s24, s19, $0xb8;
	[tilespmem:$0x1A2B0] =	vst v63  }
0xcd: {  	s28 =	simm.s32 $0x1400;
	s29 =	simm.s32 $0x9C00  }
0xce: {  	[tilespmem:s29], [sflag:$0x1] =	stream.indirect.gather [hbm4b:s8+s19], $0x20, s28, s19, $0xb8;
	[tilespmem:$0x1A2B0] =	vst v63  }
0xcf: {  	s30 =	simm.s32 $0x1080;
	s31 =	simm.s32 $0x2C00  }
0xd0: {  	[tilespmem:s31], [sflag:$0x1] =	stream.indirect.gather [hbm4b:s6+s19], $0x20, s30, s19, $0xb8;
	[tilespmem:$0x1A2B0] =	vst v63  }
0xd1: {  	[dreg:$0x9] =	wrdreg s12;
	s12 =	simm.s32 $0x1280;
	s23 =	simm.s32 $0x6C00  }
0xd2: {  	[tilespmem:s23], [sflag:$0x1] =	stream.indirect.gather [hbm4b:s7+s19], $0x20, s12, s19, $0xb8;
	[tilespmem:$0x1A2B0] =	vst v63  }
0xd3: {  	s24 =	simm.s32 $0x1480;
	s25 =	simm.s32 $0xAC00  }
0xd4: {  	[tilespmem:s25], [sflag:$0x1] =	stream.indirect.gather [hbm4b:s8+s19], $0x20, s24, s19, $0xb8;
	[tilespmem:$0x1A2B0] =	vst v63  }
0xd5: {  	s28 =	simm.s32 $0x1100;
	s29 =	simm.s32 $0x3C00  }
0xd6: {  	[tilespmem:s29], [sflag:$0x1] =	stream.indirect.gather [hbm4b:s6+s19], $0x20, s28, s19, $0xb8;
	[tilespmem:$0x1A2B0] =	vst v63  }
0xd7: {  	s30 =	simm.s32 $0x1300;
	s31 =	simm.s32 $0x7C00  }
0xd8: {  	[tilespmem:s31], [sflag:$0x1] =	stream.indirect.gather [hbm4b:s7+s19], $0x20, s30, s19, $0xb8;
	[tilespmem:$0x1A2B0] =	vst v63  }
0xd9: {  	s12 =	simm.s32 $0x1500;
	s23 =	simm.s32 $0xBC00  }
0xda: {  	[tilespmem:s23], [sflag:$0x1] =	stream.indirect.gather [hbm4b:s8+s19], $0x20, s12, s19, $0xb8;
	[tilespmem:$0x1A2B0] =	vst v63  }
0xdb: {  	s24 =	simm.s32 $0x1180;
	s25 =	simm.s32 $0x4C00  }
0xdc: {  	[tilespmem:s25], [sflag:$0x1] =	stream.indirect.gather [hbm4b:s6+s19], $0x20, s24, s19, $0xb8;
	[tilespmem:$0x1A2B0] =	vst v63  }
.Ltmp4:
0xdd: {  	_ = 	snop;
	(pc) =	sbr.rel .LBB2_6-.Ltmp4, $4  }
0xde: {  	s28 =	simm.s32 $0x1380;
	s29 =	simm.s32 $0x8C00  }
0xdf: {  	[tilespmem:s29], [sflag:$0x1] =	stream.indirect.gather [hbm4b:s7+s19], $0x20, s28, s19, $0xb8;
	[tilespmem:$0x1A2B0] =	vst v63  }
0xe0: {  	s30 =	simm.s32 $0x1580;
	s31 =	simm.s32 $0xCC00;
	s24 =	simm.s32 $0x0  }
0xe1: {  	[tilespmem:s31], [sflag:$0x1] =	stream.indirect.gather [hbm4b:s8+s19], $0x20, s30, s19, $0xb8;
	[tilespmem:$0x1A2B0] =	vst v63  }
.LBB2_24:
0xe2: {  	s24 =	sadd.s32 $0x1, s24  }
0xe3: {  	p1 =	sne.s32 s24, $0x20  }
.Ltmp5:
0xe4: {  	_ = 	snop;
	(pc) =	sbr.rel @!p1 .LBB2_25-.Ltmp5, $1  }
0xe5: {  	_ =	sdelay $0x3  }
.LBB2_6:
0xe6: {  	s0 =	sand.u32 $0x1, s24  }
0xe7: {  	p1 =	seq.s32 s0, $0x1  }
.Ltmp6:
0xe8: {  	_ = 	snop;
	(pc) =	sbr.rel @!p1 .LBB2_7-.Ltmp6, $1  }
0xe9: {  	_ =	sdelay $0x3  }
0xea: {  	p1 =	seq.s32 s24, $0x1F  }
.Ltmp7:
0xeb: {  	_ = 	snop;
	(pc) =	sbr.rel @p1 .LBB2_20-.Ltmp7, $1  }
0xec: {  	_ =	sdelay $0x3  }
0xed: {  	s0 =	sshll.u32 s24, $0x9  }
0xee: {  	s0 =	sadd.s32 s0, s10  }
0xef: {  	s0 =	sshrl.u32 s0, $0x3  }
0xf0: {  	s23 =	simm.s32 $0x0;
	s0 =	sadd.s32 s5, s0  }
0xf1: {  	[tilespmem:s23], [sflag:$0x5] =	stream.strided.gather [hbm4b:s0+s16], $0x800, s17, s16, $0x38;
	[tilespmem:$0x1A2B0] =	vst v63  }
0xf2: {  	_ =	swait.ge [sflag:s18], $0x800  }
0xf3: {  	s28 =	simm.s32 $0x1000;
	s29 =	simm.s32 $0x1200;
	[sflag:s18] =	ssyncset.done $0x0  }
0xf4: {  	s30 =	simm.s32 $0x1400;
	s31 =	simm.s32 $0x600;
	[sflag:s18] =	ssyncadd.s32 $0xFFFFF800  }
.LBB2_16:
0xf5: {  	v1 =	vmov s31;
	_ =	sdelay $0x3  }
0xf6: {  	s0 =	simm.s32 $0x0  }
0xf7: {  	v2 =	vld.idx.msk [tilespmem:v1+s0+$0xFFFFFA00 ss:$0x1], $0xffff;
	_ =	sdelay $0x2  }
0xf8: {  	v3 =	vld.idx.msk [tilespmem:v1+s0+$0x0 ss:$0x1], $0xffff;
	_ =	sdelay $0x1  }
0xf9: {  	v2 =	vadd.f32 $-1.299999950e+00, v2;
	_ =	sdelay $0x1  }
0xfa: {  	v2 =	vmul.f32 $7.692307820e-01, v2  }
0xfb: {  	v3 =	vadd.f32 v3, v3  }
0xfc: {  	v2 =	vsub.f32 $-1.000000000e+00, v2  }
0xfd: {  	v3 =	vadd.f32 $-1.000000000e+00, v3  }
0xfe: {  	v2 =	vadd.f32 $1.000000000e+00, v2  }
0xff: {  	v3 =	vadd.f32 $1.000000000e+00, v3  }
0x100: {  	v2 =	vmul.f32 $5.000000000e-01, v2  }
0x101: {  	v3 =	vmul.f32 $5.000000000e-01, v3  }
0x102: {  	v2 =	vmul.f32 $1.270000000e+02, v2  }
0x103: {  	v3 =	vmul.f32 $6.300000000e+01, v3  }
0x104: {  	v2 =	vadd.f32 $5.000000000e-01, v2  }
0x105: {  	v3 =	vadd.f32 $5.000000000e-01, v3  }
0x106: {  	v2 =	vtrunc.f32 v2  }
0x107: {  	v3 =	vtrunc.f32 v3;
	v4 =	vcvt.f32.s32 v2  }
0x108: {  	v3 =	vcvt.f32.s32 v3  }
0x109: {  	v2 =	vmov s28;
	vm0 =	vgt.s32 v4, $0x0  }
0x10a: {  	vm1 =	vgt.s32 v3, $0x0;
	v4 =	vnsel vm0, $0x0, v4  }
0x10b: {  	v3 =	vnsel vm1, $0x0, v3;
	v4 =	vmin.u32 v4, $0x7F  }
0x10c: {  	v5 =	vmin.u32 v3, $0x3F;
	v3 =	vshll.u32 v4, $0x6  }
0x10d: {  	v3 =	vor.u32 v5, v3  }
0x10e: {  	[tilespmem:v2+s0+$0x0 ss:$0x1] =	vst.idx.msk $0xffff, v3  }
0x10f: {  	v3 =	vld.idx.msk [tilespmem:v1+s0+$0xFFFFFC00 ss:$0x1], $0xffff;
	_ =	sdelay $0x4  }
0x110: {  	v3 =	vadd.f32 $-1.299999950e+00, v3;
	_ =	sdelay $0x1  }
0x111: {  	v3 =	vmul.f32 $7.692307820e-01, v3;
	_ =	sdelay $0x1  }
0x112: {  	v3 =	vsub.f32 $-1.000000000e+00, v3;
	_ =	sdelay $0x1  }
0x113: {  	v3 =	vadd.f32 $1.000000000e+00, v3;
	_ =	sdelay $0x1  }
0x114: {  	v3 =	vmul.f32 $5.000000000e-01, v3;
	_ =	sdelay $0x1  }
0x115: {  	v3 =	vmul.f32 $1.270000000e+02, v3;
	_ =	sdelay $0x1  }
0x116: {  	v3 =	vadd.f32 $5.000000000e-01, v3;
	_ =	sdelay $0x1  }
0x117: {  	v3 =	vtrunc.f32 v3  }
0x118: {  	v4 =	vcvt.f32.s32 v3;
	_ =	sdelay $0x1  }
0x119: {  	v3 =	vmov s29;
	vm14 =	vgt.s32 v4, $0x0  }
0x11a: {  	v4 =	vnsel vm14, $0x0, v4  }
0x11b: {  	v4 =	vmin.u32 v4, $0x7F  }
0x11c: {  	v4 =	vshll.u32 v4, $0x6  }
0x11d: {  	v4 =	vor.u32 v5, v4  }
0x11e: {  	[tilespmem:v3+s0+$0x0 ss:$0x1] =	vst.idx.msk $0xffff, v4  }
0x11f: {  	v4 =	vld.idx.msk [tilespmem:v1+s0+$0xFFFFFE00 ss:$0x1], $0xffff;
	_ =	sdelay $0x4  }
0x120: {  	v4 =	vadd.f32 $-1.299999950e+00, v4;
	_ =	sdelay $0x1  }
0x121: {  	v4 =	vmul.f32 $7.692307820e-01, v4;
	_ =	sdelay $0x1  }
0x122: {  	v4 =	vsub.f32 $-1.000000000e+00, v4;
	_ =	sdelay $0x1  }
0x123: {  	v4 =	vadd.f32 $1.000000000e+00, v4;
	_ =	sdelay $0x1  }
0x124: {  	v4 =	vmul.f32 $5.000000000e-01, v4;
	_ =	sdelay $0x1  }
0x125: {  	v4 =	vmul.f32 $1.270000000e+02, v4;
	_ =	sdelay $0x1  }
0x126: {  	v4 =	vadd.f32 $5.000000000e-01, v4;
	_ =	sdelay $0x1  }
0x127: {  	v4 =	vtrunc.f32 v4  }
0x128: {  	v4 =	vcvt.f32.s32 v4;
	_ =	sdelay $0x1  }
0x129: {  	vm15 =	vgt.s32 v4, $0x0  }
0x12a: {  	v4 =	vnsel vm15, $0x0, v4  }
0x12b: {  	v4 =	vmin.u32 v4, $0x7F  }
0x12c: {  	v6 =	vshll.u32 v4, $0x6;
	v4 =	vmov s30;
	_ =	sdelay $0x2  }
0x12d: {  	s25 =	simm.s32 $0x40;
	s12 =	simm.s32 $0x80;
	v5 =	vor.u32 v5, v6  }
.LBB2_17:
0x12e: {  	p2 =	sne.s32 s12, $0x1C0  }
0x12f: {  	[tilespmem:v4+s0+$0x0 ss:$0x1] =	vst.idx.msk $0xffff, v5;
	s0 =	sshra.s32 s25, $0x2;
	s25 =	smov.u32 s12;
	s12 =	sadd.s32 $0x40, s12  }
0x130: {  	v5 =	vld.idx.msk [tilespmem:v1+s0+$0xFFFFFA00 ss:$0x1], $0xffff;
	_ =	sdelay $0x2  }
0x131: {  	v6 =	vld.idx.msk [tilespmem:v1+s0+$0x0 ss:$0x1], $0xffff;
	_ =	sdelay $0x2  }
0x132: {  	v5 =	vadd.f32 $-1.299999950e+00, v5;
	_ =	sdelay $0x1  }
0x133: {  	v5 =	vmul.f32 $7.692307820e-01, v5  }
0x134: {  	v6 =	vadd.f32 v6, v6  }
0x135: {  	v5 =	vsub.f32 $-1.000000000e+00, v5  }
0x136: {  	v6 =	vadd.f32 $-1.000000000e+00, v6  }
0x137: {  	v5 =	vadd.f32 $1.000000000e+00, v5  }
0x138: {  	v6 =	vadd.f32 $1.000000000e+00, v6  }
0x139: {  	v5 =	vmul.f32 $5.000000000e-01, v5  }
0x13a: {  	v6 =	vmul.f32 $5.000000000e-01, v6  }
0x13b: {  	v5 =	vmul.f32 $1.270000000e+02, v5  }
0x13c: {  	v6 =	vmul.f32 $6.300000000e+01, v6  }
0x13d: {  	v5 =	vadd.f32 $5.000000000e-01, v5  }
0x13e: {  	v6 =	vadd.f32 $5.000000000e-01, v6  }
0x13f: {  	v5 =	vtrunc.f32 v5  }
0x140: {  	v6 =	vtrunc.f32 v6;
	v5 =	vcvt.f32.s32 v5  }
0x141: {  	v6 =	vcvt.f32.s32 v6  }
0x142: {  	vm0 =	vgt.s32 v5, $0x0  }
0x143: {  	vm1 =	vgt.s32 v6, $0x0;
	v5 =	vnsel vm0, $0x0, v5  }
0x144: {  	v6 =	vnsel vm1, $0x0, v6;
	v5 =	vmin.u32 v5, $0x7F  }
0x145: {  	v6 =	vmin.u32 v6, $0x3F;
	v5 =	vshll.u32 v5, $0x6  }
0x146: {  	v5 =	vor.u32 v6, v5  }
0x147: {  	[tilespmem:v2+s0+$0x0 ss:$0x1] =	vst.idx.msk $0xffff, v5  }
0x148: {  	v5 =	vld.idx.msk [tilespmem:v1+s0+$0xFFFFFC00 ss:$0x1], $0xffff;
	_ =	sdelay $0x5  }
0x149: {  	v5 =	vadd.f32 $-1.299999950e+00, v5;
	_ =	sdelay $0x1  }
0x14a: {  	v5 =	vmul.f32 $7.692307820e-01, v5;
	_ =	sdelay $0x1  }
0x14b: {  	v5 =	vsub.f32 $-1.000000000e+00, v5;
	_ =	sdelay $0x1  }
0x14c: {  	v5 =	vadd.f32 $1.000000000e+00, v5;
	_ =	sdelay $0x1  }
0x14d: {  	v5 =	vmul.f32 $5.000000000e-01, v5;
	_ =	sdelay $0x1  }
0x14e: {  	v5 =	vmul.f32 $1.270000000e+02, v5;
	_ =	sdelay $0x1  }
0x14f: {  	v5 =	vadd.f32 $5.000000000e-01, v5;
	_ =	sdelay $0x1  }
0x150: {  	v5 =	vtrunc.f32 v5  }
0x151: {  	v5 =	vcvt.f32.s32 v5;
	_ =	sdelay $0x1  }
0x152: {  	vm0 =	vgt.s32 v5, $0x0  }
0x153: {  	v5 =	vnsel vm0, $0x0, v5  }
0x154: {  	v5 =	vmin.u32 v5, $0x7F  }
0x155: {  	v5 =	vshll.u32 v5, $0x6  }
0x156: {  	v5 =	vor.u32 v6, v5  }
0x157: {  	[tilespmem:v3+s0+$0x0 ss:$0x1] =	vst.idx.msk $0xffff, v5  }
0x158: {  	v5 =	vld.idx.msk [tilespmem:v1+s0+$0xFFFFFE00 ss:$0x1], $0xffff;
	_ =	sdelay $0x5  }
0x159: {  	v5 =	vadd.f32 $-1.299999950e+00, v5;
	_ =	sdelay $0x1  }
0x15a: {  	v5 =	vmul.f32 $7.692307820e-01, v5;
	_ =	sdelay $0x1  }
0x15b: {  	v5 =	vsub.f32 $-1.000000000e+00, v5;
	_ =	sdelay $0x1  }
0x15c: {  	v5 =	vadd.f32 $1.000000000e+00, v5;
	_ =	sdelay $0x1  }
0x15d: {  	v5 =	vmul.f32 $5.000000000e-01, v5;
	_ =	sdelay $0x1  }
0x15e: {  	v5 =	vmul.f32 $1.270000000e+02, v5;
	_ =	sdelay $0x1  }
0x15f: {  	v5 =	vadd.f32 $5.000000000e-01, v5;
	_ =	sdelay $0x1  }
0x160: {  	v5 =	vtrunc.f32 v5  }
0x161: {  	v5 =	vcvt.f32.s32 v5;
	_ =	sdelay $0x1  }
.Ltmp8:
0x162: {  	vm0 =	vgt.s32 v5, $0x0;
	(pc) =	sbr.rel @p2 .LBB2_17-.Ltmp8, $4  }
0x163: {  	v5 =	vnsel vm0, $0x0, v5  }
0x164: {  	v5 =	vmin.u32 v5, $0x7F  }
0x165: {  	v5 =	vshll.u32 v5, $0x6  }
0x166: {  	v5 =	vor.u32 v6, v5  }
0x167: {  	_ =	sdelay $0x3  }
0x168: {  	s12 =	sshra.s32 s25, $0x2;
	[tilespmem:v4+s0+$0x0 ss:$0x1] =	vst.idx.msk $0xffff, v5  }
0x169: {  	v5 =	vld.idx.msk [tilespmem:v1+s12+$0xFFFFFA00 ss:$0x1], $0xffff;
	_ =	sdelay $0x2  }
0x16a: {  	v6 =	vld.idx.msk [tilespmem:v1+s12+$0x0 ss:$0x1], $0xffff;
	_ =	sdelay $0x1  }
0x16b: {  	v5 =	vadd.f32 $-1.299999950e+00, v5;
	_ =	sdelay $0x1  }
0x16c: {  	v5 =	vmul.f32 $7.692307820e-01, v5  }
0x16d: {  	v6 =	vadd.f32 v6, v6  }
0x16e: {  	v5 =	vsub.f32 $-1.000000000e+00, v5  }
0x16f: {  	v6 =	vadd.f32 $-1.000000000e+00, v6  }
0x170: {  	v5 =	vadd.f32 $1.000000000e+00, v5  }
0x171: {  	v6 =	vadd.f32 $1.000000000e+00, v6  }
0x172: {  	v5 =	vmul.f32 $5.000000000e-01, v5  }
0x173: {  	v6 =	vmul.f32 $5.000000000e-01, v6  }
0x174: {  	v5 =	vmul.f32 $1.270000000e+02, v5  }
0x175: {  	v6 =	vmul.f32 $6.300000000e+01, v6  }
0x176: {  	v5 =	vadd.f32 $5.000000000e-01, v5  }
0x177: {  	v6 =	vadd.f32 $5.000000000e-01, v6  }
0x178: {  	v5 =	vtrunc.f32 v5  }
0x179: {  	v6 =	vtrunc.f32 v6;
	v5 =	vcvt.f32.s32 v5  }
0x17a: {  	v6 =	vcvt.f32.s32 v6  }
0x17b: {  	vm0 =	vgt.s32 v5, $0x0  }
0x17c: {  	vm1 =	vgt.s32 v6, $0x0;
	v5 =	vnsel vm0, $0x0, v5  }
0x17d: {  	v6 =	vnsel vm1, $0x0, v6;
	v5 =	vmin.u32 v5, $0x7F  }
0x17e: {  	v6 =	vmin.u32 v6, $0x3F;
	v5 =	vshll.u32 v5, $0x6  }
0x17f: {  	v5 =	vor.u32 v6, v5  }
0x180: {  	[tilespmem:v2+s12+$0x0 ss:$0x1] =	vst.idx.msk $0xffff, v5  }
0x181: {  	v2 =	vld.idx.msk [tilespmem:v1+s12+$0xFFFFFC00 ss:$0x1], $0xffff;
	_ =	sdelay $0x4  }
0x182: {  	v2 =	vadd.f32 $-1.299999950e+00, v2;
	_ =	sdelay $0x1  }
0x183: {  	v2 =	vmul.f32 $7.692307820e-01, v2;
	_ =	sdelay $0x1  }
0x184: {  	v2 =	vsub.f32 $-1.000000000e+00, v2;
	_ =	sdelay $0x1  }
0x185: {  	v2 =	vadd.f32 $1.000000000e+00, v2;
	_ =	sdelay $0x1  }
0x186: {  	v2 =	vmul.f32 $5.000000000e-01, v2;
	_ =	sdelay $0x1  }
0x187: {  	v2 =	vmul.f32 $1.270000000e+02, v2;
	_ =	sdelay $0x1  }
0x188: {  	v2 =	vadd.f32 $5.000000000e-01, v2;
	_ =	sdelay $0x1  }
0x189: {  	v2 =	vtrunc.f32 v2  }
0x18a: {  	v2 =	vcvt.f32.s32 v2;
	_ =	sdelay $0x1  }
0x18b: {  	vm14 =	vgt.s32 v2, $0x0  }
0x18c: {  	v2 =	vnsel vm14, $0x0, v2  }
0x18d: {  	v2 =	vmin.u32 v2, $0x7F  }
0x18e: {  	v2 =	vshll.u32 v2, $0x6  }
0x18f: {  	v2 =	vor.u32 v6, v2  }
0x190: {  	[tilespmem:v3+s12+$0x0 ss:$0x1] =	vst.idx.msk $0xffff, v2  }
0x191: {  	v1 =	vld.idx.msk [tilespmem:v1+s12+$0xFFFFFE00 ss:$0x1], $0xffff;
	_ =	sdelay $0x4  }
0x192: {  	v1 =	vadd.f32 $-1.299999950e+00, v1;
	_ =	sdelay $0x1  }
0x193: {  	v1 =	vmul.f32 $7.692307820e-01, v1;
	_ =	sdelay $0x1  }
0x194: {  	v1 =	vsub.f32 $-1.000000000e+00, v1;
	_ =	sdelay $0x1  }
0x195: {  	v1 =	vadd.f32 $1.000000000e+00, v1;
	_ =	sdelay $0x1  }
0x196: {  	v1 =	vmul.f32 $5.000000000e-01, v1;
	_ =	sdelay $0x1  }
0x197: {  	v1 =	vmul.f32 $1.270000000e+02, v1;
	_ =	sdelay $0x1  }
0x198: {  	v1 =	vadd.f32 $5.000000000e-01, v1;
	_ =	sdelay $0x1  }
0x199: {  	v1 =	vtrunc.f32 v1  }
0x19a: {  	v1 =	vcvt.f32.s32 v1  }
0x19b: {  	s23 =	sadd.s32 $0x1, s23  }
0x19c: {  	p2 =	sne.s32 s23, $0x4;
	vm15 =	vgt.s32 v1, $0x0  }
.Ltmp9:
0x19d: {  	v1 =	vnsel vm15, $0x0, v1;
	(pc) =	sbr.rel @p2 .LBB2_16-.Ltmp9, $4  }
0x19e: {  	v1 =	vmin.u32 v1, $0x7F  }
0x19f: {  	v1 =	vshll.u32 v1, $0x6  }
0x1a0: {  	s28 =	sadd.s32 $0x80, s28;
	v1 =	vor.u32 v6, v1  }
0x1a1: {  	s29 =	sadd.s32 $0x80, s29;
	s30 =	sadd.s32 $0x80, s30;
	s31 =	sadd.s32 $0x80, s31;
	[tilespmem:v4+s12+$0x0 ss:$0x1] =	vst.idx.msk $0xffff, v1  }
0x1a2: {  	p2 =	slt.u32 s24, $0x2  }
.Ltmp10:
0x1a3: {  	_ = 	snop;
	(pc) =	sbr.rel @p2 .LBB2_21-.Ltmp10, $1  }
0x1a4: {  	_ =	sdelay $0x3  }
.LBB2_20:
0x1a5: {  	_ =	swait.ge [sflag:s4], $0x4000  }
0x1a6: {  	[sflag:s4] =	ssyncset.done $0x0  }
0x1a7: {  	[sflag:s4] =	ssyncadd.s32 $0xFFFFC000  }
0x1a8: {  	_ =	swait.ge [sflag:s4], $0x4000  }
0x1a9: {  	[sflag:s4] =	ssyncset.done $0x0  }
0x1aa: {  	[sflag:s4] =	ssyncadd.s32 $0xFFFFC000  }
.LBB2_21:
0x1ab: {  	_ =	swait.ge [sflag:s20], $0x1000  }
0x1ac: {  	[sflag:s20] =	ssyncset.done $0x0  }
0x1ad: {  	[sflag:s20] =	ssyncadd.s32 $0xFFFFF000  }
0x1ae: {  	_ =	swait.ge [sflag:s20], $0x1000  }
0x1af: {  	[sflag:s20] =	ssyncset.done $0x0  }
0x1b0: {  	[sflag:s20] =	ssyncadd.s32 $0xFFFFF000  }
0x1b1: {  	_ =	swait.ge [sflag:s20], $0x1000  }
0x1b2: {  	[sflag:s20] =	ssyncset.done $0x0  }
0x1b3: {  	[sflag:s20] =	ssyncadd.s32 $0xFFFFF000  }
0x1b4: {  	_ =	swait.ge [sflag:s20], $0x1000  }
0x1b5: {  	[sflag:s20] =	ssyncset.done $0x0  }
0x1b6: {  	[sflag:s20] =	ssyncadd.s32 $0xFFFFF000  }
0x1b7: {  	_ =	swait.ge [sflag:s20], $0x1000  }
0x1b8: {  	[sflag:s20] =	ssyncset.done $0x0  }
0x1b9: {  	[sflag:s20] =	ssyncadd.s32 $0xFFFFF000  }
0x1ba: {  	_ =	swait.ge [sflag:s20], $0x1000  }
0x1bb: {  	[sflag:s20] =	ssyncset.done $0x0  }
0x1bc: {  	[sflag:s20] =	ssyncadd.s32 $0xFFFFF000  }
0x1bd: {  	_ =	swait.ge [sflag:s20], $0x1000  }
0x1be: {  	[sflag:s20] =	ssyncset.done $0x0  }
0x1bf: {  	[sflag:s20] =	ssyncadd.s32 $0xFFFFF000  }
0x1c0: {  	_ =	swait.ge [sflag:s20], $0x1000  }
0x1c1: {  	[sflag:s20] =	ssyncset.done $0x0  }
0x1c2: {  	[sflag:s20] =	ssyncadd.s32 $0xFFFFF000  }
0x1c3: {  	_ =	swait.ge [sflag:s20], $0x1000  }
0x1c4: {  	[sflag:s20] =	ssyncset.done $0x0  }
0x1c5: {  	[sflag:s20] =	ssyncadd.s32 $0xFFFFF000  }
0x1c6: {  	_ =	swait.ge [sflag:s20], $0x1000  }
0x1c7: {  	[sflag:s20] =	ssyncset.done $0x0  }
0x1c8: {  	[sflag:s20] =	ssyncadd.s32 $0xFFFFF000  }
0x1c9: {  	_ =	swait.ge [sflag:s20], $0x1000  }
0x1ca: {  	[sflag:s20] =	ssyncset.done $0x0  }
0x1cb: {  	[sflag:s20] =	ssyncadd.s32 $0xFFFFF000  }
0x1cc: {  	_ =	swait.ge [sflag:s20], $0x1000  }
0x1cd: {  	s0 =	simm.s32 @!p1 $0x80;
	[sflag:s20] =	ssyncset.done $0x0  }
0x1ce: {  	s12 =	simm.s32 @!p1 $0x1000;
	s23 =	simm.s32 @!p1 $0x1C00;
	[sflag:s20] =	ssyncadd.s32 $0xFFFFF000  }
0x1cf: {  	[tilespmem:s23], [sflag:$0x1] =	stream.indirect.gather @!p1 [hbm4b:s6+s0], $0x20, s12, s0, $0xb8;
	[tilespmem:$0x1A2B0] =	vst v63  }
0x1d0: {  	s12 =	simm.s32 @!p1 $0x1200;
	s23 =	simm.s32 @!p1 $0x5C00  }
0x1d1: {  	[tilespmem:s23], [sflag:$0x1] =	stream.indirect.gather @!p1 [hbm4b:s7+s0], $0x20, s12, s0, $0xb8;
	[tilespmem:$0x1A2B0] =	vst v63  }
0x1d2: {  	s12 =	simm.s32 @!p1 $0x1400;
	s23 =	simm.s32 @!p1 $0x9C00  }
0x1d3: {  	[tilespmem:s23], [sflag:$0x1] =	stream.indirect.gather @!p1 [hbm4b:s8+s0], $0x20, s12, s0, $0xb8;
	[tilespmem:$0x1A2B0] =	vst v63  }
0x1d4: {  	s12 =	simm.s32 @!p1 $0x1080;
	s23 =	simm.s32 @!p1 $0x2C00  }
0x1d5: {  	[tilespmem:s23], [sflag:$0x1] =	stream.indirect.gather @!p1 [hbm4b:s6+s0], $0x20, s12, s0, $0xb8;
	[tilespmem:$0x1A2B0] =	vst v63  }
0x1d6: {  	s12 =	simm.s32 @!p1 $0x1280;
	s23 =	simm.s32 @!p1 $0x6C00  }
0x1d7: {  	[tilespmem:s23], [sflag:$0x1] =	stream.indirect.gather @!p1 [hbm4b:s7+s0], $0x20, s12, s0, $0xb8;
	[tilespmem:$0x1A2B0] =	vst v63  }
0x1d8: {  	s12 =	simm.s32 @!p1 $0x1480;
	s23 =	simm.s32 @!p1 $0xAC00  }
0x1d9: {  	[tilespmem:s23], [sflag:$0x1] =	stream.indirect.gather @!p1 [hbm4b:s8+s0], $0x20, s12, s0, $0xb8;
	[tilespmem:$0x1A2B0] =	vst v63  }
0x1da: {  	s12 =	simm.s32 @!p1 $0x1100;
	s23 =	simm.s32 @!p1 $0x3C00  }
0x1db: {  	[tilespmem:s23], [sflag:$0x1] =	stream.indirect.gather @!p1 [hbm4b:s6+s0], $0x20, s12, s0, $0xb8;
	[tilespmem:$0x1A2B0] =	vst v63  }
0x1dc: {  	s12 =	simm.s32 @!p1 $0x1300;
	s23 =	simm.s32 @!p1 $0x7C00  }
0x1dd: {  	[tilespmem:s23], [sflag:$0x1] =	stream.indirect.gather @!p1 [hbm4b:s7+s0], $0x20, s12, s0, $0xb8;
	[tilespmem:$0x1A2B0] =	vst v63  }
0x1de: {  	s12 =	simm.s32 @!p1 $0x1500;
	s23 =	simm.s32 @!p1 $0xBC00  }
0x1df: {  	[tilespmem:s23], [sflag:$0x1] =	stream.indirect.gather @!p1 [hbm4b:s8+s0], $0x20, s12, s0, $0xb8;
	[tilespmem:$0x1A2B0] =	vst v63  }
0x1e0: {  	s12 =	simm.s32 @!p1 $0x1180;
	s23 =	simm.s32 @!p1 $0x4C00  }
0x1e1: {  	[tilespmem:s23], [sflag:$0x1] =	stream.indirect.gather @!p1 [hbm4b:s6+s0], $0x20, s12, s0, $0xb8;
	[tilespmem:$0x1A2B0] =	vst v63  }
0x1e2: {  	s12 =	simm.s32 @!p1 $0x1380;
	s23 =	simm.s32 @!p1 $0x8C00  }
0x1e3: {  	[tilespmem:s23], [sflag:$0x1] =	stream.indirect.gather @!p1 [hbm4b:s7+s0], $0x20, s12, s0, $0xb8;
	[tilespmem:$0x1A2B0] =	vst v63  }
0x1e4: {  	s12 =	simm.s32 @!p1 $0x1580;
	s23 =	simm.s32 @!p1 $0xCC00  }
0x1e5: {  	[tilespmem:s23], [sflag:$0x1] =	stream.indirect.gather @!p1 [hbm4b:s8+s0], $0x20, s12, s0, $0xb8;
	[tilespmem:$0x1A2B0] =	vst v63  }
0x1e6: {  	s0 =	simm.s32 $0x0  }
0x1e7: {  	v1 =	vld [tilespmem:s0+$0x11C00]  }
0x1e8: {  	v2 =	vld [tilespmem:s0+$0x11C10]  }
0x1e9: {  	s12 =	simm.s32 $0x80;
	v3 =	vld [tilespmem:s0+$0xDC00]  }
.LBB2_22:
0x1ea: {  	p1 =	sne.s32 s12, $0xFF80;
	v4 =	vld [tilespmem:s0+$0xDC10]  }
0x1eb: {  	v5 =	vld [tilespmem:s0+$0x15C00]  }
0x1ec: {  	v6 =	vld [tilespmem:s0+$0x15C10];
	_ =	sdelay $0x1  }
0x1ed: {  	v1 =	vmul.f32 v1, v3  }
.Ltmp11:
0x1ee: {  	v2 =	vmul.f32 v2, v4;
	(pc) =	sbr.rel @p1 .LBB2_22-.Ltmp11, $4  }
0x1ef: {  	s23 =	sshra.s32 s12, $0x2;
	v3 =	vmul.f32 v5, v1  }
0x1f0: {  	v1 =	vld [tilespmem:s23+$0x11C00];
	v4 =	vmul.f32 v6, v2  }
0x1f1: {  	v2 =	vld [tilespmem:s23+$0x11C10];
	[tilespmem:s0+$0xDC00] =	vst v3  }
0x1f2: {  	s12 =	sadd.s32 $0x80, s12;
	v3 =	vld [tilespmem:s23+$0xDC00];
	[tilespmem:s0+$0xDC10] =	vst v4;
	s0 =	smov.u32 s23  }
0x1f3: {  	v4 =	vld [tilespmem:s0+$0xDC10]  }
0x1f4: {  	v5 =	vld [tilespmem:s0+$0x15C00]  }
0x1f5: {  	v6 =	vld [tilespmem:s0+$0x15C10];
	_ =	sdelay $0x1  }
0x1f6: {  	v1 =	vmul.f32 v1, v3  }
0x1f7: {  	v2 =	vmul.f32 v2, v4  }
0x1f8: {  	v1 =	vmul.f32 v5, v1  }
0x1f9: {  	s12 =	sshll.u32 s24, $0xB;
	v2 =	vmul.f32 v6, v2  }
.Ltmp12:
0x1fa: {  	s12 =	sadd.s32 s11, s12;
	[tilespmem:s0+$0xDC00] =	vst v1;
	(pc) =	sbr.rel .LBB2_24-.Ltmp12, $4  }
0x1fb: {  	s30 =	sadd.s32 s1, s12;
	[tilespmem:s0+$0xDC10] =	vst v2  }
0x1fc: {  	[hbm4b:s30+s3] =	stream.linear.scatter [tilespmem:s22], [sflag:$0x4], $0x4000, $0x38;
	[tilespmem:$0x1A2B0] =	vst v63  }
0x1fd: {  	s31 =	sadd.s32 s2, s12  }
0x1fe: {  	[hbm4b:s31+s3] =	stream.linear.scatter [tilespmem:s22], [sflag:$0x4], $0x4000, $0x38;
	[tilespmem:$0x1A2B0] =	vst v63  }
.LBB2_7:
0x1ff: {  	s0 =	sshll.u32 s24, $0x9  }
0x200: {  	s0 =	sadd.s32 s10, s0  }
0x201: {  	s0 =	sshrl.u32 s0, $0x3  }
0x202: {  	s12 =	simm.s32 $0x800;
	s0 =	sadd.s32 s5, s0  }
0x203: {  	[tilespmem:s12], [sflag:$0x5] =	stream.strided.gather [hbm4b:s0+s16], $0x800, s17, s16, $0x38;
	[tilespmem:$0x1A2B0] =	vst v63  }
0x204: {  	s23 =	simm.s32 $0x0;
	_ =	swait.ge [sflag:s18], $0x800  }
0x205: {  	s28 =	simm.s32 $0x1600;
	s29 =	simm.s32 $0x1800;
	[sflag:s18] =	ssyncset.done $0x0  }
0x206: {  	s30 =	simm.s32 $0x1A00;
	s31 =	simm.s32 $0xE00;
	[sflag:s18] =	ssyncadd.s32 $0xFFFFF800  }
.LBB2_8:
0x207: {  	v1 =	vmov s31;
	_ =	sdelay $0x3  }
0x208: {  	s0 =	simm.s32 $0x0  }
0x209: {  	v2 =	vld.idx.msk [tilespmem:v1+s0+$0xFFFFFA00 ss:$0x1], $0xffff;
	_ =	sdelay $0x2  }
0x20a: {  	v3 =	vld.idx.msk [tilespmem:v1+s0+$0x0 ss:$0x1], $0xffff;
	_ =	sdelay $0x1  }
0x20b: {  	v2 =	vadd.f32 $-1.299999950e+00, v2;
	_ =	sdelay $0x1  }
0x20c: {  	v2 =	vmul.f32 $7.692307820e-01, v2  }
0x20d: {  	v3 =	vadd.f32 v3, v3  }
0x20e: {  	v2 =	vsub.f32 $-1.000000000e+00, v2  }
0x20f: {  	v3 =	vadd.f32 $-1.000000000e+00, v3  }
0x210: {  	v2 =	vadd.f32 $1.000000000e+00, v2  }
0x211: {  	v3 =	vadd.f32 $1.000000000e+00, v3  }
0x212: {  	v2 =	vmul.f32 $5.000000000e-01, v2  }
0x213: {  	v3 =	vmul.f32 $5.000000000e-01, v3  }
0x214: {  	v2 =	vmul.f32 $1.270000000e+02, v2  }
0x215: {  	v3 =	vmul.f32 $6.300000000e+01, v3  }
0x216: {  	v2 =	vadd.f32 $5.000000000e-01, v2  }
0x217: {  	v3 =	vadd.f32 $5.000000000e-01, v3  }
0x218: {  	v2 =	vtrunc.f32 v2  }
0x219: {  	v3 =	vtrunc.f32 v3;
	v4 =	vcvt.f32.s32 v2  }
0x21a: {  	v3 =	vcvt.f32.s32 v3  }
0x21b: {  	v2 =	vmov s28;
	vm0 =	vgt.s32 v4, $0x0  }
0x21c: {  	vm1 =	vgt.s32 v3, $0x0;
	v4 =	vnsel vm0, $0x0, v4  }
0x21d: {  	v3 =	vnsel vm1, $0x0, v3;
	v4 =	vmin.u32 v4, $0x7F  }
0x21e: {  	v5 =	vmin.u32 v3, $0x3F;
	v3 =	vshll.u32 v4, $0x6  }
0x21f: {  	v3 =	vor.u32 v5, v3  }
0x220: {  	[tilespmem:v2+s0+$0x0 ss:$0x1] =	vst.idx.msk $0xffff, v3  }
0x221: {  	v3 =	vld.idx.msk [tilespmem:v1+s0+$0xFFFFFC00 ss:$0x1], $0xffff;
	_ =	sdelay $0x4  }
0x222: {  	v3 =	vadd.f32 $-1.299999950e+00, v3;
	_ =	sdelay $0x1  }
0x223: {  	v3 =	vmul.f32 $7.692307820e-01, v3;
	_ =	sdelay $0x1  }
0x224: {  	v3 =	vsub.f32 $-1.000000000e+00, v3;
	_ =	sdelay $0x1  }
0x225: {  	v3 =	vadd.f32 $1.000000000e+00, v3;
	_ =	sdelay $0x1  }
0x226: {  	v3 =	vmul.f32 $5.000000000e-01, v3;
	_ =	sdelay $0x1  }
0x227: {  	v3 =	vmul.f32 $1.270000000e+02, v3;
	_ =	sdelay $0x1  }
0x228: {  	v3 =	vadd.f32 $5.000000000e-01, v3;
	_ =	sdelay $0x1  }
0x229: {  	v3 =	vtrunc.f32 v3  }
0x22a: {  	v4 =	vcvt.f32.s32 v3;
	_ =	sdelay $0x1  }
0x22b: {  	v3 =	vmov s29;
	vm14 =	vgt.s32 v4, $0x0  }
0x22c: {  	v4 =	vnsel vm14, $0x0, v4  }
0x22d: {  	v4 =	vmin.u32 v4, $0x7F  }
0x22e: {  	v4 =	vshll.u32 v4, $0x6  }
0x22f: {  	v4 =	vor.u32 v5, v4  }
0x230: {  	[tilespmem:v3+s0+$0x0 ss:$0x1] =	vst.idx.msk $0xffff, v4  }
0x231: {  	v4 =	vld.idx.msk [tilespmem:v1+s0+$0xFFFFFE00 ss:$0x1], $0xffff;
	_ =	sdelay $0x4  }
0x232: {  	v4 =	vadd.f32 $-1.299999950e+00, v4;
	_ =	sdelay $0x1  }
0x233: {  	v4 =	vmul.f32 $7.692307820e-01, v4;
	_ =	sdelay $0x1  }
0x234: {  	v4 =	vsub.f32 $-1.000000000e+00, v4;
	_ =	sdelay $0x1  }
0x235: {  	v4 =	vadd.f32 $1.000000000e+00, v4;
	_ =	sdelay $0x1  }
0x236: {  	v4 =	vmul.f32 $5.000000000e-01, v4;
	_ =	sdelay $0x1  }
0x237: {  	v4 =	vmul.f32 $1.270000000e+02, v4;
	_ =	sdelay $0x1  }
0x238: {  	v4 =	vadd.f32 $5.000000000e-01, v4;
	_ =	sdelay $0x1  }
0x239: {  	v4 =	vtrunc.f32 v4  }
0x23a: {  	v4 =	vcvt.f32.s32 v4;
	_ =	sdelay $0x1  }
0x23b: {  	vm15 =	vgt.s32 v4, $0x0  }
0x23c: {  	v4 =	vnsel vm15, $0x0, v4  }
0x23d: {  	v4 =	vmin.u32 v4, $0x7F  }
0x23e: {  	v6 =	vshll.u32 v4, $0x6;
	v4 =	vmov s30;
	_ =	sdelay $0x2  }
0x23f: {  	s25 =	simm.s32 $0x40;
	s12 =	simm.s32 $0x80;
	v5 =	vor.u32 v5, v6  }
.LBB2_9:
0x240: {  	p1 =	sne.s32 s12, $0x1C0  }
0x241: {  	[tilespmem:v4+s0+$0x0 ss:$0x1] =	vst.idx.msk $0xffff, v5;
	s0 =	sshra.s32 s25, $0x2;
	s25 =	smov.u32 s12;
	s12 =	sadd.s32 $0x40, s12  }
0x242: {  	v5 =	vld.idx.msk [tilespmem:v1+s0+$0xFFFFFA00 ss:$0x1], $0xffff;
	_ =	sdelay $0x2  }
0x243: {  	v6 =	vld.idx.msk [tilespmem:v1+s0+$0x0 ss:$0x1], $0xffff;
	_ =	sdelay $0x2  }
0x244: {  	v5 =	vadd.f32 $-1.299999950e+00, v5;
	_ =	sdelay $0x1  }
0x245: {  	v5 =	vmul.f32 $7.692307820e-01, v5  }
0x246: {  	v6 =	vadd.f32 v6, v6  }
0x247: {  	v5 =	vsub.f32 $-1.000000000e+00, v5  }
0x248: {  	v6 =	vadd.f32 $-1.000000000e+00, v6  }
0x249: {  	v5 =	vadd.f32 $1.000000000e+00, v5  }
0x24a: {  	v6 =	vadd.f32 $1.000000000e+00, v6  }
0x24b: {  	v5 =	vmul.f32 $5.000000000e-01, v5  }
0x24c: {  	v6 =	vmul.f32 $5.000000000e-01, v6  }
0x24d: {  	v5 =	vmul.f32 $1.270000000e+02, v5  }
0x24e: {  	v6 =	vmul.f32 $6.300000000e+01, v6  }
0x24f: {  	v5 =	vadd.f32 $5.000000000e-01, v5  }
0x250: {  	v6 =	vadd.f32 $5.000000000e-01, v6  }
0x251: {  	v5 =	vtrunc.f32 v5  }
0x252: {  	v6 =	vtrunc.f32 v6;
	v5 =	vcvt.f32.s32 v5  }
0x253: {  	v6 =	vcvt.f32.s32 v6  }
0x254: {  	vm0 =	vgt.s32 v5, $0x0  }
0x255: {  	vm1 =	vgt.s32 v6, $0x0;
	v5 =	vnsel vm0, $0x0, v5  }
0x256: {  	v6 =	vnsel vm1, $0x0, v6;
	v5 =	vmin.u32 v5, $0x7F  }
0x257: {  	v6 =	vmin.u32 v6, $0x3F;
	v5 =	vshll.u32 v5, $0x6  }
0x258: {  	v5 =	vor.u32 v6, v5  }
0x259: {  	[tilespmem:v2+s0+$0x0 ss:$0x1] =	vst.idx.msk $0xffff, v5  }
0x25a: {  	v5 =	vld.idx.msk [tilespmem:v1+s0+$0xFFFFFC00 ss:$0x1], $0xffff;
	_ =	sdelay $0x5  }
0x25b: {  	v5 =	vadd.f32 $-1.299999950e+00, v5;
	_ =	sdelay $0x1  }
0x25c: {  	v5 =	vmul.f32 $7.692307820e-01, v5;
	_ =	sdelay $0x1  }
0x25d: {  	v5 =	vsub.f32 $-1.000000000e+00, v5;
	_ =	sdelay $0x1  }
0x25e: {  	v5 =	vadd.f32 $1.000000000e+00, v5;
	_ =	sdelay $0x1  }
0x25f: {  	v5 =	vmul.f32 $5.000000000e-01, v5;
	_ =	sdelay $0x1  }
0x260: {  	v5 =	vmul.f32 $1.270000000e+02, v5;
	_ =	sdelay $0x1  }
0x261: {  	v5 =	vadd.f32 $5.000000000e-01, v5;
	_ =	sdelay $0x1  }
0x262: {  	v5 =	vtrunc.f32 v5  }
0x263: {  	v5 =	vcvt.f32.s32 v5;
	_ =	sdelay $0x1  }
0x264: {  	vm0 =	vgt.s32 v5, $0x0  }
0x265: {  	v5 =	vnsel vm0, $0x0, v5  }
0x266: {  	v5 =	vmin.u32 v5, $0x7F  }
0x267: {  	v5 =	vshll.u32 v5, $0x6  }
0x268: {  	v5 =	vor.u32 v6, v5  }
0x269: {  	[tilespmem:v3+s0+$0x0 ss:$0x1] =	vst.idx.msk $0xffff, v5  }
0x26a: {  	v5 =	vld.idx.msk [tilespmem:v1+s0+$0xFFFFFE00 ss:$0x1], $0xffff;
	_ =	sdelay $0x5  }
0x26b: {  	v5 =	vadd.f32 $-1.299999950e+00, v5;
	_ =	sdelay $0x1  }
0x26c: {  	v5 =	vmul.f32 $7.692307820e-01, v5;
	_ =	sdelay $0x1  }
0x26d: {  	v5 =	vsub.f32 $-1.000000000e+00, v5;
	_ =	sdelay $0x1  }
0x26e: {  	v5 =	vadd.f32 $1.000000000e+00, v5;
	_ =	sdelay $0x1  }
0x26f: {  	v5 =	vmul.f32 $5.000000000e-01, v5;
	_ =	sdelay $0x1  }
0x270: {  	v5 =	vmul.f32 $1.270000000e+02, v5;
	_ =	sdelay $0x1  }
0x271: {  	v5 =	vadd.f32 $5.000000000e-01, v5;
	_ =	sdelay $0x1  }
0x272: {  	v5 =	vtrunc.f32 v5  }
0x273: {  	v5 =	vcvt.f32.s32 v5;
	_ =	sdelay $0x1  }
.Ltmp13:
0x274: {  	vm0 =	vgt.s32 v5, $0x0;
	(pc) =	sbr.rel @p1 .LBB2_9-.Ltmp13, $4  }
0x275: {  	v5 =	vnsel vm0, $0x0, v5  }
0x276: {  	v5 =	vmin.u32 v5, $0x7F  }
0x277: {  	v5 =	vshll.u32 v5, $0x6  }
0x278: {  	v5 =	vor.u32 v6, v5  }
0x279: {  	_ =	sdelay $0x3  }
0x27a: {  	s12 =	sshra.s32 s25, $0x2;
	[tilespmem:v4+s0+$0x0 ss:$0x1] =	vst.idx.msk $0xffff, v5  }
0x27b: {  	v5 =	vld.idx.msk [tilespmem:v1+s12+$0xFFFFFA00 ss:$0x1], $0xffff;
	_ =	sdelay $0x2  }
0x27c: {  	v6 =	vld.idx.msk [tilespmem:v1+s12+$0x0 ss:$0x1], $0xffff;
	_ =	sdelay $0x1  }
0x27d: {  	v5 =	vadd.f32 $-1.299999950e+00, v5;
	_ =	sdelay $0x1  }
0x27e: {  	v5 =	vmul.f32 $7.692307820e-01, v5  }
0x27f: {  	v6 =	vadd.f32 v6, v6  }
0x280: {  	v5 =	vsub.f32 $-1.000000000e+00, v5  }
0x281: {  	v6 =	vadd.f32 $-1.000000000e+00, v6  }
0x282: {  	v5 =	vadd.f32 $1.000000000e+00, v5  }
0x283: {  	v6 =	vadd.f32 $1.000000000e+00, v6  }
0x284: {  	v5 =	vmul.f32 $5.000000000e-01, v5  }
0x285: {  	v6 =	vmul.f32 $5.000000000e-01, v6  }
0x286: {  	v5 =	vmul.f32 $1.270000000e+02, v5  }
0x287: {  	v6 =	vmul.f32 $6.300000000e+01, v6  }
0x288: {  	v5 =	vadd.f32 $5.000000000e-01, v5  }
0x289: {  	v6 =	vadd.f32 $5.000000000e-01, v6  }
0x28a: {  	v5 =	vtrunc.f32 v5  }
0x28b: {  	v6 =	vtrunc.f32 v6;
	v5 =	vcvt.f32.s32 v5  }
0x28c: {  	v6 =	vcvt.f32.s32 v6  }
0x28d: {  	vm0 =	vgt.s32 v5, $0x0  }
0x28e: {  	vm1 =	vgt.s32 v6, $0x0;
	v5 =	vnsel vm0, $0x0, v5  }
0x28f: {  	v6 =	vnsel vm1, $0x0, v6;
	v5 =	vmin.u32 v5, $0x7F  }
0x290: {  	v6 =	vmin.u32 v6, $0x3F;
	v5 =	vshll.u32 v5, $0x6  }
0x291: {  	v5 =	vor.u32 v6, v5  }
0x292: {  	[tilespmem:v2+s12+$0x0 ss:$0x1] =	vst.idx.msk $0xffff, v5  }
0x293: {  	v2 =	vld.idx.msk [tilespmem:v1+s12+$0xFFFFFC00 ss:$0x1], $0xffff;
	_ =	sdelay $0x4  }
0x294: {  	v2 =	vadd.f32 $-1.299999950e+00, v2;
	_ =	sdelay $0x1  }
0x295: {  	v2 =	vmul.f32 $7.692307820e-01, v2;
	_ =	sdelay $0x1  }
0x296: {  	v2 =	vsub.f32 $-1.000000000e+00, v2;
	_ =	sdelay $0x1  }
0x297: {  	v2 =	vadd.f32 $1.000000000e+00, v2;
	_ =	sdelay $0x1  }
0x298: {  	v2 =	vmul.f32 $5.000000000e-01, v2;
	_ =	sdelay $0x1  }
0x299: {  	v2 =	vmul.f32 $1.270000000e+02, v2;
	_ =	sdelay $0x1  }
0x29a: {  	v2 =	vadd.f32 $5.000000000e-01, v2;
	_ =	sdelay $0x1  }
0x29b: {  	v2 =	vtrunc.f32 v2  }
0x29c: {  	v2 =	vcvt.f32.s32 v2;
	_ =	sdelay $0x1  }
0x29d: {  	vm14 =	vgt.s32 v2, $0x0  }
0x29e: {  	v2 =	vnsel vm14, $0x0, v2  }
0x29f: {  	v2 =	vmin.u32 v2, $0x7F  }
0x2a0: {  	v2 =	vshll.u32 v2, $0x6  }
0x2a1: {  	v2 =	vor.u32 v6, v2  }
0x2a2: {  	[tilespmem:v3+s12+$0x0 ss:$0x1] =	vst.idx.msk $0xffff, v2  }
0x2a3: {  	v1 =	vld.idx.msk [tilespmem:v1+s12+$0xFFFFFE00 ss:$0x1], $0xffff;
	_ =	sdelay $0x4  }
0x2a4: {  	v1 =	vadd.f32 $-1.299999950e+00, v1;
	_ =	sdelay $0x1  }
0x2a5: {  	v1 =	vmul.f32 $7.692307820e-01, v1;
	_ =	sdelay $0x1  }
0x2a6: {  	v1 =	vsub.f32 $-1.000000000e+00, v1;
	_ =	sdelay $0x1  }
0x2a7: {  	v1 =	vadd.f32 $1.000000000e+00, v1;
	_ =	sdelay $0x1  }
0x2a8: {  	v1 =	vmul.f32 $5.000000000e-01, v1;
	_ =	sdelay $0x1  }
0x2a9: {  	v1 =	vmul.f32 $1.270000000e+02, v1;
	_ =	sdelay $0x1  }
0x2aa: {  	v1 =	vadd.f32 $5.000000000e-01, v1;
	_ =	sdelay $0x1  }
0x2ab: {  	v1 =	vtrunc.f32 v1  }
0x2ac: {  	v1 =	vcvt.f32.s32 v1  }
0x2ad: {  	s23 =	sadd.s32 $0x1, s23  }
0x2ae: {  	p1 =	sne.s32 s23, $0x4;
	vm15 =	vgt.s32 v1, $0x0  }
.Ltmp14:
0x2af: {  	v1 =	vnsel vm15, $0x0, v1;
	(pc) =	sbr.rel @p1 .LBB2_8-.Ltmp14, $4  }
0x2b0: {  	v1 =	vmin.u32 v1, $0x7F  }
0x2b1: {  	v1 =	vshll.u32 v1, $0x6  }
0x2b2: {  	s28 =	sadd.s32 $0x80, s28;
	v1 =	vor.u32 v6, v1  }
0x2b3: {  	s29 =	sadd.s32 $0x80, s29;
	s30 =	sadd.s32 $0x80, s30;
	s31 =	sadd.s32 $0x80, s31;
	[tilespmem:v4+s12+$0x0 ss:$0x1] =	vst.idx.msk $0xffff, v1  }
0x2b4: {  	p1 =	slt.u32 s24, $0x2  }
0x2b5: {  	s0 =	simm.s32 @!p1 $0x4  }
0x2b6: {  	_ =	swait.ge @!p1 [sflag:s0], $0x4000  }
0x2b7: {  	[sflag:s0] =	ssyncset.done @!p1 $0x0  }
0x2b8: {  	[sflag:s0] =	ssyncadd.s32 @!p1 $0xFFFFC000  }
0x2b9: {  	_ =	swait.ge @!p1 [sflag:s0], $0x4000  }
0x2ba: {  	[sflag:s0] =	ssyncset.done @!p1 $0x0  }
0x2bb: {  	[sflag:s0] =	ssyncadd.s32 @!p1 $0xFFFFC000  }
0x2bc: {  	_ =	swait.ge [sflag:s26], $0x1000  }
0x2bd: {  	[sflag:s26] =	ssyncset.done $0x0  }
0x2be: {  	[sflag:s26] =	ssyncadd.s32 $0xFFFFF000  }
0x2bf: {  	_ =	swait.ge [sflag:s26], $0x1000  }
0x2c0: {  	[sflag:s26] =	ssyncset.done $0x0  }
0x2c1: {  	[sflag:s26] =	ssyncadd.s32 $0xFFFFF000  }
0x2c2: {  	_ =	swait.ge [sflag:s26], $0x1000  }
0x2c3: {  	[sflag:s26] =	ssyncset.done $0x0  }
0x2c4: {  	[sflag:s26] =	ssyncadd.s32 $0xFFFFF000  }
0x2c5: {  	_ =	swait.ge [sflag:s26], $0x1000  }
0x2c6: {  	[sflag:s26] =	ssyncset.done $0x0  }
0x2c7: {  	[sflag:s26] =	ssyncadd.s32 $0xFFFFF000  }
0x2c8: {  	_ =	swait.ge [sflag:s26], $0x1000  }
0x2c9: {  	[sflag:s26] =	ssyncset.done $0x0  }
0x2ca: {  	[sflag:s26] =	ssyncadd.s32 $0xFFFFF000  }
0x2cb: {  	_ =	swait.ge [sflag:s26], $0x1000  }
0x2cc: {  	[sflag:s26] =	ssyncset.done $0x0  }
0x2cd: {  	[sflag:s26] =	ssyncadd.s32 $0xFFFFF000  }
0x2ce: {  	_ =	swait.ge [sflag:s26], $0x1000  }
0x2cf: {  	[sflag:s26] =	ssyncset.done $0x0  }
0x2d0: {  	[sflag:s26] =	ssyncadd.s32 $0xFFFFF000  }
0x2d1: {  	_ =	swait.ge [sflag:s26], $0x1000  }
0x2d2: {  	[sflag:s26] =	ssyncset.done $0x0  }
0x2d3: {  	[sflag:s26] =	ssyncadd.s32 $0xFFFFF000  }
0x2d4: {  	_ =	swait.ge [sflag:s26], $0x1000  }
0x2d5: {  	[sflag:s26] =	ssyncset.done $0x0  }
0x2d6: {  	[sflag:s26] =	ssyncadd.s32 $0xFFFFF000  }
0x2d7: {  	_ =	swait.ge [sflag:s26], $0x1000  }
0x2d8: {  	[sflag:s26] =	ssyncset.done $0x0  }
0x2d9: {  	[sflag:s26] =	ssyncadd.s32 $0xFFFFF000  }
0x2da: {  	_ =	swait.ge [sflag:s26], $0x1000  }
0x2db: {  	[sflag:s26] =	ssyncset.done $0x0  }
0x2dc: {  	[sflag:s26] =	ssyncadd.s32 $0xFFFFF000  }
0x2dd: {  	_ =	swait.ge [sflag:s26], $0x1000  }
0x2de: {  	[sflag:s26] =	ssyncset.done $0x0  }
0x2df: {  	s23 =	simm.s32 $0x1600;
	[sflag:s26] =	ssyncadd.s32 $0xFFFFF000  }
0x2e0: {  	[tilespmem:s22], [sflag:$0x2] =	stream.indirect.gather [hbm4b:s6+s19], $0x20, s23, s19, $0xb8;
	[tilespmem:$0x1A2B0] =	vst v63  }
0x2e1: {  	s25 =	simm.s32 $0x1800;
	s12 =	simm.s32 $0x11C00  }
0x2e2: {  	[tilespmem:s12], [sflag:$0x2] =	stream.indirect.gather [hbm4b:s7+s19], $0x20, s25, s19, $0xb8;
	[tilespmem:$0x1A2B0] =	vst v63  }
0x2e3: {  	s28 =	simm.s32 $0x1A00;
	s29 =	simm.s32 $0x15C00  }
0x2e4: {  	[tilespmem:s29], [sflag:$0x2] =	stream.indirect.gather [hbm4b:s8+s19], $0x20, s28, s19, $0xb8;
	[tilespmem:$0x1A2B0] =	vst v63  }
0x2e5: {  	s30 =	simm.s32 $0x1680;
	s31 =	simm.s32 $0xEC00  }
0x2e6: {  	[tilespmem:s31], [sflag:$0x2] =	stream.indirect.gather [hbm4b:s6+s19], $0x20, s30, s19, $0xb8;
	[tilespmem:$0x1A2B0] =	vst v63  }
0x2e7: {  	s23 =	simm.s32 $0x1880;
	s25 =	simm.s32 $0x12C00  }
0x2e8: {  	[tilespmem:s25], [sflag:$0x2] =	stream.indirect.gather [hbm4b:s7+s19], $0x20, s23, s19, $0xb8;
	[tilespmem:$0x1A2B0] =	vst v63  }
0x2e9: {  	s28 =	simm.s32 $0x1A80;
	s29 =	simm.s32 $0x16C00  }
0x2ea: {  	[tilespmem:s29], [sflag:$0x2] =	stream.indirect.gather [hbm4b:s8+s19], $0x20, s28, s19, $0xb8;
	[tilespmem:$0x1A2B0] =	vst v63  }
0x2eb: {  	s30 =	simm.s32 $0x1700;
	s31 =	simm.s32 $0xFC00  }
0x2ec: {  	[tilespmem:s31], [sflag:$0x2] =	stream.indirect.gather [hbm4b:s6+s19], $0x20, s30, s19, $0xb8;
	[tilespmem:$0x1A2B0] =	vst v63  }
0x2ed: {  	s23 =	simm.s32 $0x1900;
	s25 =	simm.s32 $0x13C00  }
0x2ee: {  	[tilespmem:s25], [sflag:$0x2] =	stream.indirect.gather [hbm4b:s7+s19], $0x20, s23, s19, $0xb8;
	[tilespmem:$0x1A2B0] =	vst v63  }
0x2ef: {  	s28 =	simm.s32 $0x1B00;
	s29 =	simm.s32 $0x17C00  }
0x2f0: {  	[tilespmem:s29], [sflag:$0x2] =	stream.indirect.gather [hbm4b:s8+s19], $0x20, s28, s19, $0xb8;
	[tilespmem:$0x1A2B0] =	vst v63  }
0x2f1: {  	s30 =	simm.s32 $0x1780;
	s31 =	simm.s32 $0x10C00  }
0x2f2: {  	[tilespmem:s31], [sflag:$0x2] =	stream.indirect.gather [hbm4b:s6+s19], $0x20, s30, s19, $0xb8;
	[tilespmem:$0x1A2B0] =	vst v63  }
0x2f3: {  	_ = 	snop  }
0x2f4: {  	[tilespmem:s14], [sflag:$0x2] =	stream.indirect.gather [hbm4b:s7+s19], $0x20, s13, s19, $0xb8;
	[tilespmem:$0x1A2B0] =	vst v63  }
0x2f5: {  	s0 =	simm.s32 $0x0  }
0x2f6: {  	[tilespmem:s15], [sflag:$0x2] =	stream.indirect.gather [hbm4b:s8+s19], $0x20, s9, s19, $0xb8;
	[tilespmem:$0x1A2B0] =	vst v63  }
0x2f7: {  	v1 =	vld [tilespmem:s0+$0x5C00]  }
0x2f8: {  	v2 =	vld [tilespmem:s0+$0x5C10]  }
0x2f9: {  	s12 =	simm.s32 $0x80;
	v3 =	vld [tilespmem:s0+$0x1C00]  }
.LBB2_12:
0x2fa: {  	p1 =	sne.s32 s12, $0xFF80;
	v4 =	vld [tilespmem:s0+$0x1C10]  }
0x2fb: {  	v5 =	vld [tilespmem:s0+$0x9C00]  }
0x2fc: {  	v6 =	vld [tilespmem:s0+$0x9C10];
	_ =	sdelay $0x1  }
0x2fd: {  	v1 =	vmul.f32 v1, v3  }
.Ltmp15:
0x2fe: {  	v2 =	vmul.f32 v2, v4;
	(pc) =	sbr.rel @p1 .LBB2_12-.Ltmp15, $4  }
0x2ff: {  	s23 =	sshra.s32 s12, $0x2;
	v3 =	vmul.f32 v5, v1  }
0x300: {  	v1 =	vld [tilespmem:s23+$0x5C00];
	v4 =	vmul.f32 v6, v2  }
0x301: {  	v2 =	vld [tilespmem:s23+$0x5C10];
	[tilespmem:s0+$0x1C00] =	vst v3  }
0x302: {  	s12 =	sadd.s32 $0x80, s12;
	v3 =	vld [tilespmem:s23+$0x1C00];
	[tilespmem:s0+$0x1C10] =	vst v4;
	s0 =	smov.u32 s23  }
0x303: {  	v4 =	vld [tilespmem:s0+$0x1C10]  }
0x304: {  	v5 =	vld [tilespmem:s0+$0x9C00]  }
0x305: {  	v6 =	vld [tilespmem:s0+$0x9C10];
	_ =	sdelay $0x1  }
0x306: {  	v1 =	vmul.f32 v1, v3  }
0x307: {  	v2 =	vmul.f32 v2, v4  }
0x308: {  	v1 =	vmul.f32 v5, v1  }
0x309: {  	s12 =	sshll.u32 s24, $0xB;
	v2 =	vmul.f32 v6, v2  }
.Ltmp16:
0x30a: {  	s12 =	sadd.s32 s11, s12;
	[tilespmem:s0+$0x1C00] =	vst v1;
	(pc) =	sbr.rel .LBB2_24-.Ltmp16, $4  }
0x30b: {  	s30 =	sadd.s32 s1, s12;
	[tilespmem:s0+$0x1C10] =	vst v2  }
0x30c: {  	[hbm4b:s30+s3] =	stream.linear.scatter [tilespmem:s21], [sflag:$0x3], $0x4000, $0x38;
	[tilespmem:$0x1A2B0] =	vst v63  }
0x30d: {  	s31 =	sadd.s32 s2, s12  }
0x30e: {  	[hbm4b:s31+s3] =	stream.linear.scatter [tilespmem:s21], [sflag:$0x3], $0x4000, $0x38;
	[tilespmem:$0x1A2B0] =	vst v63  }
.LBB2_25:
0x30f: {  	_ =	swait.ge [sflag:s4], $0x4000  }
0x310: {  	[sflag:s4] =	ssyncset.done $0x0  }
0x311: {  	[sflag:s4] =	ssyncadd.s32 $0xFFFFC000  }
0x312: {  	_ =	swait.ge [sflag:s4], $0x4000  }
0x313: {  	[sflag:s4] =	ssyncset.done $0x0  }
0x314: {  	s0 =	simm.s32 $0x4;
	[sflag:s4] =	ssyncadd.s32 $0xFFFFC000  }
0x315: {  	_ =	swait.ge [sflag:s0], $0x4000  }
.Ltmp17:
0x316: {  	[sflag:s0] =	ssyncset.done $0x0;
	(pc) =	sbr.rel @p0 .LBB2_27-.Ltmp17, $4  }
0x317: {  	[sflag:s0] =	ssyncadd.s32 $0xFFFFC000  }
0x318: {  	_ =	swait.ge [sflag:s0], $0x4000  }
0x319: {  	[sflag:s0] =	ssyncset.done $0x0  }
0x31a: {  	s25 =	rddreg [dreg:$0x9];
	[sflag:s0] =	ssyncadd.s32 $0xFFFFC000  }
0x31b: {  	s0 =	rddreg [dreg:$0x5];
	s12 =	simm.s32 $0x10;
	s23 =	simm.s32 $0x19C00  }
0x31c: {  	[tilespmem:s23], [sflag:$0x5] =	stream.strided.gather [hbm4b:s0+s12], $0x40, s17, s12, $0x38;
	[tilespmem:$0x1A2B0] =	vst v63  }
0x31d: {  	_ =	swait.ge [sflag:s18], $0x40  }
0x31e: {  	[sflag:s18] =	ssyncset.done $0x0  }
0x31f: {  	[sflag:s18] =	ssyncadd.s32 $0xFFFFFFC0  }
0x320: {  	v1 =	vld [tilespmem:$0x19C30]  }
0x321: {  	v2 =	vld [tilespmem:$0x19C00]  }
0x322: {  	v3 =	vld [tilespmem:$0x19C10]  }
0x323: {  	v4 =	vld [tilespmem:$0x19C20];
	_ =	sdelay $0x2  }
0x324: {  	v2 =	vadd.f32 $-1.299999950e+00, v2  }
0x325: {  	v1 =	vadd.f32 v1, v1;
	v3 =	vadd.f32 $-1.299999950e+00, v3  }
0x326: {  	v4 =	vadd.f32 $-1.299999950e+00, v4;
	v2 =	vmul.f32 $7.692307820e-01, v2  }
0x327: {  	v1 =	vadd.f32 $-1.000000000e+00, v1;
	v3 =	vmul.f32 $7.692307820e-01, v3  }
0x328: {  	v4 =	vmul.f32 $7.692307820e-01, v4;
	v2 =	vsub.f32 $-1.000000000e+00, v2  }
0x329: {  	v1 =	vadd.f32 $-7.812500000e-03, v1;
	v3 =	vsub.f32 $-1.000000000e+00, v3  }
0x32a: {  	v4 =	vsub.f32 $-1.000000000e+00, v4;
	v2 =	vadd.f32 $-7.812500000e-03, v2  }
0x32b: {  	v1 =	vadd.f32 $1.000000000e+00, v1;
	v3 =	vadd.f32 $-7.812500000e-03, v3  }
0x32c: {  	v4 =	vadd.f32 $-7.812500000e-03, v4;
	v2 =	vadd.f32 $1.000000000e+00, v2  }
0x32d: {  	v1 =	vmul.f32 $5.000000000e-01, v1;
	v3 =	vadd.f32 $1.000000000e+00, v3  }
0x32e: {  	v4 =	vadd.f32 $1.000000000e+00, v4;
	v2 =	vmul.f32 $5.000000000e-01, v2  }
0x32f: {  	v1 =	vmul.f32 $6.300000000e+01, v1;
	v3 =	vmul.f32 $5.000000000e-01, v3  }
0x330: {  	v4 =	vmul.f32 $5.000000000e-01, v4;
	v2 =	vmul.f32 $1.270000000e+02, v2  }
0x331: {  	v1 =	vadd.f32 $5.000000000e-01, v1;
	v3 =	vmul.f32 $1.270000000e+02, v3  }
0x332: {  	v4 =	vmul.f32 $1.270000000e+02, v4;
	v2 =	vadd.f32 $5.000000000e-01, v2  }
0x333: {  	v1 =	vtrunc.f32 v1;
	v3 =	vadd.f32 $5.000000000e-01, v3  }
0x334: {  	v4 =	vadd.f32 $5.000000000e-01, v4;
	v1 =	vcvt.f32.s32 v1;
	v2 =	vtrunc.f32 v2  }
0x335: {  	v3 =	vtrunc.f32 v3;
	v2 =	vcvt.f32.s32 v2  }
0x336: {  	v4 =	vtrunc.f32 v4;
	vm0 =	vgt.s32 v1, $0x0;
	v3 =	vcvt.f32.s32 v3  }
0x337: {  	v4 =	vcvt.f32.s32 v4;
	v1 =	vnsel vm0, $0x0, v1;
	vm12 =	vgt.s32 v2, $0x0  }
0x338: {  	v1 =	vmin.u32 v1, $0x3F;
	vm13 =	vgt.s32 v3, $0x0;
	v2 =	vnsel vm12, $0x0, v2  }
0x339: {  	vm14 =	vgt.s32 v4, $0x0;
	v3 =	vnsel vm13, $0x0, v3;
	v2 =	vmin.u32 v2, $0x7F  }
0x33a: {  	v4 =	vnsel vm14, $0x0, v4;
	v3 =	vmin.u32 v3, $0x7F;
	v2 =	vshll.u32 v2, $0x6  }
0x33b: {  	v4 =	vmin.u32 v4, $0x7F;
	v3 =	vshll.u32 v3, $0x6;
	v2 =	vor.u32 v1, v2  }
0x33c: {  	[tilespmem:$0x19C40] =	vst v2;
	v2 =	vor.u32 v1, v3;
	v3 =	vshll.u32 v4, $0x6  }
0x33d: {  	[tilespmem:$0x19C50] =	vst v2;
	v1 =	vor.u32 v1, v3  }
0x33e: {  	s31 =	simm.s32 $0x19C40;
	s24 =	simm.s32 $0x19C70;
	[tilespmem:$0x19C60] =	vst v1  }
0x33f: {  	[tilespmem:s24], [sflag:$0x1] =	stream.indirect.gather [hbm4b:s6+s12], $0x20, s31, s12, $0xb8;
	[tilespmem:$0x1A2B0] =	vst v63  }
0x340: {  	_ =	swait.ge [sflag:s26], $0x200  }
0x341: {  	[sflag:s26] =	ssyncset.done $0x0  }
0x342: {  	s28 =	simm.s32 $0x19C50;
	s29 =	simm.s32 $0x19E70;
	[sflag:s26] =	ssyncadd.s32 $0xFFFFFE00  }
0x343: {  	[tilespmem:s29], [sflag:$0x1] =	stream.indirect.gather [hbm4b:s7+s12], $0x20, s28, s12, $0xb8;
	[tilespmem:$0x1A2B0] =	vst v63  }
0x344: {  	_ =	swait.ge [sflag:s26], $0x200  }
0x345: {  	[sflag:s26] =	ssyncset.done $0x0  }
0x346: {  	s30 =	simm.s32 $0x19C60;
	s31 =	simm.s32 $0x1A070;
	[sflag:s26] =	ssyncadd.s32 $0xFFFFFE00  }
0x347: {  	[tilespmem:s31], [sflag:$0x1] =	stream.indirect.gather [hbm4b:s8+s12], $0x20, s30, s12, $0xb8;
	[tilespmem:$0x1A2B0] =	vst v63  }
0x348: {  	_ =	swait.ge [sflag:s26], $0x200  }
0x349: {  	[sflag:s26] =	ssyncset.done $0x0  }
0x34a: {  	[sflag:s26] =	ssyncadd.s32 $0xFFFFFE00  }
0x34b: {  	v1 =	vld.idx.msk [tilespmem:v0+s23+$0x0], $0xffff;
	_ =	sdelay $0x2  }
0x34c: {  	v2 =	vld [tilespmem:$0x19E50]  }
0x34d: {  	v3 =	vld [tilespmem:$0x1A050]  }
0x34e: {  	v61 =	vld [tilespmem:$0x1A250];
	v1 =	vadd.f32 $-1.299999950e+00, v1  }
0x34f: {  	v5 =	vld [tilespmem:$0x19E60]  }
0x350: {  	v6 =	vld [tilespmem:$0x1A060];
	v1 =	vmul.f32 $7.692307820e-01, v1  }
0x351: {  	v7 =	vld [tilespmem:$0x11BE0]  }
0x352: {  	v8 =	vld [tilespmem:$0x1A260];
	v1 =	vsub.f32 $-1.000000000e+00, v1  }
0x353: {  	v2 =	vmul.f32 v3, v2  }
0x354: {  	v3 =	vld [tilespmem:$0x11BF0];
	v1 =	vadd.f32 $7.812500000e-03, v1  }
0x355: {  	v62 =	vmul.f32 v6, v5;
	v2 =	vmul.f32 v61, v2  }
0x356: {  	vm15 =	vgt.f32 v1, $1.000000000e+00  }
0x357: {  	v1 =	vmul.f32 v8, v62;
	v63 =	vsel vm15, v2, v7  }
0x358: {  	v2 =	vsel vm15, v7, v2;
	[tilespmem:$0x1A270] =	vst v63  }
0x359: {  	[tilespmem:$0x1A290] =	vst v2;
	v2 =	vsel vm15, v1, v3  }
0x35a: {  	v1 =	vsel vm15, v3, v1;
	[tilespmem:$0x1A280] =	vst v2  }
0x35b: {  	s29 =	simm.s32 $0x1A270;
	s28 =	rddreg [dreg:$0x6];
	[tilespmem:$0x1A2A0] =	vst v1  }
0x35c: {  	[hbm4b:s28+s3] =	stream.linear.scatter [tilespmem:s29], [sflag:$0x5], $0x20, $0x38;
	[tilespmem:$0x1A2B0] =	vst v63  }
0x35d: {  	_ =	swait.ge [sflag:s18], $0x20  }
0x35e: {  	s31 =	simm.s32 $0x1A290;
	[sflag:s18] =	ssyncset.done $0x0  }
.Ltmp18:
0x35f: {  	s30 =	rddreg [dreg:$0x7];
	[sflag:s18] =	ssyncadd.s32 $0xFFFFFFE0;
	(pc) =	sbr.rel .LBB2_27-.Ltmp18, $4  }
0x360: {  	[hbm4b:s30+s3] =	stream.linear.scatter [tilespmem:s31], [sflag:$0x5], $0x20, $0x38;
	[tilespmem:$0x1A2B0] =	vst v63  }
0x361: {  	_ =	swait.ge [sflag:s18], $0x20  }
0x362: {  	[sflag:s18] =	ssyncset.done $0x0  }
0x363: {  	[sflag:s18] =	ssyncadd.s32 $0xFFFFFFE0  }
.LBB2_28:
0x364: {  	_ =	sfence.sel $0x180000  }
0x365: {  	[bflag:$0x0] =	sbarrier.arrive $0xFFFF  }
0x366: {  	_ =	strace $0x90000047  }
0x367: {  	s0 =	stileid.u32;
	[bflag:$0x2] =	sbarrier.arrive $0xFFFF  }
0x368: {  	p0 =	sne.s32 s0, $0x0;
	s0 =	rddreg [dreg:$0x3]  }
0x369: {  	s0 =	sadd.s32 @!p0 $0x100000, s0  }
0x36a: {  	[sflag:s0] =	ssyncadd.tile.s32 @!p0 $0x1;
	_ =	shalt  }
.Lfunc_end2:
_tile_overlayer_lowered:
.L_overlay_start_2:
0x36b: {  	(tag) =	ssettag $0x2  }
0x36c: {  	s0 =	rddreg [dreg:$0x0];
	s2 =	stileid.u32  }
0x36d: {  	s1 =	rddreg [dreg:$0x1];
	p0 =	sne.s32 s2, $0x0  }
0x36e: {  	s3 =	rddreg [dreg:$0x2];
	[bflag:$0x3] =	sbarrier.arrive $0xFFFF;
	s2 =	simm.s32 @!p0 $0x1C05  }
0x36f: {  	[timem:s3], [sflag:s2] =	dma.local @!p0 [hbm:s0], s1  }
0x370: {  	s0 =	simm.s32 @!p0 $0x5  }
0x371: {  	_ =	swait.ge @!p0 [sflag:s0], s1  }
0x372: {  	s1 =	ssub.s32 @!p0 $0x0, s1;
	[sflag:s0] =	ssyncset.done @!p0 $0x0  }
0x373: {  	[sflag:s0] =	ssyncadd.s32 @!p0 s1  }
0x374: {  	[bflag:$0x3] =	sbarrier.arrive $0xFFFF  }
0x375: {  	_ =	shalt  }

// kernel: sparse-core-data-format-call.1.cloned.1.call-start
scs
called_computation.1_lowered:
.L_overlay_start_0:
0x0: {  	s2 =	sld [smem:$0x3FD9]  }
0x1: {  	s3 =	sld [smem:$0x3FFE];
	_ =	sdelay $0x1  }
0x2: {  	s1 =	srdreg.scid  }
0x3: {  	s0 =	sand.u32 $0x1, s1  }
0x4: {  	s16 =	sshll.u32 s0, $0xA;
	s2 =	sadd.s32 s3, s2  }
0x5: {  	s2 =	sadd.s32 s2, s16  }
0x6: {  	[smem:$0x3FC3] =	sst s2  }
0x7: {  	_ = 	snop  }
0x8: {  	s2 =	sld [smem:$0x3FD0];
	_ =	sdelay $0x2  }
0x9: {  	s17 =	simm.s32 $0xB;
	s4 =	simm.s32 $0x10  }
0xa: {  	[smem:s4], [sflag:s17] =	dma.local [hbm:s2], $0x1  }
0xb: {  	_ =	swait.eq [sflag:s17], $0x1  }
0xc: {  	[sflag:s17] =	ssyncset.done $0x0  }
0xd: {  	[sflag:s17] =	ssyncadd.s32 $0xFFFFFFFF  }
0xe: {  	s18 =	sld [smem:$0x10];
	(tm) =	ssettm $0x1  }
0xf: {  	s19 =	sld [smem:$0x3FFB];
	_ =	sdelay $0x3  }
0x10: {  	_ =	strace s19  }
0x11: {  	s2 =	sld [smem:$0x3FFC];
	_ =	sdelay $0x3  }
0x12: {  	_ =	strace s2  }
0x13: {  	s2 =	sld [smem:$0x3FFD];
	_ =	sdelay $0x3  }
0x14: {  	_ =	strace s2  }
0x15: {  	_ =	strace $0x8FFFFFFF  }
0x16: {  	s20 =	sld [smem:$0x3FDB];
	_ =	sdelay $0x1  }
0x17: {  	s21 =	simm.s32 $_scs_section_size  }
0x18: {  	s5 =	simm.s32 $_size__tile_overlayer_lowered;
	s6 =	simm.s32 $_tile_overlayer_lowered  }
0x19: {  	s7 =	simm.s32 $0x1BFF;
	s22 =	sshll.u32 s6, $0x1;
	s4 =	sadd.s32 s21, s20  }
0x1a: {  	s23 =	simm.s32 $0x0;
	s5 =	sshll.u32 s5, $0x1;
	s6 =	sadd.s32 s22, s4  }
0x1b: {  	[timem:s23], [sflag:s7] =	dma.local [hbm:s6], s5  }
0x1c: {  	_ =	swait.ge [sflag:s7], s5  }
0x1d: {  	s5 =	ssub.s32 $0x0, s5;
	[sflag:s7] =	ssyncset.done $0x0  }
0x1e: {  	[sflag:s7] =	ssyncadd.s32 s5;
	_ =	sdelay $0x1  }
0x1f: {  	s24 =	simm.s32 $0x1B8B  }
0x20: {  	_ =	swait.ge [sflag:s24], $0x1  }
0x21: {  	[sflag:s24] =	ssyncset.done $0x0  }
0x22: {  	[sflag:s24] =	ssyncadd.s32 $0xFFFFFFFF  }
0x23: {  	s5 =	sld [smem:$0x0]  }
0x24: {  	s6 =	sand.u32 $0xFFFFFFFE, s1  }
0x25: {  	p0 =	sne.s32 s1, s6  }
0x26: {  	s6 =	sshll.u32 @p0 s6, $0xE  }
0x27: {  	s6 =	sadd.s32 @p0 $0x11B8D, s6;
	s7 =	sshll.u32 @p0 s5, $0x11  }
0x28: {  	s6 =	sor.u32 @p0 s7, s6  }
0x29: {  	[sflag:s6] =	ssyncadd.remote.s32 @p0 $0x1;
	_ =	sdelay $0x1  }
0x2a: {  	s6 =	simm.s32 @p0 $0x1B8D  }
0x2b: {  	_ =	swait.eq @p0 [sflag:s6], $0x1  }
0x2c: {  	[sflag:s6] =	ssyncadd.s32 @p0 $0xFFFFFFFF  }
0x2d: {  	s7 =	sshll.u32 @!p0 s1, $0xE  }
0x2e: {  	s7 =	sor.u32 @!p0 $0x4000, s7;
	s6 =	simm.s32 @!p0 $0x1B8D  }
0x2f: {  	s5 =	sshll.u32 @!p0 s5, $0x11;
	s7 =	sadd.s32 @!p0 $0x11B8D, s7;
	_ =	swait.eq @!p0 [sflag:s6], $0x1  }
0x30: {  	s5 =	sor.u32 @!p0 s5, s7;
	[sflag:s6] =	ssyncadd.s32 @!p0 $0xFFFFFFFF  }
0x31: {  	s26 =	simm.s32 $0x1B8E;
	s25 =	sld [smem:$0x3FFE];
	[sflag:s5] =	ssyncadd.remote.s32 @!p0 $0x1  }
0x32: {  	s27 =	simm.s32 $execute0_lowered;
	[smem:$0x3FD2] =	sst s26  }
0x33: {  	s6 =	sshll.u32 s27, $0x1;
	_ =	strace $0x8000004C;
	[dreg:$0x1] =	wrdreg $0xFFFFFFFF  }
0x34: {  	s28 =	simm.s32 $_size_execute0_lowered;
	s4 =	sadd.s32 s4, s6;
	[dreg:$0x0] =	wrdreg $0x0  }
0x35: {  	s6 =	sshll.u32 s28, $0x1;
	[dreg:$0x2] =	wrdreg s4  }
0x36: {  	[dreg:$0x3] =	wrdreg s6  }
0x37: {  	[dreg:$0x4] =	wrdreg $0xC0  }
0x38: {  	_ =	task [dreg:s23], $0x5FFFF  }
0x39: {  	[dreg:$0x1] =	wrdreg $0xFFFFFFFF  }
0x3a: {  	[dreg:$0x0] =	wrdreg $0x60  }
0x3b: {  	[dreg:$0x2] =	wrdreg s25  }
0x3c: {  	[dreg:$0x3] =	wrdreg s18  }
0x3d: {  	[dreg:$0x4] =	wrdreg $0xA  }
0x3e: {  	_ =	task.clear_ibuf [dreg:s23], $0x5FFFF;
	_ =	strace $0x9000004C  }
0x3f: {  	s29 =	simm.s32 $0xA;
	_ =	strace $0x8000004E  }
0x40: {  	_ =	swait.ge [sflag:s29], $0x1  }
0x41: {  	[sflag:s29] =	ssyncadd.s32 $0xFFFFFFFF  }
0x42: {  	_ =	strace $0x9000004E  }
0x43: {  	_ =	sfence  }
0x44: {  	s30 =	sld [smem:$0x0];
	_ =	sdelay $0x2  }
0x45: {  	s31 =	sshll.u32 s1, $0xD;
	s1 =	sshrl.u32 s1, $0x2  }
0x46: {  	s4 =	sand.u32 $0x4000, s31;
	s1 =	sadd.s32 s1, s30  }
0x47: {  	s0 =	sor.u32 s4, s0;
	s1 =	sshll.u32 s1, $0x11  }
0x48: {  	s0 =	sor.u32 s1, s0  }
0x49: {  	s0 =	sadd.s32 $0x8F2B, s0  }
0x4a: {  	[sflag:s0] =	ssyncadd.remote.s32 $0x1  }
0x4b: {  	_ =	sfence.sel $0xFFFF  }
0x4c: {  	[dreg:$0x0] =	wrdreg $0xFFFFFFFF;
	(pc) =	sbr.abs _section_cstart, $3  }
0x4d: {  	[dreg:$0x1] =	wrdreg $0xFFFFFFFF  }
0x4e: {  	_ =	task.clear_ibuf [dreg:s23], $0x2FFFF;
	_ =	strace $0x9FFFFFFF  }
0x4f: {  	(tm) =	ssettm $0x7FFFFFFF  }
tec
execute0_lowered:
.L_overlay_start_1:
0x0: {  	(tag) =	ssettag $0x1  }
0x1: {  	s0 =	srdreg.scid  }
0x2: {  	s1 =	sshll.u32 s0, $0x4  }
0x3: {  	s4 =	rddreg [dreg:$0x0];
	s0 =	stileid.u32;
	s1 =	sand.u32 $0x10, s1  }
0x4: {  	s2 =	rddreg [dreg:$0x1];
	s7 =	simm.s32 $0x1;
	s1 =	sor.u32 s0, s1  }
0x5: {  	s8 =	simm.s32 $0x2;
	s11 =	simm.s32 $0x0;
	s3 =	sshll.u32 s1, $0x7  }
0x6: {  	s10 =	simm.s32 $0x0;
	s4 =	sadd.s32 $0x801E00, s4;
	s6 =	ssub.s32 $0x80000, s3  }
.Ltmp0:
0x7: {  	s1 =	rddreg [dreg:$0x2];
	s5 =	sand.u32 $0xF80, s6;
	(pc) =	sbr.rel .LBB1_1-.Ltmp0, $4  }
0x8: {  	_ =	strace $0x8000004D;
	s9 =	smov.u32 s3;
	p0 =	sne.s32 s5, $0x0  }
0x9: {  	s6 =	sshrl.u32 s6, $0xC;
	s5 =	simm.s32 $0x1;
	s7 =	simm.s32 @!p0 $0x0  }
0xa: {  	[sflag:s5] =	ssyncpa.u1 $0x0;
	p0 =	por $0x0, $0x0;
	s6 =	sadd.s32 s7, s6  }
0xb: {  	[sflag:s8] =	ssyncpa.u1 $0x0;
	s8 =	simm.s32 $0x400000;
	s7 =	sadd.s32 $0x1, s6  }
.LBB1_4:
0xc: {  	s13 =	sshll.u32 s11, $0x3  }
0xd: {  	s15 =	sand.u32 $0x78, s11;
	s13 =	sand.u32 $0x7FC00, s13  }
0xe: {  	s30 =	sand.u32 $0x1F0000, s11;
	s31 =	sand.u32 $0x7, s11;
	s13 =	sor.u32 s15, s13  }
0xf: {  	s11 =	sshll.u32 s31, $0x12;
	s15 =	sadd.s32 s2, s30;
	s13 =	sshrl.u32 s13, $0x3  }
0x10: {  	[tilespmem:s14+$0x0 ss:$0x81] =	vst.msk $0xffff, v0;
	s11 =	sor.u32 $0x400, s11;
	s13 =	sadd.s32 s13, s15  }
0x11: {  	[hbm4b:s13+s11] =	stream.strided.scatter [tilespmem:s12], [sflag:$0x2], $0x1000, s8, s11, $0x20;
	[tilespmem:$0x4040] =	vst v63  }
.LBB1_5:
0x12: {  	s13 =	sadd.s32 $0x1000, s9  }
0x13: {  	p2 =	sgt.s32 s13, $0x7FFFF  }
0x14: {  	s13 =	smov.u32 @p2 s3;
	p2 =	sne.s32 s10, s7  }
.Ltmp1:
0x15: {  	p1 =	slt.u32 s10, $0x2;
	(pc) =	sbr.rel @!p2 .LBB1_6-.Ltmp1, $4  }
0x16: {  	s12 =	simm.s32 @!p1 $0x2  }
0x17: {  	s14 =	sadd.s32 $0x1, s10;
	_ =	swait.ge @!p1 [sflag:s12], $0x1000  }
0x18: {  	s11 =	smov.u32 s9;
	p0 =	por !p0, !p0;
	[sflag:s12] =	ssyncset.done @!p1 $0x0  }
0x19: {  	s10 =	smov.u32 s14;
	s9 =	smov.u32 s13;
	[sflag:s12] =	ssyncadd.s32 @!p1 $0xFFFFF000  }
.LBB1_1:
0x1a: {  	p1 =	sge.u32 s10, s6  }
0x1b: {  	s31 =	sadd.s32 $0xFFFFFFFF, s10;
	s12 =	sxor.u32 @!p1 $0xFFFFFFFF, s10;
	s13 =	sshll.u32 @!p1 s9, $0x4  }
0x1c: {  	s14 =	simm.s32 @!p1 $0x20;
	s12 =	sshll.u32 @!p1 s12, $0xC;
	s13 =	sand.u32 @!p1 $0x7FFFF0, s13  }
0x1d: {  	s15 =	simm.s32 @!p1 $0x80;
	s12 =	sand.u32 @!p1 $0x1000, s12;
	s13 =	sadd.s32 @!p1 s4, s13  }
0x1e: {  	[tilespmem:s12], [sflag:$0x1] =	stream.strided.gather @!p1 [hbm4b:s13+s14], $0x1000, s15, s14, $0x38;
	[tilespmem:$0x4040] =	vst v63  }
0x1f: {  	p1 =	sge.u32 s31, s6  }
.Ltmp2:
0x20: {  	_ = 	snop;
	(pc) =	sbr.rel @p1 .LBB1_5-.Ltmp2, $1  }
0x21: {  	_ =	sdelay $0x3  }
0x22: {  	s12 =	simm.s32 $0x1  }
0x23: {  	_ =	swait.ge [sflag:s5], $0x1000;
	s12 =	simm.s32 @!p0 $0x0  }
0x24: {  	[sflag:s5] =	ssyncset.done $0x0;
	s13 =	sshll.u32 s12, $0xC  }
0x25: {  	[sflag:s5] =	ssyncadd.s32 $0xFFFFF000;
	s16 =	sor.u32 $0x10, s13  }
0x26: {  	s12 =	smul.u32 $0x4080, s12;
	v1 =	vld [tilespmem:s16+$0x0]  }
0x27: {  	s30 =	sand.u32 $0x1, s10;
	v0 =	vld [tilespmem:s16+$0xFFFFFFF0]  }
0x28: {  	s14 =	smul.u32 $0x4080, s30;
	s12 =	sshrl.u32 s12, $0x2  }
0x29: {  	s13 =	sor.u32 $0x2000, s12  }
0x2a: {  	s31 =	sshrl.u32 s14, $0x2;
	s14 =	sadd.s32 $0x0, s13  }
0x2b: {  	s15 =	simm.s32 $0x4;
	s16 =	sadd.s32 $0x20, s16;
	s12 =	sor.u32 $0x2000, s31;
	[tilespmem:s14+$0x810 ss:$0x81] =	vst.msk $0xffff, v1  }
.LBB1_3:
0x2c: {  	v1 =	vld [tilespmem:s16+$0x0];
	p1 =	sne.s32 s15, $0x1FC;
	[tilespmem:s14+$0x0 ss:$0x81] =	vst.msk $0xffff, v0;
	s14 =	smov.u32 s15;
	s15 =	sadd.s32 $0x4, s15  }
.Ltmp3:
0x2d: {  	v0 =	vld [tilespmem:s16+$0xFFFFFFF0];
	(pc) =	sbr.rel @p1 .LBB1_3-.Ltmp3, $4  }
0x2e: {  	_ = 	snop  }
0x2f: {  	s14 =	sshra.s32 s14, $0x2  }
0x30: {  	s14 =	sadd.s32 s14, s13  }
0x31: {  	s16 =	sadd.s32 $0x20, s16;
	[tilespmem:s14+$0x810 ss:$0x81] =	vst.msk $0xffff, v1  }
.Ltmp4:
0x32: {  	_ = 	snop;
	(pc) =	sbr.rel .LBB1_4-.Ltmp4, $1  }
0x33: {  	_ =	sdelay $0x3  }
.LBB1_6:
0x34: {  	_ =	sfence.sel $0x180000  }
0x35: {  	s2 =	simm.s32 $0x1;
	[bflag:$0x0] =	sbarrier.arrive $0xFFFF  }
0x36: {  	s31 =	simm.s32 $0x2;
	[sflag:s2] =	ssyncpa.u1 $0x1  }
0x37: {  	[sflag:s31] =	ssyncpa.u1 $0x1  }
0x38: {  	p0 =	sne.s32 s0, $0x0;
	_ =	strace $0x9000004D  }
0x39: {  	s0 =	sadd.s32 @!p0 $0x100000, s1;
	[bflag:$0x2] =	sbarrier.arrive $0xFFFF  }
0x3a: {  	[sflag:s0] =	ssyncadd.tile.s32 @!p0 $0x1;
	_ =	shalt  }
.Lfunc_end1:
_tile_overlayer_lowered:
.L_overlay_start_2:
0x3b: {  	(tag) =	ssettag $0x2  }
0x3c: {  	s0 =	rddreg [dreg:$0x0];
	s2 =	stileid.u32  }
0x3d: {  	s1 =	rddreg [dreg:$0x1];
	p0 =	sne.s32 s2, $0x0  }
0x3e: {  	s3 =	rddreg [dreg:$0x2];
	[bflag:$0x3] =	sbarrier.arrive $0xFFFF;
	s2 =	simm.s32 @!p0 $0x1C01  }
0x3f: {  	[timem:s3], [sflag:s2] =	dma.local @!p0 [hbm:s0], s1  }
0x40: {  	s0 =	simm.s32 @!p0 $0x1  }
0x41: {  	_ =	swait.ge @!p0 [sflag:s0], s1  }
0x42: {  	s1 =	ssub.s32 @!p0 $0x0, s1;
	[sflag:s0] =	ssyncset.done @!p0 $0x0  }
0x43: {  	[sflag:s0] =	ssyncadd.s32 @!p0 s1  }
0x44: {  	[bflag:$0x3] =	sbarrier.arrive $0xFFFF  }
0x45: {  	_ =	shalt  }

// kernel: sparse-core-data-format-call.cloned.1.call-start
scs
called_computation_lowered:
.L_overlay_start_0:
0x0: {  	s2 =	sld [smem:$0x3FD9]  }
0x1: {  	s3 =	sld [smem:$0x3FFE];
	_ =	sdelay $0x1  }
0x2: {  	s1 =	srdreg.scid  }
0x3: {  	s0 =	sand.u32 $0x1, s1  }
0x4: {  	s15 =	sshll.u32 s0, $0xA;
	s2 =	sadd.s32 s3, s2  }
0x5: {  	s2 =	sadd.s32 s2, s15  }
0x6: {  	[smem:$0x3FC3] =	sst s2  }
0x7: {  	_ = 	snop  }
0x8: {  	s2 =	sld [smem:$0x3FD0];
	_ =	sdelay $0x2  }
0x9: {  	s16 =	simm.s32 $0xB;
	s4 =	simm.s32 $0x10  }
0xa: {  	[smem:s4], [sflag:s16] =	dma.local [hbm:s2], $0x1  }
0xb: {  	_ =	swait.eq [sflag:s16], $0x1  }
0xc: {  	[sflag:s16] =	ssyncset.done $0x0  }
0xd: {  	[sflag:s16] =	ssyncadd.s32 $0xFFFFFFFF  }
0xe: {  	s17 =	sld [smem:$0x11];
	(tm) =	ssettm $0x1  }
0xf: {  	s18 =	sld [smem:$0x3FFB];
	_ =	sdelay $0x3  }
0x10: {  	_ =	strace s18  }
0x11: {  	s3 =	sld [smem:$0x3FFC];
	_ =	sdelay $0x3  }
0x12: {  	_ =	strace s3  }
0x13: {  	s3 =	sld [smem:$0x3FFD];
	_ =	sdelay $0x3  }
0x14: {  	_ =	strace s3  }
0x15: {  	_ =	strace $0x8FFFFFFF  }
0x16: {  	s19 =	sld [smem:$0x3FDB];
	_ =	sdelay $0x1  }
0x17: {  	s20 =	simm.s32 $_scs_section_size  }
0x18: {  	s5 =	simm.s32 $_size__tile_overlayer_lowered;
	s6 =	simm.s32 $_tile_overlayer_lowered  }
0x19: {  	s23 =	simm.s32 $0x1BFF;
	s22 =	sshll.u32 s6, $0x1;
	s3 =	sadd.s32 s20, s19  }
0x1a: {  	s7 =	simm.s32 $0x0;
	s21 =	sshll.u32 s5, $0x1;
	s5 =	sadd.s32 s22, s3  }
0x1b: {  	[timem:s7], [sflag:s23] =	dma.local [hbm:s5], s21  }
0x1c: {  	_ =	swait.ge [sflag:s23], s21  }
0x1d: {  	s4 =	ssub.s32 $0x0, s21;
	[sflag:s23] =	ssyncset.done $0x0  }
0x1e: {  	[sflag:s23] =	ssyncadd.s32 s4;
	_ =	sdelay $0x1  }
0x1f: {  	s24 =	simm.s32 $0x1B8B  }
0x20: {  	_ =	swait.ge [sflag:s24], $0x1  }
0x21: {  	[sflag:s24] =	ssyncset.done $0x0  }
0x22: {  	s26 =	simm.s32 $0x1B8E;
	s25 =	sld [smem:$0x3FFE];
	[sflag:s24] =	ssyncadd.s32 $0xFFFFFFFF  }
0x23: {  	s27 =	simm.s32 $execute0_lowered;
	[smem:$0x3FD2] =	sst s26  }
0x24: {  	s5 =	sshll.u32 s27, $0x1;
	_ =	strace $0x80000049;
	[dreg:$0x1] =	wrdreg $0xFFFFFFFF  }
0x25: {  	s28 =	simm.s32 $_size_execute0_lowered;
	s3 =	sadd.s32 s3, s5;
	[dreg:$0x0] =	wrdreg $0x0  }
0x26: {  	s5 =	sshll.u32 s28, $0x1;
	[dreg:$0x2] =	wrdreg s3  }
0x27: {  	[dreg:$0x3] =	wrdreg s5  }
0x28: {  	[dreg:$0x4] =	wrdreg $0xC0  }
0x29: {  	_ =	task [dreg:s7], $0x5FFFF  }
0x2a: {  	[dreg:$0x1] =	wrdreg $0xFFFFFFFF  }
0x2b: {  	[dreg:$0x0] =	wrdreg $0x60  }
0x2c: {  	[dreg:$0x2] =	wrdreg s25  }
0x2d: {  	[dreg:$0x3] =	wrdreg s17  }
0x2e: {  	[dreg:$0x4] =	wrdreg $0x9  }
0x2f: {  	_ =	task.clear_ibuf [dreg:s7], $0x5FFFF;
	_ =	strace $0x90000049  }
0x30: {  	s29 =	simm.s32 $0x9;
	_ =	strace $0x8000004B  }
0x31: {  	_ =	swait.ge [sflag:s29], $0x1  }
0x32: {  	[sflag:s29] =	ssyncadd.s32 $0xFFFFFFFF  }
0x33: {  	_ =	strace $0x9000004B  }
0x34: {  	_ =	sfence  }
0x35: {  	s30 =	sld [smem:$0x0];
	_ =	sdelay $0x2  }
0x36: {  	s31 =	sshll.u32 s1, $0xD;
	s1 =	sshrl.u32 s1, $0x2  }
0x37: {  	s3 =	sand.u32 $0x4000, s31;
	s1 =	sadd.s32 s1, s30  }
0x38: {  	s0 =	sor.u32 s3, s0;
	s1 =	sshll.u32 s1, $0x11  }
0x39: {  	s0 =	sor.u32 s1, s0  }
0x3a: {  	s0 =	sadd.s32 $0x8F2B, s0  }
0x3b: {  	[sflag:s0] =	ssyncadd.remote.s32 $0x1  }
0x3c: {  	_ =	sfence.sel $0xFFFF  }
0x3d: {  	[dreg:$0x0] =	wrdreg $0xFFFFFFFF;
	(pc) =	sbr.abs _section_cstart, $3  }
0x3e: {  	[dreg:$0x1] =	wrdreg $0xFFFFFFFF  }
0x3f: {  	_ =	task.clear_ibuf [dreg:s7], $0x2FFFF;
	_ =	strace $0x9FFFFFFF  }
0x40: {  	(tm) =	ssettm $0x7FFFFFFF  }
0x41: {  	_ =	shalt  }
tec
execute0_lowered:
.L_overlay_start_1:
0x0: {  	(tag) =	ssettag $0x1  }
0x1: {  	s0 =	srdreg.scid  }
0x2: {  	s1 =	sshll.u32 s0, $0x4  }
0x3: {  	s4 =	rddreg [dreg:$0x0];
	s0 =	stileid.u32;
	s1 =	sand.u32 $0x10, s1  }
0x4: {  	s2 =	rddreg [dreg:$0x1];
	s7 =	simm.s32 $0x1;
	s1 =	sor.u32 s0, s1  }
0x5: {  	s8 =	simm.s32 $0x2;
	s11 =	simm.s32 $0x0;
	s3 =	sshll.u32 s1, $0x7  }
0x6: {  	s10 =	simm.s32 $0x0;
	s4 =	sadd.s32 $0x1E00, s4;
	s6 =	ssub.s32 $0x80000, s3  }
.Ltmp0:
0x7: {  	s1 =	rddreg [dreg:$0x2];
	s5 =	sand.u32 $0xF80, s6;
	(pc) =	sbr.rel .LBB1_1-.Ltmp0, $4  }
0x8: {  	_ =	strace $0x8000004A;
	s9 =	smov.u32 s3;
	p0 =	sne.s32 s5, $0x0  }
0x9: {  	s6 =	sshrl.u32 s6, $0xC;
	s5 =	simm.s32 $0x1;
	s7 =	simm.s32 @!p0 $0x0  }
0xa: {  	[sflag:s5] =	ssyncpa.u1 $0x0;
	p0 =	por $0x0, $0x0;
	s6 =	sadd.s32 s7, s6  }
0xb: {  	[sflag:s8] =	ssyncpa.u1 $0x0;
	s8 =	simm.s32 $0x400000;
	s7 =	sadd.s32 $0x1, s6  }
.LBB1_4:
0xc: {  	s13 =	sshll.u32 s11, $0x3  }
0xd: {  	s15 =	sand.u32 $0x78, s11;
	s13 =	sand.u32 $0x7FC00, s13  }
0xe: {  	s30 =	sand.u32 $0x1F0000, s11;
	s31 =	sand.u32 $0x7, s11;
	s13 =	sor.u32 s15, s13  }
0xf: {  	s11 =	sshll.u32 s31, $0x12;
	s15 =	sadd.s32 s2, s30;
	s13 =	sshrl.u32 s13, $0x3  }
0x10: {  	[tilespmem:s14+$0x0 ss:$0x81] =	vst.msk $0xffff, v0;
	s11 =	sor.u32 $0x400, s11;
	s13 =	sadd.s32 s13, s15  }
0x11: {  	[hbm4b:s13+s11] =	stream.strided.scatter [tilespmem:s12], [sflag:$0x2], $0x1000, s8, s11, $0x20;
	[tilespmem:$0x4040] =	vst v63  }
.LBB1_5:
0x12: {  	s13 =	sadd.s32 $0x1000, s9  }
0x13: {  	p2 =	sgt.s32 s13, $0x7FFFF  }
0x14: {  	s13 =	smov.u32 @p2 s3;
	p2 =	sne.s32 s10, s7  }
.Ltmp1:
0x15: {  	p1 =	slt.u32 s10, $0x2;
	(pc) =	sbr.rel @!p2 .LBB1_6-.Ltmp1, $4  }
0x16: {  	s12 =	simm.s32 @!p1 $0x2  }
0x17: {  	s14 =	sadd.s32 $0x1, s10;
	_ =	swait.ge @!p1 [sflag:s12], $0x1000  }
0x18: {  	s11 =	smov.u32 s9;
	p0 =	por !p0, !p0;
	[sflag:s12] =	ssyncset.done @!p1 $0x0  }
0x19: {  	s10 =	smov.u32 s14;
	s9 =	smov.u32 s13;
	[sflag:s12] =	ssyncadd.s32 @!p1 $0xFFFFF000  }
.LBB1_1:
0x1a: {  	p1 =	sge.u32 s10, s6  }
0x1b: {  	s31 =	sadd.s32 $0xFFFFFFFF, s10;
	s12 =	sxor.u32 @!p1 $0xFFFFFFFF, s10;
	s13 =	sshll.u32 @!p1 s9, $0x4  }
0x1c: {  	s14 =	simm.s32 @!p1 $0x20;
	s12 =	sshll.u32 @!p1 s12, $0xC;
	s13 =	sand.u32 @!p1 $0x7FFFF0, s13  }
0x1d: {  	s15 =	simm.s32 @!p1 $0x80;
	s12 =	sand.u32 @!p1 $0x1000, s12;
	s13 =	sadd.s32 @!p1 s4, s13  }
0x1e: {  	[tilespmem:s12], [sflag:$0x1] =	stream.strided.gather @!p1 [hbm4b:s13+s14], $0x1000, s15, s14, $0x38;
	[tilespmem:$0x4040] =	vst v63  }
0x1f: {  	p1 =	sge.u32 s31, s6  }
.Ltmp2:
0x20: {  	_ = 	snop;
	(pc) =	sbr.rel @p1 .LBB1_5-.Ltmp2, $1  }
0x21: {  	_ =	sdelay $0x3  }
0x22: {  	s12 =	simm.s32 $0x1  }
0x23: {  	_ =	swait.ge [sflag:s5], $0x1000;
	s12 =	simm.s32 @!p0 $0x0  }
0x24: {  	[sflag:s5] =	ssyncset.done $0x0;
	s13 =	sshll.u32 s12, $0xC  }
0x25: {  	[sflag:s5] =	ssyncadd.s32 $0xFFFFF000;
	s16 =	sor.u32 $0x10, s13  }
0x26: {  	s12 =	smul.u32 $0x4080, s12;
	v1 =	vld [tilespmem:s16+$0x0]  }
0x27: {  	s30 =	sand.u32 $0x1, s10;
	v0 =	vld [tilespmem:s16+$0xFFFFFFF0]  }
0x28: {  	s14 =	smul.u32 $0x4080, s30;
	s12 =	sshrl.u32 s12, $0x2  }
0x29: {  	s13 =	sor.u32 $0x2000, s12  }
0x2a: {  	s31 =	sshrl.u32 s14, $0x2;
	s14 =	sadd.s32 $0x0, s13  }
0x2b: {  	s15 =	simm.s32 $0x4;
	s16 =	sadd.s32 $0x20, s16;
	s12 =	sor.u32 $0x2000, s31;
	[tilespmem:s14+$0x810 ss:$0x81] =	vst.msk $0xffff, v1  }
.LBB1_3:
0x2c: {  	v1 =	vld [tilespmem:s16+$0x0];
	p1 =	sne.s32 s15, $0x1FC;
	[tilespmem:s14+$0x0 ss:$0x81] =	vst.msk $0xffff, v0;
	s14 =	smov.u32 s15;
	s15 =	sadd.s32 $0x4, s15  }
.Ltmp3:
0x2d: {  	v0 =	vld [tilespmem:s16+$0xFFFFFFF0];
	(pc) =	sbr.rel @p1 .LBB1_3-.Ltmp3, $4  }
0x2e: {  	_ = 	snop  }
0x2f: {  	s14 =	sshra.s32 s14, $0x2  }
0x30: {  	s14 =	sadd.s32 s14, s13  }
0x31: {  	s16 =	sadd.s32 $0x20, s16;
	[tilespmem:s14+$0x810 ss:$0x81] =	vst.msk $0xffff, v1  }
.Ltmp4:
0x32: {  	_ = 	snop;
	(pc) =	sbr.rel .LBB1_4-.Ltmp4, $1  }
0x33: {  	_ =	sdelay $0x3  }
.LBB1_6:
0x34: {  	_ =	sfence.sel $0x180000  }
0x35: {  	s2 =	simm.s32 $0x1;
	[bflag:$0x0] =	sbarrier.arrive $0xFFFF  }
0x36: {  	s31 =	simm.s32 $0x2;
	[sflag:s2] =	ssyncpa.u1 $0x1  }
0x37: {  	[sflag:s31] =	ssyncpa.u1 $0x1  }
0x38: {  	p0 =	sne.s32 s0, $0x0;
	_ =	strace $0x9000004A  }
0x39: {  	s0 =	sadd.s32 @!p0 $0x100000, s1;
	[bflag:$0x2] =	sbarrier.arrive $0xFFFF  }
0x3a: {  	[sflag:s0] =	ssyncadd.tile.s32 @!p0 $0x1;
	_ =	shalt  }
.Lfunc_end1:
_tile_overlayer_lowered:
.L_overlay_start_2:
0x3b: {  	(tag) =	ssettag $0x2  }
0x3c: {  	s0 =	rddreg [dreg:$0x0];
	s2 =	stileid.u32  }
0x3d: {  	s1 =	rddreg [dreg:$0x1];
	p0 =	sne.s32 s2, $0x0  }
0x3e: {  	s3 =	rddreg [dreg:$0x2];
	[bflag:$0x3] =	sbarrier.arrive $0xFFFF;
	s2 =	simm.s32 @!p0 $0x1C01  }
0x3f: {  	[timem:s3], [sflag:s2] =	dma.local @!p0 [hbm:s0], s1  }
0x40: {  	s0 =	simm.s32 @!p0 $0x1  }
0x41: {  	_ =	swait.ge @!p0 [sflag:s0], s1  }
0x42: {  	s1 =	ssub.s32 @!p0 $0x0, s1;
	[sflag:s0] =	ssyncset.done @!p0 $0x0  }
0x43: {  	[sflag:s0] =	ssyncadd.s32 @!p0 s1  }
0x44: {  	[bflag:$0x3] =	sbarrier.arrive $0xFFFF  }
0x45: {  	_ =	shalt  }

</sc_bundles>
